<compile_context>
chip_gen: v7x
topology: tpu7x:2x2x1
jax: 0.10.2.dev20260603
libtpu: 0.0.44.dev20260713+nightly
codegen_flags: <defaults>
</compile_context>

<pallas_src>
import functools
import math

import jax
import jax.numpy as jnp
from jax import lax
from jax.experimental import pallas as pl
from jax.experimental.pallas import tpu as pltpu
from jax.experimental.pallas import tpu_sc as plsc

NC = 2
NS = 16
LANES = 16


def _qkv_body(x_ref, wq_ref, wk_ref, wv_ref, b3_ref, q_ref, k_ref, v_ref):
    xb = x_ref[...]
    hi = lax.Precision.HIGHEST
    q_ref[...] = jnp.dot(xb, wq_ref[...], preferred_element_type=jnp.float32,
                         precision=hi) + b3_ref[0:1, :]
    k_ref[...] = jnp.dot(xb, wk_ref[...], preferred_element_type=jnp.float32,
                         precision=hi) + b3_ref[1:2, :]
    v_ref[...] = jnp.dot(xb, wv_ref[...], preferred_element_type=jnp.float32,
                         precision=hi) + b3_ref[2:3, :]


def _qkv_proj(x, Wq, Wk, Wv, b3):
    N, D = x.shape
    BN = 2000
    return pl.pallas_call(
        _qkv_body,
        grid=(N // BN,),
        in_specs=[
            pl.BlockSpec((BN, D), lambda i: (i, 0)),
            pl.BlockSpec((D, D), lambda i: (0, 0)),
            pl.BlockSpec((D, D), lambda i: (0, 0)),
            pl.BlockSpec((D, D), lambda i: (0, 0)),
            pl.BlockSpec((3, D), lambda i: (0, 0)),
        ],
        out_specs=[pl.BlockSpec((BN, D), lambda i: (i, 0))] * 3,
        out_shape=[jax.ShapeDtypeStruct((N, D), jnp.float32)] * 3,
    )(x, Wq, Wk, Wv, b3)


def _edge_body(C, H, HD, D, q_hbm, k_hbm, v_hbm, src_hbm, dst_hbm, attr_hbm,
               zeros_hbm, acc0_hbm, acc1_hbm, z_hbm,
               idx_s, idx_d, qd, kvb, vb, attr_v, acc_sh,
               sem0, sem1, sem2):
    c = lax.axis_index("c")
    s = lax.axis_index("s")
    wid = s * NC + c
    N = q_hbm.shape[0]
    E = src_hbm.shape[0]
    ept = E // (NC * NS)
    nchunks = ept // C
    R = (N // NS) // 8 * 8
    rem0, rem = NS * R, N - NS * R
    inv = 1.0 / math.sqrt(HD)

    r0 = s * R
    pltpu.sync_copy(zeros_hbm.at[pl.ds(r0, R)], acc_sh.at[pl.ds(r0, R)])
    if rem:
        @pl.when(s == NS - 1)
        def _():
            pltpu.sync_copy(zeros_hbm.at[pl.ds(rem0, rem)],
                            acc_sh.at[pl.ds(rem0, rem)])
    plsc.subcore_barrier()

    lane = lax.iota(jnp.int32, LANES)

    def chunk_body(g, zcarry):
        base = wid * ept + g * C
        ca = pltpu.async_copy(src_hbm.at[pl.ds(base, C)], idx_s, sem0)
        cb = pltpu.async_copy(dst_hbm.at[pl.ds(base, C)], idx_d, sem1)
        cc = pltpu.async_copy(attr_hbm.at[pl.ds(base * H, C * H)], attr_v, sem2)
        ca.wait()
        cb.wait()
        cc.wait()
        cp0 = pltpu.async_copy(q_hbm.at[idx_d], qd, sem0)
        cp1 = pltpu.async_copy(k_hbm.at[idx_s], kvb, sem1)
        cp2 = pltpu.async_copy(v_hbm.at[idx_s], vb, sem2)
        cp0.wait()
        cp1.wait()

        def group_body(gg, zc):
            rows = gg * LANES + lane
            zs = []
            for h in range(H):
                acc = jnp.zeros((LANES,), jnp.float32)
                for col in range(HD):
                    cidx = jnp.full((LANES,), h * HD + col, jnp.int32)
                    qv = plsc.load_gather(qd, [rows, cidx])
                    kv = plsc.load_gather(kvb, [rows, cidx])
                    acc = acc + qv * kv
                fidx = rows * H + h
                a = plsc.load_gather(attr_v, [fidx])
                w = jnp.exp(acc * inv * a)
                plsc.store_scatter(attr_v, [fidx], w)
                zs.append(zc[h] + w)
            return tuple(zs)

        zcarry = lax.fori_loop(0, C // LANES, group_body, zcarry)

        cp2.wait()

        def edge_body(e, carry):
            for h in range(H):
                widx = jnp.full((LANES,), 0, jnp.int32) + (e * H + h)
                w = plsc.load_gather(attr_v, [widx])
                for t in range(HD // LANES):
                    sl = pl.ds(h * HD + t * LANES, LANES)
                    vb[e, sl] = w * vb[e, sl]
            return carry

        lax.fori_loop(0, C, edge_body, 0)
        pltpu.sync_copy(vb, acc_sh.at[idx_d], add=True)
        return zcarry

    z0 = jnp.zeros((LANES,), jnp.float32)
    zcarry = lax.fori_loop(0, nchunks, chunk_body, (z0,) * H)

    for h in range(H):
        qd[0, pl.ds(h * HD, LANES)] = zcarry[h]
        for t in range(1, HD // LANES):
            qd[0, pl.ds(h * HD + t * LANES, LANES)] = jnp.zeros(
                (LANES,), jnp.float32)
    pltpu.sync_copy(qd.at[0, :], z_hbm.at[pl.ds(wid * D, D)])

    plsc.subcore_barrier()

    @pl.when(c == 0)
    def _():
        pltpu.sync_copy(acc_sh.at[pl.ds(r0, R)], acc0_hbm.at[pl.ds(r0, R)])
        if rem:
            @pl.when(s == NS - 1)
            def _():
                pltpu.sync_copy(acc_sh.at[pl.ds(rem0, rem)],
                                acc0_hbm.at[pl.ds(rem0, rem)])

    @pl.when(c == 1)
    def _():
        pltpu.sync_copy(acc_sh.at[pl.ds(r0, R)], acc1_hbm.at[pl.ds(r0, R)])
        if rem:
            @pl.when(s == NS - 1)
            def _():
                pltpu.sync_copy(acc_sh.at[pl.ds(rem0, rem)],
                                acc1_hbm.at[pl.ds(rem0, rem)])


def _edge_pass(q, k, v, src, dst, attr, zeros, H):
    N, D = q.shape
    E = src.shape[0]
    HD = D // H
    C = 80
    mesh = plsc.VectorSubcoreMesh(core_axis_name="c", subcore_axis_name="s",
                                  num_cores=NC, num_subcores=NS)
    fn = pl.kernel(
        functools.partial(_edge_body, C, H, HD, D),
        out_type=[
            jax.ShapeDtypeStruct((N, D), jnp.float32),
            jax.ShapeDtypeStruct((N, D), jnp.float32),
            jax.ShapeDtypeStruct((NC * NS * D,), jnp.float32),
        ],
        mesh=mesh,
        compiler_params=pltpu.CompilerParams(needs_layout_passes=False),
        scratch_types=[
            pltpu.VMEM((C,), jnp.int32),
            pltpu.VMEM((C,), jnp.int32),
            pltpu.VMEM((C, D), jnp.float32),
            pltpu.VMEM((C, D), jnp.float32),
            pltpu.VMEM((C, D), jnp.float32),
            pltpu.VMEM((C * H,), jnp.float32),
            pltpu.VMEM_SHARED((N, D), jnp.float32),
            pltpu.SemaphoreType.DMA,
            pltpu.SemaphoreType.DMA,
            pltpu.SemaphoreType.DMA,
        ],
    )
    return fn(q, k, v, src, dst, attr, zeros)


def _out_body(HD, acc0_ref, acc1_ref, z_ref, wo_ref, bo_ref, g_ref, b_ref,
              o_ref):
    D = acc0_ref.shape[1]
    hi = lax.Precision.HIGHEST
    zt = jnp.sum(z_ref[...], axis=0, keepdims=True)
    ri = lax.broadcasted_iota(jnp.int32, (D, D), 0) // HD
    ci = lax.broadcasted_iota(jnp.int32, (D, D), 1) // HD
    blk = (ri == ci).astype(jnp.float32)
    zrow = jnp.dot(zt, blk, preferred_element_type=jnp.float32, precision=hi)
    u = (acc0_ref[...] + acc1_ref[...]) / zrow
    o = jnp.dot(u, wo_ref[...], preferred_element_type=jnp.float32,
                precision=hi) + bo_ref[...]
    mean = jnp.mean(o, axis=1, keepdims=True)
    var = jnp.mean((o - mean) ** 2, axis=1, keepdims=True)
    o_ref[...] = (o - mean) * lax.rsqrt(var + 1e-5) * g_ref[...] + b_ref[...]


def _out_pass(acc0, acc1, zp, Wo, bo, gamma, beta, HD):
    N, D = acc0.shape
    T = zp.shape[0]
    BN = 2000
    return pl.pallas_call(
        functools.partial(_out_body, HD),
        grid=(N // BN,),
        in_specs=[
            pl.BlockSpec((BN, D), lambda i: (i, 0)),
            pl.BlockSpec((BN, D), lambda i: (i, 0)),
            pl.BlockSpec((T, D), lambda i: (0, 0)),
            pl.BlockSpec((D, D), lambda i: (0, 0)),
            pl.BlockSpec((1, D), lambda i: (0, 0)),
            pl.BlockSpec((1, D), lambda i: (0, 0)),
            pl.BlockSpec((1, D), lambda i: (0, 0)),
        ],
        out_specs=pl.BlockSpec((BN, D), lambda i: (i, 0)),
        out_shape=jax.ShapeDtypeStruct((N, D), jnp.float32),
    )(acc0, acc1, zp, Wo, bo, gamma, beta)


def kernel(x, edge_index, edge_attr, Wq, bq, Wk, bk, Wv, bv, Wo, bo, gamma, beta):
    N, D = x.shape
    H = edge_attr.shape[1]
    src = edge_index[0].astype(jnp.int32)
    dst = edge_index[1].astype(jnp.int32)
    b3 = jnp.stack([bq, bk, bv])
    q, k, v = _qkv_proj(x, Wq, Wk, Wv, b3)
    zeros = jnp.zeros((N, D), jnp.float32)
    acc0, acc1, zp = _edge_pass(q, k, v, src, dst, edge_attr.reshape(-1),
                                zeros, H)
    zp = zp.reshape(NC * NS, D)
    return _out_pass(acc0, acc1, zp, Wo, bo[None, :], gamma[None, :],
                     beta[None, :], D // H)

# --- scband reference (transcript-rebuilt; emitter-appended) ---
"""Pipeline reference for scband-graph-conv-layer-1297080123525 (READ-ONLY COPY).

The authoritative reference and input builder live on the scoring server;
editing this copy changes nothing except your own understanding.
"""

import jax, jax.numpy as jnp
import numpy as np

N = 10000
E = 320000
D = 128
H = 4
HD = D // H


def setup_inputs(seed: int = 0) -> dict:
    key = jax.random.key(seed)
    ks = jax.random.split(key, 12)
    x = jax.random.normal(ks[0], (N, D), dtype=jnp.float32)
    edge_index = jax.random.randint(ks[1], (2, E), 0, N)
    edge_attr = jax.random.normal(ks[2], (E, H), dtype=jnp.float32)
    w = lambda k, shape: (jax.random.normal(k, shape, dtype=jnp.float32) * 0.02)
    Wq = w(ks[3], (D, D)); bq = jnp.zeros((D,), jnp.float32)
    Wk = w(ks[4], (D, D)); bk = jnp.zeros((D,), jnp.float32)
    Wv = w(ks[5], (D, D)); bv = jnp.zeros((D,), jnp.float32)
    Wo = w(ks[6], (D, D)); bo = jnp.zeros((D,), jnp.float32)
    gamma = jnp.ones((D,), jnp.float32)
    beta = jnp.zeros((D,), jnp.float32)
    return {"x": x, "edge_index": edge_index, "edge_attr": edge_attr,
            "Wq": Wq, "bq": bq, "Wk": Wk, "bk": bk, "Wv": Wv, "bv": bv,
            "Wo": Wo, "bo": bo, "gamma": gamma, "beta": beta}


def reference(x, edge_index, edge_attr, Wq, bq, Wk, bk, Wv, bv, Wo, bo, gamma, beta):
    num_nodes = x.shape[0]
    q = (x @ Wq + bq).reshape(-1, H, HD)
    k = (x @ Wk + bk).reshape(-1, H, HD)
    v = (x @ Wv + bv).reshape(-1, H, HD)
    src = edge_index[0]
    dst = edge_index[1]
    # edge_attr provided -> edge_weights = edge_attr.unsqueeze(-1)
    edge_weights = edge_attr[:, :, None]  # [E, H, 1]
    attn = jnp.sum(q[dst] * k[src], axis=-1, keepdims=True)  # [E, H, 1]
    attn = attn * edge_weights / np.sqrt(HD)
    attn = jax.nn.softmax(attn, axis=0)  # softmax over all edges (dim=0), faithful to module
    out = attn * v[src]  # [E, H, HD]
    out = jnp.zeros((num_nodes, H, HD), dtype=x.dtype).at[dst].add(out)  # scatter_add over dst
    out = out.reshape(-1, D)
    out = out @ Wo + bo  # output_transform Linear
    # Dropout in eval mode = identity; LayerNorm with eps=1e-5
    mean = jnp.mean(out, axis=-1, keepdims=True)
    var = jnp.var(out, axis=-1, keepdims=True)
    out = (out - mean) / jnp.sqrt(var + 1e-5) * gamma + beta
    return out

if __name__ == "__main__":
    import jax
    _d = setup_inputs()
    print(jax.jit(kernel)(*tuple(_d.values())))

</pallas_src>

<mosaic_0001>
#map = affine_map<(d0, d1) -> (0, 0)>
#map1 = affine_map<(d0, d1) -> (0)>
module attributes {stable_mosaic.version = 14 : i64} {
  func.func @_edge_body(%arg0: i32, %arg1: i32, %arg2: memref<10000x128xf32, #tpu.memory_space<hbm>>, %arg3: memref<10000x128xf32, #tpu.memory_space<hbm>>, %arg4: memref<10000x128xf32, #tpu.memory_space<hbm>>, %arg5: memref<320000xi32, #tpu.memory_space<hbm>>, %arg6: memref<320000xi32, #tpu.memory_space<hbm>>, %arg7: memref<1280000xf32, #tpu.memory_space<hbm>>, %arg8: memref<10000x128xf32, #tpu.memory_space<hbm>>, %arg9: memref<10000x128xf32, #tpu.memory_space<hbm>>, %arg10: memref<10000x128xf32, #tpu.memory_space<hbm>>, %arg11: memref<4096xf32, #tpu.memory_space<hbm>>, %arg12: memref<80xi32, #tpu.memory_space<vmem>>, %arg13: memref<80xi32, #tpu.memory_space<vmem>>, %arg14: memref<80x128xf32, #tpu.memory_space<vmem>>, %arg15: memref<80x128xf32, #tpu.memory_space<vmem>>, %arg16: memref<80x128xf32, #tpu.memory_space<vmem>>, %arg17: memref<320xf32, #tpu.memory_space<vmem>>, %arg18: memref<10000x128xf32, #tpu.memory_space<vmem_shared>>, %arg19: memref<!tpu.dma_semaphore, #tpu.memory_space<semaphore_mem>>, %arg20: memref<!tpu.dma_semaphore, #tpu.memory_space<semaphore_mem>>, %arg21: memref<!tpu.dma_semaphore, #tpu.memory_space<semaphore_mem>>) attributes {dimension_semantics = [#tpu.dimension_semantics<core_parallel>, #tpu.dimension_semantics<subcore_parallel>], iteration_bounds = array<i64: 2, 16>, scalar_prefetch = 0 : i64, scratch_operands = 10 : i64, tpu.core_type = #tpu.core_type<sc_vector_subcore>, window_params = [{transform_indices = #map}, {transform_indices = #map}, {transform_indices = #map}, {transform_indices = #map1}, {transform_indices = #map1}, {transform_indices = #map1}, {transform_indices = #map}, {transform_indices = #map}, {transform_indices = #map}, {transform_indices = #map1}]} {
    %mul3A = arith.constant 2 : i32
    %mul3A_0 = arith.muli %arg1, %mul3A : i32
    %add3A = arith.addi %mul3A_0, %arg0 : i32
    %mul3A_1 = arith.constant 624 : i32
    %mul3A_2 = arith.muli %arg1, %mul3A_1 : i32
    "tpu.region"() ({
      %run_scoped3A_63 = tpu.sem_alloc : memref<!tpu.dma_semaphore, #tpu.memory_space<semaphore_mem>>
      %dma_start3A = arith.constant 0 : i32
      %dma_start3A_64 = tpu.memref_slice %arg18[%mul3A_2, %dma_start3A] : memref<10000x128xf32, #tpu.memory_space<vmem_shared>> -> memref<624x128xf32, #tpu.memory_space<vmem_shared>>
      %dma_start3A_65 = arith.constant 0 : i32
      %dma_start3A_66 = tpu.memref_slice %arg8[%mul3A_2, %dma_start3A_65] : memref<10000x128xf32, #tpu.memory_space<hbm>> -> memref<624x128xf32, #tpu.memory_space<hbm>>
      tpu.enqueue_dma source(%dma_start3A_66 : memref<624x128xf32, #tpu.memory_space<hbm>>) target(%dma_start3A_64 : memref<624x128xf32, #tpu.memory_space<vmem_shared>>) target_semaphore(%run_scoped3A_63 : memref<!tpu.dma_semaphore, #tpu.memory_space<semaphore_mem>>)
      %dma_wait3A = arith.constant 0 : i32
      %dma_wait3A_67 = tpu.memref_slice %arg18[%mul3A_2, %dma_wait3A] : memref<10000x128xf32, #tpu.memory_space<vmem_shared>> -> memref<624x128xf32, #tpu.memory_space<vmem_shared>>
      %dma_wait3A_68 = arith.constant 0 : i32
      %dma_wait3A_69 = tpu.memref_slice %arg8[%mul3A_2, %dma_wait3A_68] : memref<10000x128xf32, #tpu.memory_space<hbm>> -> memref<624x128xf32, #tpu.memory_space<hbm>>
      tpu.wait_dma2 semaphore(%run_scoped3A_63 : memref<!tpu.dma_semaphore, #tpu.memory_space<semaphore_mem>>) src(%dma_wait3A_69 : memref<624x128xf32, #tpu.memory_space<hbm>>) dst(%dma_wait3A_67 : memref<624x128xf32, #tpu.memory_space<vmem_shared>>)
      tpu.yield
    }) : () -> ()
    %eq3A = arith.constant 15 : i32
    %eq3A_3 = arith.cmpi eq, %arg1, %eq3A : i32
    %convert_element_type3A = arith.extui %eq3A_3 : i1 to i32
    %cond3A = arith.constant 0 : i32
    %cond3A_4 = arith.cmpi ne, %convert_element_type3A, %cond3A : i32
    scf.if %cond3A_4 {
      "tpu.region"() ({
        %run_scoped3A_63 = tpu.sem_alloc : memref<!tpu.dma_semaphore, #tpu.memory_space<semaphore_mem>>
        %dma_start3A = arith.constant 9984 : i32
        %dma_start3A_64 = arith.constant 0 : i32
        %dma_start3A_65 = tpu.memref_slice %arg18[%dma_start3A, %dma_start3A_64] : memref<10000x128xf32, #tpu.memory_space<vmem_shared>> -> memref<16x128xf32, #tpu.memory_space<vmem_shared>>
        %dma_start3A_66 = arith.constant 9984 : i32
        %dma_start3A_67 = arith.constant 0 : i32
        %dma_start3A_68 = tpu.memref_slice %arg8[%dma_start3A_66, %dma_start3A_67] : memref<10000x128xf32, #tpu.memory_space<hbm>> -> memref<16x128xf32, #tpu.memory_space<hbm>>
        tpu.enqueue_dma source(%dma_start3A_68 : memref<16x128xf32, #tpu.memory_space<hbm>>) target(%dma_start3A_65 : memref<16x128xf32, #tpu.memory_space<vmem_shared>>) target_semaphore(%run_scoped3A_63 : memref<!tpu.dma_semaphore, #tpu.memory_space<semaphore_mem>>)
        %dma_wait3A = arith.constant 9984 : i32
        %dma_wait3A_69 = arith.constant 0 : i32
        %dma_wait3A_70 = tpu.memref_slice %arg18[%dma_wait3A, %dma_wait3A_69] : memref<10000x128xf32, #tpu.memory_space<vmem_shared>> -> memref<16x128xf32, #tpu.memory_space<vmem_shared>>
        %dma_wait3A_71 = arith.constant 9984 : i32
        %dma_wait3A_72 = arith.constant 0 : i32
        %dma_wait3A_73 = tpu.memref_slice %arg8[%dma_wait3A_71, %dma_wait3A_72] : memref<10000x128xf32, #tpu.memory_space<hbm>> -> memref<16x128xf32, #tpu.memory_space<hbm>>
        tpu.wait_dma2 semaphore(%run_scoped3A_63 : memref<!tpu.dma_semaphore, #tpu.memory_space<semaphore_mem>>) src(%dma_wait3A_73 : memref<16x128xf32, #tpu.memory_space<hbm>>) dst(%dma_wait3A_70 : memref<16x128xf32, #tpu.memory_space<vmem_shared>>)
        tpu.yield
      }) : () -> ()
    } else {
    }
    %barrier3A = arith.constant 0 : index
    tpu.barrier barrier_id(%barrier3A)
    %iota3A = tpu.iota {dimensions = array<i32: 0>} : vector<16xi32>
    %broadcast_in_dim3A = arith.constant 0.000000e+00 : f32
    %broadcast_in_dim3A_5 = vector.broadcast %broadcast_in_dim3A : f32 to vector<16xf32>
    %scan3A = arith.constant 0 : i32
    %scan3A_6 = arith.constant 125 : i32
    %scan3A_7 = arith.addi %scan3A, %scan3A_6 : i32
    %scan3A_8 = arith.constant 1 : i32
    %scan3A_9:4 = scf.for %scan3A_63 = %scan3A to %scan3A_7 step %scan3A_8 iter_args(%scan3A_64 = %broadcast_in_dim3A_5, %scan3A_65 = %broadcast_in_dim3A_5, %scan3A_66 = %broadcast_in_dim3A_5, %scan3A_67 = %broadcast_in_dim3A_5) -> (vector<16xf32>, vector<16xf32>, vector<16xf32>, vector<16xf32>)  : i32 {
      %mul3A_68 = arith.constant 10000 : i32
      %mul3A_69 = arith.muli %add3A, %mul3A_68 : i32
      %mul3A_70 = arith.constant 80 : i32
      %mul3A_71 = arith.muli %scan3A_63, %mul3A_70 : i32
      %add3A_72 = arith.addi %mul3A_69, %mul3A_71 : i32
      %dma_start3A = tpu.memref_slice %arg5[%add3A_72] : memref<320000xi32, #tpu.memory_space<hbm>> -> memref<80xi32, #tpu.memory_space<hbm>>
      %dma_start3A_73 = tpu.memref_slice %arg5[%add3A_72] : memref<320000xi32, #tpu.memory_space<hbm>> -> memref<80xi32, #tpu.memory_space<hbm>>
      tpu.enqueue_dma source(%dma_start3A_73 : memref<80xi32, #tpu.memory_space<hbm>>) target(%arg12 : memref<80xi32, #tpu.memory_space<vmem>>) target_semaphore(%arg19 : memref<!tpu.dma_semaphore, #tpu.memory_space<semaphore_mem>>)
      %dma_start3A_74 = tpu.memref_slice %arg6[%add3A_72] : memref<320000xi32, #tpu.memory_space<hbm>> -> memref<80xi32, #tpu.memory_space<hbm>>
      %dma_start3A_75 = tpu.memref_slice %arg6[%add3A_72] : memref<320000xi32, #tpu.memory_space<hbm>> -> memref<80xi32, #tpu.memory_space<hbm>>
      tpu.enqueue_dma source(%dma_start3A_75 : memref<80xi32, #tpu.memory_space<hbm>>) target(%arg13 : memref<80xi32, #tpu.memory_space<vmem>>) target_semaphore(%arg20 : memref<!tpu.dma_semaphore, #tpu.memory_space<semaphore_mem>>)
      %mul3A_76 = arith.constant 4 : i32
      %mul3A_77 = arith.muli %add3A_72, %mul3A_76 : i32
      %dma_start3A_78 = tpu.memref_slice %arg7[%mul3A_77] : memref<1280000xf32, #tpu.memory_space<hbm>> -> memref<320xf32, #tpu.memory_space<hbm>>
      %dma_start3A_79 = tpu.memref_slice %arg7[%mul3A_77] : memref<1280000xf32, #tpu.memory_space<hbm>> -> memref<320xf32, #tpu.memory_space<hbm>>
      tpu.enqueue_dma source(%dma_start3A_79 : memref<320xf32, #tpu.memory_space<hbm>>) target(%arg17 : memref<320xf32, #tpu.memory_space<vmem>>) target_semaphore(%arg21 : memref<!tpu.dma_semaphore, #tpu.memory_space<semaphore_mem>>)
      %dma_wait3A = tpu.memref_slice %arg5[%add3A_72] : memref<320000xi32, #tpu.memory_space<hbm>> -> memref<80xi32, #tpu.memory_space<hbm>>
      %dma_wait3A_80 = tpu.memref_slice %arg5[%add3A_72] : memref<320000xi32, #tpu.memory_space<hbm>> -> memref<80xi32, #tpu.memory_space<hbm>>
      tpu.wait_dma2 semaphore(%arg19 : memref<!tpu.dma_semaphore, #tpu.memory_space<semaphore_mem>>) src(%dma_wait3A_80 : memref<80xi32, #tpu.memory_space<hbm>>) dst(%arg12 : memref<80xi32, #tpu.memory_space<vmem>>)
      %dma_wait3A_81 = tpu.memref_slice %arg6[%add3A_72] : memref<320000xi32, #tpu.memory_space<hbm>> -> memref<80xi32, #tpu.memory_space<hbm>>
      %dma_wait3A_82 = tpu.memref_slice %arg6[%add3A_72] : memref<320000xi32, #tpu.memory_space<hbm>> -> memref<80xi32, #tpu.memory_space<hbm>>
      tpu.wait_dma2 semaphore(%arg20 : memref<!tpu.dma_semaphore, #tpu.memory_space<semaphore_mem>>) src(%dma_wait3A_82 : memref<80xi32, #tpu.memory_space<hbm>>) dst(%arg13 : memref<80xi32, #tpu.memory_space<vmem>>)
      %dma_wait3A_83 = tpu.memref_slice %arg7[%mul3A_77] : memref<1280000xf32, #tpu.memory_space<hbm>> -> memref<320xf32, #tpu.memory_space<hbm>>
      %dma_wait3A_84 = tpu.memref_slice %arg7[%mul3A_77] : memref<1280000xf32, #tpu.memory_space<hbm>> -> memref<320xf32, #tpu.memory_space<hbm>>
      tpu.wait_dma2 semaphore(%arg21 : memref<!tpu.dma_semaphore, #tpu.memory_space<semaphore_mem>>) src(%dma_wait3A_84 : memref<320xf32, #tpu.memory_space<hbm>>) dst(%arg17 : memref<320xf32, #tpu.memory_space<vmem>>)
      %dma_start3A_85 = arith.constant 0 : i32
      %dma_start3A_86 = arith.constant 0 : i32
      %dma_start3A_87 = tpu.memref_slice %arg2[%dma_start3A_85, %dma_start3A_86] : memref<10000x128xf32, #tpu.memory_space<hbm>> -> memref<10000x128xf32, #tpu.memory_space<hbm>>
      tpu.enqueue_indirect_dma source(%dma_start3A_87 : memref<10000x128xf32, #tpu.memory_space<hbm>>) target(%arg14 : memref<80x128xf32, #tpu.memory_space<vmem>>) offsets(%arg13 : memref<80xi32, #tpu.memory_space<vmem>>) semaphore(%arg19 : memref<!tpu.dma_semaphore, #tpu.memory_space<semaphore_mem>>)
      %dma_start3A_88 = arith.constant 0 : i32
      %dma_start3A_89 = arith.constant 0 : i32
      %dma_start3A_90 = tpu.memref_slice %arg3[%dma_start3A_88, %dma_start3A_89] : memref<10000x128xf32, #tpu.memory_space<hbm>> -> memref<10000x128xf32, #tpu.memory_space<hbm>>
      tpu.enqueue_indirect_dma source(%dma_start3A_90 : memref<10000x128xf32, #tpu.memory_space<hbm>>) target(%arg15 : memref<80x128xf32, #tpu.memory_space<vmem>>) offsets(%arg12 : memref<80xi32, #tpu.memory_space<vmem>>) semaphore(%arg20 : memref<!tpu.dma_semaphore, #tpu.memory_space<semaphore_mem>>)
      %dma_start3A_91 = arith.constant 0 : i32
      %dma_start3A_92 = arith.constant 0 : i32
      %dma_start3A_93 = tpu.memref_slice %arg4[%dma_start3A_91, %dma_start3A_92] : memref<10000x128xf32, #tpu.memory_space<hbm>> -> memref<10000x128xf32, #tpu.memory_space<hbm>>
      tpu.enqueue_indirect_dma source(%dma_start3A_93 : memref<10000x128xf32, #tpu.memory_space<hbm>>) target(%arg16 : memref<80x128xf32, #tpu.memory_space<vmem>>) offsets(%arg12 : memref<80xi32, #tpu.memory_space<vmem>>) semaphore(%arg21 : memref<!tpu.dma_semaphore, #tpu.memory_space<semaphore_mem>>)
      %dma_wait3A_94 = arith.constant 0 : i32
      %dma_wait3A_95 = arith.constant 0 : i32
      %dma_wait3A_96 = tpu.memref_slice %arg2[%dma_wait3A_94, %dma_wait3A_95] : memref<10000x128xf32, #tpu.memory_space<hbm>> -> memref<10000x128xf32, #tpu.memory_space<hbm>>
      tpu.wait_indirect_dma semaphore(%arg19 : memref<!tpu.dma_semaphore, #tpu.memory_space<semaphore_mem>>) src(%dma_wait3A_96 : memref<10000x128xf32, #tpu.memory_space<hbm>>) dst(%arg14 : memref<80x128xf32, #tpu.memory_space<vmem>>)
      %dma_wait3A_97 = arith.constant 0 : i32
      %dma_wait3A_98 = arith.constant 0 : i32
      %dma_wait3A_99 = tpu.memref_slice %arg3[%dma_wait3A_97, %dma_wait3A_98] : memref<10000x128xf32, #tpu.memory_space<hbm>> -> memref<10000x128xf32, #tpu.memory_space<hbm>>
      tpu.wait_indirect_dma semaphore(%arg20 : memref<!tpu.dma_semaphore, #tpu.memory_space<semaphore_mem>>) src(%dma_wait3A_99 : memref<10000x128xf32, #tpu.memory_space<hbm>>) dst(%arg15 : memref<80x128xf32, #tpu.memory_space<vmem>>)
      %scan3A_100 = arith.constant 0 : i32
      %scan3A_101 = arith.constant 5 : i32
      %scan3A_102 = arith.addi %scan3A_100, %scan3A_101 : i32
      %scan3A_103 = arith.constant 1 : i32
      %scan3A_104:4 = scf.for %scan3A_115 = %scan3A_100 to %scan3A_102 step %scan3A_103 iter_args(%scan3A_116 = %scan3A_64, %scan3A_117 = %scan3A_65, %scan3A_118 = %scan3A_66, %scan3A_119 = %scan3A_67) -> (vector<16xf32>, vector<16xf32>, vector<16xf32>, vector<16xf32>)  : i32 {
        %mul3A_120 = arith.constant 16 : i32
        %mul3A_121 = arith.muli %scan3A_115, %mul3A_120 : i32
        %add3A_122 = vector.broadcast %mul3A_121 : i32 to vector<16xi32>
        %add3A_123 = arith.addi %add3A_122, %iota3A : vector<16xi32>
        %broadcast_in_dim3A_124 = arith.constant 0.000000e+00 : f32
        %broadcast_in_dim3A_125 = vector.broadcast %broadcast_in_dim3A_124 : f32 to vector<16xf32>
        %broadcast_in_dim3A_126 = arith.constant 0 : i32
        %broadcast_in_dim3A_127 = vector.broadcast %broadcast_in_dim3A_126 : i32 to vector<16xi32>
        %gather3A = tpu.vector_load_idx %arg14[%add3A_123, %broadcast_in_dim3A_127] : memref<80x128xf32, #tpu.memory_space<vmem>>[vector<16xi32>, vector<16xi32>], vector<16xf32>,
        %gather3A_128 = tpu.vector_load_idx %arg15[%add3A_123, %broadcast_in_dim3A_127] : memref<80x128xf32, #tpu.memory_space<vmem>>[vector<16xi32>, vector<16xi32>], vector<16xf32>,
        %mul3A_129 = arith.mulf %gather3A, %gather3A_128 : vector<16xf32>
        %add3A_130 = arith.addf %broadcast_in_dim3A_125, %mul3A_129 : vector<16xf32>
        %broadcast_in_dim3A_131 = arith.constant 1 : i32
        %broadcast_in_dim3A_132 = vector.broadcast %broadcast_in_dim3A_131 : i32 to vector<16xi32>
        %gather3A_133 = tpu.vector_load_idx %arg14[%add3A_123, %broadcast_in_dim3A_132] : memref<80x128xf32, #tpu.memory_space<vmem>>[vector<16xi32>, vector<16xi32>], vector<16xf32>,
        %gather3A_134 = tpu.vector_load_idx %arg15[%add3A_123, %broadcast_in_dim3A_132] : memref<80x128xf32, #tpu.memory_space<vmem>>[vector<16xi32>, vector<16xi32>], vector<16xf32>,
        %mul3A_135 = arith.mulf %gather3A_133, %gather3A_134 : vector<16xf32>
        %add3A_136 = arith.addf %add3A_130, %mul3A_135 : vector<16xf32>
        %broadcast_in_dim3A_137 = arith.constant 2 : i32
        %broadcast_in_dim3A_138 = vector.broadcast %broadcast_in_dim3A_137 : i32 to vector<16xi32>
        %gather3A_139 = tpu.vector_load_idx %arg14[%add3A_123, %broadcast_in_dim3A_138] : memref<80x128xf32, #tpu.memory_space<vmem>>[vector<16xi32>, vector<16xi32>], vector<16xf32>,
        %gather3A_140 = tpu.vector_load_idx %arg15[%add3A_123, %broadcast_in_dim3A_138] : memref<80x128xf32, #tpu.memory_space<vmem>>[vector<16xi32>, vector<16xi32>], vector<16xf32>,
        %mul3A_141 = arith.mulf %gather3A_139, %gather3A_140 : vector<16xf32>
        %add3A_142 = arith.addf %add3A_136, %mul3A_141 : vector<16xf32>
        %broadcast_in_dim3A_143 = arith.constant 3 : i32
        %broadcast_in_dim3A_144 = vector.broadcast %broadcast_in_dim3A_143 : i32 to vector<16xi32>
        %gather3A_145 = tpu.vector_load_idx %arg14[%add3A_123, %broadcast_in_dim3A_144] : memref<80x128xf32, #tpu.memory_space<vmem>>[vector<16xi32>, vector<16xi32>], vector<16xf32>,
        %gather3A_146 = tpu.vector_load_idx %arg15[%add3A_123, %broadcast_in_dim3A_144] : memref<80x128xf32, #tpu.memory_space<vmem>>[vector<16xi32>, vector<16xi32>], vector<16xf32>,
        %mul3A_147 = arith.mulf %gather3A_145, %gather3A_146 : vector<16xf32>
        %add3A_148 = arith.addf %add3A_142, %mul3A_147 : vector<16xf32>
        %broadcast_in_dim3A_149 = arith.constant 4 : i32
        %broadcast_in_dim3A_150 = vector.broadcast %broadcast_in_dim3A_149 : i32 to vector<16xi32>
        %gather3A_151 = tpu.vector_load_idx %arg14[%add3A_123, %broadcast_in_dim3A_150] : memref<80x128xf32, #tpu.memory_space<vmem>>[vector<16xi32>, vector<16xi32>], vector<16xf32>,
        %gather3A_152 = tpu.vector_load_idx %arg15[%add3A_123, %broadcast_in_dim3A_150] : memref<80x128xf32, #tpu.memory_space<vmem>>[vector<16xi32>, vector<16xi32>], vector<16xf32>,
        %mul3A_153 = arith.mulf %gather3A_151, %gather3A_152 : vector<16xf32>
        %add3A_154 = arith.addf %add3A_148, %mul3A_153 : vector<16xf32>
        %broadcast_in_dim3A_155 = arith.constant 5 : i32
        %broadcast_in_dim3A_156 = vector.broadcast %broadcast_in_dim3A_155 : i32 to vector<16xi32>
        %gather3A_157 = tpu.vector_load_idx %arg14[%add3A_123, %broadcast_in_dim3A_156] : memref<80x128xf32, #tpu.memory_space<vmem>>[vector<16xi32>, vector<16xi32>], vector<16xf32>,
        %gather3A_158 = tpu.vector_load_idx %arg15[%add3A_123, %broadcast_in_dim3A_156] : memref<80x128xf32, #tpu.memory_space<vmem>>[vector<16xi32>, vector<16xi32>], vector<16xf32>,
        %mul3A_159 = arith.mulf %gather3A_157, %gather3A_158 : vector<16xf32>
        %add3A_160 = arith.addf %add3A_154, %mul3A_159 : vector<16xf32>
        %broadcast_in_dim3A_161 = arith.constant 6 : i32
        %broadcast_in_dim3A_162 = vector.broadcast %broadcast_in_dim3A_161 : i32 to vector<16xi32>
        %gather3A_163 = tpu.vector_load_idx %arg14[%add3A_123, %broadcast_in_dim3A_162] : memref<80x128xf32, #tpu.memory_space<vmem>>[vector<16xi32>, vector<16xi32>], vector<16xf32>,
        %gather3A_164 = tpu.vector_load_idx %arg15[%add3A_123, %broadcast_in_dim3A_162] : memref<80x128xf32, #tpu.memory_space<vmem>>[vector<16xi32>, vector<16xi32>], vector<16xf32>,
        %mul3A_165 = arith.mulf %gather3A_163, %gather3A_164 : vector<16xf32>
        %add3A_166 = arith.addf %add3A_160, %mul3A_165 : vector<16xf32>
        %broadcast_in_dim3A_167 = arith.constant 7 : i32
        %broadcast_in_dim3A_168 = vector.broadcast %broadcast_in_dim3A_167 : i32 to vector<16xi32>
        %gather3A_169 = tpu.vector_load_idx %arg14[%add3A_123, %broadcast_in_dim3A_168] : memref<80x128xf32, #tpu.memory_space<vmem>>[vector<16xi32>, vector<16xi32>], vector<16xf32>,
        %gather3A_170 = tpu.vector_load_idx %arg15[%add3A_123, %broadcast_in_dim3A_168] : memref<80x128xf32, #tpu.memory_space<vmem>>[vector<16xi32>, vector<16xi32>], vector<16xf32>,
        %mul3A_171 = arith.mulf %gather3A_169, %gather3A_170 : vector<16xf32>
        %add3A_172 = arith.addf %add3A_166, %mul3A_171 : vector<16xf32>
        %broadcast_in_dim3A_173 = arith.constant 8 : i32
        %broadcast_in_dim3A_174 = vector.broadcast %broadcast_in_dim3A_173 : i32 to vector<16xi32>
        %gather3A_175 = tpu.vector_load_idx %arg14[%add3A_123, %broadcast_in_dim3A_174] : memref<80x128xf32, #tpu.memory_space<vmem>>[vector<16xi32>, vector<16xi32>], vector<16xf32>,
        %gather3A_176 = tpu.vector_load_idx %arg15[%add3A_123, %broadcast_in_dim3A_174] : memref<80x128xf32, #tpu.memory_space<vmem>>[vector<16xi32>, vector<16xi32>], vector<16xf32>,
        %mul3A_177 = arith.mulf %gather3A_175, %gather3A_176 : vector<16xf32>
        %add3A_178 = arith.addf %add3A_172, %mul3A_177 : vector<16xf32>
        %broadcast_in_dim3A_179 = arith.constant 9 : i32
        %broadcast_in_dim3A_180 = vector.broadcast %broadcast_in_dim3A_179 : i32 to vector<16xi32>
        %gather3A_181 = tpu.vector_load_idx %arg14[%add3A_123, %broadcast_in_dim3A_180] : memref<80x128xf32, #tpu.memory_space<vmem>>[vector<16xi32>, vector<16xi32>], vector<16xf32>,
        %gather3A_182 = tpu.vector_load_idx %arg15[%add3A_123, %broadcast_in_dim3A_180] : memref<80x128xf32, #tpu.memory_space<vmem>>[vector<16xi32>, vector<16xi32>], vector<16xf32>,
        %mul3A_183 = arith.mulf %gather3A_181, %gather3A_182 : vector<16xf32>
        %add3A_184 = arith.addf %add3A_178, %mul3A_183 : vector<16xf32>
        %broadcast_in_dim3A_185 = arith.constant 10 : i32
        %broadcast_in_dim3A_186 = vector.broadcast %broadcast_in_dim3A_185 : i32 to vector<16xi32>
        %gather3A_187 = tpu.vector_load_idx %arg14[%add3A_123, %broadcast_in_dim3A_186] : memref<80x128xf32, #tpu.memory_space<vmem>>[vector<16xi32>, vector<16xi32>], vector<16xf32>,
        %gather3A_188 = tpu.vector_load_idx %arg15[%add3A_123, %broadcast_in_dim3A_186] : memref<80x128xf32, #tpu.memory_space<vmem>>[vector<16xi32>, vector<16xi32>], vector<16xf32>,
        %mul3A_189 = arith.mulf %gather3A_187, %gather3A_188 : vector<16xf32>
        %add3A_190 = arith.addf %add3A_184, %mul3A_189 : vector<16xf32>
        %broadcast_in_dim3A_191 = arith.constant 11 : i32
        %broadcast_in_dim3A_192 = vector.broadcast %broadcast_in_dim3A_191 : i32 to vector<16xi32>
        %gather3A_193 = tpu.vector_load_idx %arg14[%add3A_123, %broadcast_in_dim3A_192] : memref<80x128xf32, #tpu.memory_space<vmem>>[vector<16xi32>, vector<16xi32>], vector<16xf32>,
        %gather3A_194 = tpu.vector_load_idx %arg15[%add3A_123, %broadcast_in_dim3A_192] : memref<80x128xf32, #tpu.memory_space<vmem>>[vector<16xi32>, vector<16xi32>], vector<16xf32>,
        %mul3A_195 = arith.mulf %gather3A_193, %gather3A_194 : vector<16xf32>
        %add3A_196 = arith.addf %add3A_190, %mul3A_195 : vector<16xf32>
        %broadcast_in_dim3A_197 = arith.constant 12 : i32
        %broadcast_in_dim3A_198 = vector.broadcast %broadcast_in_dim3A_197 : i32 to vector<16xi32>
        %gather3A_199 = tpu.vector_load_idx %arg14[%add3A_123, %broadcast_in_dim3A_198] : memref<80x128xf32, #tpu.memory_space<vmem>>[vector<16xi32>, vector<16xi32>], vector<16xf32>,
        %gather3A_200 = tpu.vector_load_idx %arg15[%add3A_123, %broadcast_in_dim3A_198] : memref<80x128xf32, #tpu.memory_space<vmem>>[vector<16xi32>, vector<16xi32>], vector<16xf32>,
        %mul3A_201 = arith.mulf %gather3A_199, %gather3A_200 : vector<16xf32>
        %add3A_202 = arith.addf %add3A_196, %mul3A_201 : vector<16xf32>
        %broadcast_in_dim3A_203 = arith.constant 13 : i32
        %broadcast_in_dim3A_204 = vector.broadcast %broadcast_in_dim3A_203 : i32 to vector<16xi32>
        %gather3A_205 = tpu.vector_load_idx %arg14[%add3A_123, %broadcast_in_dim3A_204] : memref<80x128xf32, #tpu.memory_space<vmem>>[vector<16xi32>, vector<16xi32>], vector<16xf32>,
        %gather3A_206 = tpu.vector_load_idx %arg15[%add3A_123, %broadcast_in_dim3A_204] : memref<80x128xf32, #tpu.memory_space<vmem>>[vector<16xi32>, vector<16xi32>], vector<16xf32>,
        %mul3A_207 = arith.mulf %gather3A_205, %gather3A_206 : vector<16xf32>
        %add3A_208 = arith.addf %add3A_202, %mul3A_207 : vector<16xf32>
        %broadcast_in_dim3A_209 = arith.constant 14 : i32
        %broadcast_in_dim3A_210 = vector.broadcast %broadcast_in_dim3A_209 : i32 to vector<16xi32>
        %gather3A_211 = tpu.vector_load_idx %arg14[%add3A_123, %broadcast_in_dim3A_210] : memref<80x128xf32, #tpu.memory_space<vmem>>[vector<16xi32>, vector<16xi32>], vector<16xf32>,
        %gather3A_212 = tpu.vector_load_idx %arg15[%add3A_123, %broadcast_in_dim3A_210] : memref<80x128xf32, #tpu.memory_space<vmem>>[vector<16xi32>, vector<16xi32>], vector<16xf32>,
        %mul3A_213 = arith.mulf %gather3A_211, %gather3A_212 : vector<16xf32>
        %add3A_214 = arith.addf %add3A_208, %mul3A_213 : vector<16xf32>
        %broadcast_in_dim3A_215 = arith.constant 15 : i32
        %broadcast_in_dim3A_216 = vector.broadcast %broadcast_in_dim3A_215 : i32 to vector<16xi32>
        %gather3A_217 = tpu.vector_load_idx %arg14[%add3A_123, %broadcast_in_dim3A_216] : memref<80x128xf32, #tpu.memory_space<vmem>>[vector<16xi32>, vector<16xi32>], vector<16xf32>,
        %gather3A_218 = tpu.vector_load_idx %arg15[%add3A_123, %broadcast_in_dim3A_216] : memref<80x128xf32, #tpu.memory_space<vmem>>[vector<16xi32>, vector<16xi32>], vector<16xf32>,
        %mul3A_219 = arith.mulf %gather3A_217, %gather3A_218 : vector<16xf32>
        %add3A_220 = arith.addf %add3A_214, %mul3A_219 : vector<16xf32>
        %broadcast_in_dim3A_221 = arith.constant 16 : i32
        %broadcast_in_dim3A_222 = vector.broadcast %broadcast_in_dim3A_221 : i32 to vector<16xi32>
        %gather3A_223 = tpu.vector_load_idx %arg14[%add3A_123, %broadcast_in_dim3A_222] : memref<80x128xf32, #tpu.memory_space<vmem>>[vector<16xi32>, vector<16xi32>], vector<16xf32>,
        %gather3A_224 = tpu.vector_load_idx %arg15[%add3A_123, %broadcast_in_dim3A_222] : memref<80x128xf32, #tpu.memory_space<vmem>>[vector<16xi32>, vector<16xi32>], vector<16xf32>,
        %mul3A_225 = arith.mulf %gather3A_223, %gather3A_224 : vector<16xf32>
        %add3A_226 = arith.addf %add3A_220, %mul3A_225 : vector<16xf32>
        %broadcast_in_dim3A_227 = arith.constant 17 : i32
        %broadcast_in_dim3A_228 = vector.broadcast %broadcast_in_dim3A_227 : i32 to vector<16xi32>
        %gather3A_229 = tpu.vector_load_idx %arg14[%add3A_123, %broadcast_in_dim3A_228] : memref<80x128xf32, #tpu.memory_space<vmem>>[vector<16xi32>, vector<16xi32>], vector<16xf32>,
        %gather3A_230 = tpu.vector_load_idx %arg15[%add3A_123, %broadcast_in_dim3A_228] : memref<80x128xf32, #tpu.memory_space<vmem>>[vector<16xi32>, vector<16xi32>], vector<16xf32>,
        %mul3A_231 = arith.mulf %gather3A_229, %gather3A_230 : vector<16xf32>
        %add3A_232 = arith.addf %add3A_226, %mul3A_231 : vector<16xf32>
        %broadcast_in_dim3A_233 = arith.constant 18 : i32
        %broadcast_in_dim3A_234 = vector.broadcast %broadcast_in_dim3A_233 : i32 to vector<16xi32>
        %gather3A_235 = tpu.vector_load_idx %arg14[%add3A_123, %broadcast_in_dim3A_234] : memref<80x128xf32, #tpu.memory_space<vmem>>[vector<16xi32>, vector<16xi32>], vector<16xf32>,
        %gather3A_236 = tpu.vector_load_idx %arg15[%add3A_123, %broadcast_in_dim3A_234] : memref<80x128xf32, #tpu.memory_space<vmem>>[vector<16xi32>, vector<16xi32>], vector<16xf32>,
        %mul3A_237 = arith.mulf %gather3A_235, %gather3A_236 : vector<16xf32>
        %add3A_238 = arith.addf %add3A_232, %mul3A_237 : vector<16xf32>
        %broadcast_in_dim3A_239 = arith.constant 19 : i32
        %broadcast_in_dim3A_240 = vector.broadcast %broadcast_in_dim3A_239 : i32 to vector<16xi32>
        %gather3A_241 = tpu.vector_load_idx %arg14[%add3A_123, %broadcast_in_dim3A_240] : memref<80x128xf32, #tpu.memory_space<vmem>>[vector<16xi32>, vector<16xi32>], vector<16xf32>,
        %gather3A_242 = tpu.vector_load_idx %arg15[%add3A_123, %broadcast_in_dim3A_240] : memref<80x128xf32, #tpu.memory_space<vmem>>[vector<16xi32>, vector<16xi32>], vector<16xf32>,
        %mul3A_243 = arith.mulf %gather3A_241, %gather3A_242 : vector<16xf32>
        %add3A_244 = arith.addf %add3A_238, %mul3A_243 : vector<16xf32>
        %broadcast_in_dim3A_245 = arith.constant 20 : i32
        %broadcast_in_dim3A_246 = vector.broadcast %broadcast_in_dim3A_245 : i32 to vector<16xi32>
        %gather3A_247 = tpu.vector_load_idx %arg14[%add3A_123, %broadcast_in_dim3A_246] : memref<80x128xf32, #tpu.memory_space<vmem>>[vector<16xi32>, vector<16xi32>], vector<16xf32>,
        %gather3A_248 = tpu.vector_load_idx %arg15[%add3A_123, %broadcast_in_dim3A_246] : memref<80x128xf32, #tpu.memory_space<vmem>>[vector<16xi32>, vector<16xi32>], vector<16xf32>,
        %mul3A_249 = arith.mulf %gather3A_247, %gather3A_248 : vector<16xf32>
        %add3A_250 = arith.addf %add3A_244, %mul3A_249 : vector<16xf32>
        %broadcast_in_dim3A_251 = arith.constant 21 : i32
        %broadcast_in_dim3A_252 = vector.broadcast %broadcast_in_dim3A_251 : i32 to vector<16xi32>
        %gather3A_253 = tpu.vector_load_idx %arg14[%add3A_123, %broadcast_in_dim3A_252] : memref<80x128xf32, #tpu.memory_space<vmem>>[vector<16xi32>, vector<16xi32>], vector<16xf32>,
        %gather3A_254 = tpu.vector_load_idx %arg15[%add3A_123, %broadcast_in_dim3A_252] : memref<80x128xf32, #tpu.memory_space<vmem>>[vector<16xi32>, vector<16xi32>], vector<16xf32>,
        %mul3A_255 = arith.mulf %gather3A_253, %gather3A_254 : vector<16xf32>
        %add3A_256 = arith.addf %add3A_250, %mul3A_255 : vector<16xf32>
        %broadcast_in_dim3A_257 = arith.constant 22 : i32
        %broadcast_in_dim3A_258 = vector.broadcast %broadcast_in_dim3A_257 : i32 to vector<16xi32>
        %gather3A_259 = tpu.vector_load_idx %arg14[%add3A_123, %broadcast_in_dim3A_258] : memref<80x128xf32, #tpu.memory_space<vmem>>[vector<16xi32>, vector<16xi32>], vector<16xf32>,
        %gather3A_260 = tpu.vector_load_idx %arg15[%add3A_123, %broadcast_in_dim3A_258] : memref<80x128xf32, #tpu.memory_space<vmem>>[vector<16xi32>, vector<16xi32>], vector<16xf32>,
        %mul3A_261 = arith.mulf %gather3A_259, %gather3A_260 : vector<16xf32>
        %add3A_262 = arith.addf %add3A_256, %mul3A_261 : vector<16xf32>
        %broadcast_in_dim3A_263 = arith.constant 23 : i32
        %broadcast_in_dim3A_264 = vector.broadcast %broadcast_in_dim3A_263 : i32 to vector<16xi32>
        %gather3A_265 = tpu.vector_load_idx %arg14[%add3A_123, %broadcast_in_dim3A_264] : memref<80x128xf32, #tpu.memory_space<vmem>>[vector<16xi32>, vector<16xi32>], vector<16xf32>,
        %gather3A_266 = tpu.vector_load_idx %arg15[%add3A_123, %broadcast_in_dim3A_264] : memref<80x128xf32, #tpu.memory_space<vmem>>[vector<16xi32>, vector<16xi32>], vector<16xf32>,
        %mul3A_267 = arith.mulf %gather3A_265, %gather3A_266 : vector<16xf32>
        %add3A_268 = arith.addf %add3A_262, %mul3A_267 : vector<16xf32>
        %broadcast_in_dim3A_269 = arith.constant 24 : i32
        %broadcast_in_dim3A_270 = vector.broadcast %broadcast_in_dim3A_269 : i32 to vector<16xi32>
        %gather3A_271 = tpu.vector_load_idx %arg14[%add3A_123, %broadcast_in_dim3A_270] : memref<80x128xf32, #tpu.memory_space<vmem>>[vector<16xi32>, vector<16xi32>], vector<16xf32>,
        %gather3A_272 = tpu.vector_load_idx %arg15[%add3A_123, %broadcast_in_dim3A_270] : memref<80x128xf32, #tpu.memory_space<vmem>>[vector<16xi32>, vector<16xi32>], vector<16xf32>,
        %mul3A_273 = arith.mulf %gather3A_271, %gather3A_272 : vector<16xf32>
        %add3A_274 = arith.addf %add3A_268, %mul3A_273 : vector<16xf32>
        %broadcast_in_dim3A_275 = arith.constant 25 : i32
        %broadcast_in_dim3A_276 = vector.broadcast %broadcast_in_dim3A_275 : i32 to vector<16xi32>
        %gather3A_277 = tpu.vector_load_idx %arg14[%add3A_123, %broadcast_in_dim3A_276] : memref<80x128xf32, #tpu.memory_space<vmem>>[vector<16xi32>, vector<16xi32>], vector<16xf32>,
        %gather3A_278 = tpu.vector_load_idx %arg15[%add3A_123, %broadcast_in_dim3A_276] : memref<80x128xf32, #tpu.memory_space<vmem>>[vector<16xi32>, vector<16xi32>], vector<16xf32>,
        %mul3A_279 = arith.mulf %gather3A_277, %gather3A_278 : vector<16xf32>
        %add3A_280 = arith.addf %add3A_274, %mul3A_279 : vector<16xf32>
        %broadcast_in_dim3A_281 = arith.constant 26 : i32
        %broadcast_in_dim3A_282 = vector.broadcast %broadcast_in_dim3A_281 : i32 to vector<16xi32>
        %gather3A_283 = tpu.vector_load_idx %arg14[%add3A_123, %broadcast_in_dim3A_282] : memref<80x128xf32, #tpu.memory_space<vmem>>[vector<16xi32>, vector<16xi32>], vector<16xf32>,
        %gather3A_284 = tpu.vector_load_idx %arg15[%add3A_123, %broadcast_in_dim3A_282] : memref<80x128xf32, #tpu.memory_space<vmem>>[vector<16xi32>, vector<16xi32>], vector<16xf32>,
        %mul3A_285 = arith.mulf %gather3A_283, %gather3A_284 : vector<16xf32>
        %add3A_286 = arith.addf %add3A_280, %mul3A_285 : vector<16xf32>
        %broadcast_in_dim3A_287 = arith.constant 27 : i32
        %broadcast_in_dim3A_288 = vector.broadcast %broadcast_in_dim3A_287 : i32 to vector<16xi32>
        %gather3A_289 = tpu.vector_load_idx %arg14[%add3A_123, %broadcast_in_dim3A_288] : memref<80x128xf32, #tpu.memory_space<vmem>>[vector<16xi32>, vector<16xi32>], vector<16xf32>,
        %gather3A_290 = tpu.vector_load_idx %arg15[%add3A_123, %broadcast_in_dim3A_288] : memref<80x128xf32, #tpu.memory_space<vmem>>[vector<16xi32>, vector<16xi32>], vector<16xf32>,
        %mul3A_291 = arith.mulf %gather3A_289, %gather3A_290 : vector<16xf32>
        %add3A_292 = arith.addf %add3A_286, %mul3A_291 : vector<16xf32>
        %broadcast_in_dim3A_293 = arith.constant 28 : i32
        %broadcast_in_dim3A_294 = vector.broadcast %broadcast_in_dim3A_293 : i32 to vector<16xi32>
        %gather3A_295 = tpu.vector_load_idx %arg14[%add3A_123, %broadcast_in_dim3A_294] : memref<80x128xf32, #tpu.memory_space<vmem>>[vector<16xi32>, vector<16xi32>], vector<16xf32>,
        %gather3A_296 = tpu.vector_load_idx %arg15[%add3A_123, %broadcast_in_dim3A_294] : memref<80x128xf32, #tpu.memory_space<vmem>>[vector<16xi32>, vector<16xi32>], vector<16xf32>,
        %mul3A_297 = arith.mulf %gather3A_295, %gather3A_296 : vector<16xf32>
        %add3A_298 = arith.addf %add3A_292, %mul3A_297 : vector<16xf32>
        %broadcast_in_dim3A_299 = arith.constant 29 : i32
        %broadcast_in_dim3A_300 = vector.broadcast %broadcast_in_dim3A_299 : i32 to vector<16xi32>
        %gather3A_301 = tpu.vector_load_idx %arg14[%add3A_123, %broadcast_in_dim3A_300] : memref<80x128xf32, #tpu.memory_space<vmem>>[vector<16xi32>, vector<16xi32>], vector<16xf32>,
        %gather3A_302 = tpu.vector_load_idx %arg15[%add3A_123, %broadcast_in_dim3A_300] : memref<80x128xf32, #tpu.memory_space<vmem>>[vector<16xi32>, vector<16xi32>], vector<16xf32>,
        %mul3A_303 = arith.mulf %gather3A_301, %gather3A_302 : vector<16xf32>
        %add3A_304 = arith.addf %add3A_298, %mul3A_303 : vector<16xf32>
        %broadcast_in_dim3A_305 = arith.constant 30 : i32
        %broadcast_in_dim3A_306 = vector.broadcast %broadcast_in_dim3A_305 : i32 to vector<16xi32>
        %gather3A_307 = tpu.vector_load_idx %arg14[%add3A_123, %broadcast_in_dim3A_306] : memref<80x128xf32, #tpu.memory_space<vmem>>[vector<16xi32>, vector<16xi32>], vector<16xf32>,
        %gather3A_308 = tpu.vector_load_idx %arg15[%add3A_123, %broadcast_in_dim3A_306] : memref<80x128xf32, #tpu.memory_space<vmem>>[vector<16xi32>, vector<16xi32>], vector<16xf32>,
        %mul3A_309 = arith.mulf %gather3A_307, %gather3A_308 : vector<16xf32>
        %add3A_310 = arith.addf %add3A_304, %mul3A_309 : vector<16xf32>
        %broadcast_in_dim3A_311 = arith.constant 31 : i32
        %broadcast_in_dim3A_312 = vector.broadcast %broadcast_in_dim3A_311 : i32 to vector<16xi32>
        %gather3A_313 = tpu.vector_load_idx %arg14[%add3A_123, %broadcast_in_dim3A_312] : memref<80x128xf32, #tpu.memory_space<vmem>>[vector<16xi32>, vector<16xi32>], vector<16xf32>,
        %gather3A_314 = tpu.vector_load_idx %arg15[%add3A_123, %broadcast_in_dim3A_312] : memref<80x128xf32, #tpu.memory_space<vmem>>[vector<16xi32>, vector<16xi32>], vector<16xf32>,
        %mul3A_315 = arith.mulf %gather3A_313, %gather3A_314 : vector<16xf32>
        %add3A_316 = arith.addf %add3A_310, %mul3A_315 : vector<16xf32>
        %mul3A_317 = arith.constant 4 : i32
        %mul3A_318 = vector.broadcast %mul3A_317 : i32 to vector<16xi32>
        %mul3A_319 = arith.muli %add3A_123, %mul3A_318 : vector<16xi32>
        %add3A_320 = arith.constant 0 : i32
        %add3A_321 = vector.broadcast %add3A_320 : i32 to vector<16xi32>
        %add3A_322 = arith.addi %mul3A_319, %add3A_321 : vector<16xi32>
        %gather3A_323 = tpu.vector_load_idx %arg17[%add3A_322] : memref<320xf32, #tpu.memory_space<vmem>>[vector<16xi32>], vector<16xf32>,
        %mul3A_324 = arith.constant 0.176776692 : f32
        %mul3A_325 = vector.broadcast %mul3A_324 : f32 to vector<16xf32>
        %mul3A_326 = arith.mulf %add3A_316, %mul3A_325 : vector<16xf32>
        %mul3A_327 = arith.mulf %mul3A_326, %gather3A_323 : vector<16xf32>
        %exp3A = math.exp %mul3A_327 : vector<16xf32>
        tpu.vector_store_idx %arg17[%add3A_322], %exp3A : memref<320xf32, #tpu.memory_space<vmem>>[vector<16xi32>], vector<16xf32>,
        %add3A_328 = arith.addf %scan3A_116, %exp3A : vector<16xf32>
        %broadcast_in_dim3A_329 = arith.constant 0.000000e+00 : f32
        %broadcast_in_dim3A_330 = vector.broadcast %broadcast_in_dim3A_329 : f32 to vector<16xf32>
        %broadcast_in_dim3A_331 = arith.constant 32 : i32
        %broadcast_in_dim3A_332 = vector.broadcast %broadcast_in_dim3A_331 : i32 to vector<16xi32>
        %gather3A_333 = tpu.vector_load_idx %arg14[%add3A_123, %broadcast_in_dim3A_332] : memref<80x128xf32, #tpu.memory_space<vmem>>[vector<16xi32>, vector<16xi32>], vector<16xf32>,
        %gather3A_334 = tpu.vector_load_idx %arg15[%add3A_123, %broadcast_in_dim3A_332] : memref<80x128xf32, #tpu.memory_space<vmem>>[vector<16xi32>, vector<16xi32>], vector<16xf32>,
        %mul3A_335 = arith.mulf %gather3A_333, %gather3A_334 : vector<16xf32>
        %add3A_336 = arith.addf %broadcast_in_dim3A_330, %mul3A_335 : vector<16xf32>
        %broadcast_in_dim3A_337 = arith.constant 33 : i32
        %broadcast_in_dim3A_338 = vector.broadcast %broadcast_in_dim3A_337 : i32 to vector<16xi32>
        %gather3A_339 = tpu.vector_load_idx %arg14[%add3A_123, %broadcast_in_dim3A_338] : memref<80x128xf32, #tpu.memory_space<vmem>>[vector<16xi32>, vector<16xi32>], vector<16xf32>,
        %gather3A_340 = tpu.vector_load_idx %arg15[%add3A_123, %broadcast_in_dim3A_338] : memref<80x128xf32, #tpu.memory_space<vmem>>[vector<16xi32>, vector<16xi32>], vector<16xf32>,
        %mul3A_341 = arith.mulf %gather3A_339, %gather3A_340 : vector<16xf32>
        %add3A_342 = arith.addf %add3A_336, %mul3A_341 : vector<16xf32>
        %broadcast_in_dim3A_343 = arith.constant 34 : i32
        %broadcast_in_dim3A_344 = vector.broadcast %broadcast_in_dim3A_343 : i32 to vector<16xi32>
        %gather3A_345 = tpu.vector_load_idx %arg14[%add3A_123, %broadcast_in_dim3A_344] : memref<80x128xf32, #tpu.memory_space<vmem>>[vector<16xi32>, vector<16xi32>], vector<16xf32>,
        %gather3A_346 = tpu.vector_load_idx %arg15[%add3A_123, %broadcast_in_dim3A_344] : memref<80x128xf32, #tpu.memory_space<vmem>>[vector<16xi32>, vector<16xi32>], vector<16xf32>,
        %mul3A_347 = arith.mulf %gather3A_345, %gather3A_346 : vector<16xf32>
        %add3A_348 = arith.addf %add3A_342, %mul3A_347 : vector<16xf32>
        %broadcast_in_dim3A_349 = arith.constant 35 : i32
        %broadcast_in_dim3A_350 = vector.broadcast %broadcast_in_dim3A_349 : i32 to vector<16xi32>
        %gather3A_351 = tpu.vector_load_idx %arg14[%add3A_123, %broadcast_in_dim3A_350] : memref<80x128xf32, #tpu.memory_space<vmem>>[vector<16xi32>, vector<16xi32>], vector<16xf32>,
        %gather3A_352 = tpu.vector_load_idx %arg15[%add3A_123, %broadcast_in_dim3A_350] : memref<80x128xf32, #tpu.memory_space<vmem>>[vector<16xi32>, vector<16xi32>], vector<16xf32>,
        %mul3A_353 = arith.mulf %gather3A_351, %gather3A_352 : vector<16xf32>
        %add3A_354 = arith.addf %add3A_348, %mul3A_353 : vector<16xf32>
        %broadcast_in_dim3A_355 = arith.constant 36 : i32
        %broadcast_in_dim3A_356 = vector.broadcast %broadcast_in_dim3A_355 : i32 to vector<16xi32>
        %gather3A_357 = tpu.vector_load_idx %arg14[%add3A_123, %broadcast_in_dim3A_356] : memref<80x128xf32, #tpu.memory_space<vmem>>[vector<16xi32>, vector<16xi32>], vector<16xf32>,
        %gather3A_358 = tpu.vector_load_idx %arg15[%add3A_123, %broadcast_in_dim3A_356] : memref<80x128xf32, #tpu.memory_space<vmem>>[vector<16xi32>, vector<16xi32>], vector<16xf32>,
        %mul3A_359 = arith.mulf %gather3A_357, %gather3A_358 : vector<16xf32>
        %add3A_360 = arith.addf %add3A_354, %mul3A_359 : vector<16xf32>
        %broadcast_in_dim3A_361 = arith.constant 37 : i32
        %broadcast_in_dim3A_362 = vector.broadcast %broadcast_in_dim3A_361 : i32 to vector<16xi32>
        %gather3A_363 = tpu.vector_load_idx %arg14[%add3A_123, %broadcast_in_dim3A_362] : memref<80x128xf32, #tpu.memory_space<vmem>>[vector<16xi32>, vector<16xi32>], vector<16xf32>,
        %gather3A_364 = tpu.vector_load_idx %arg15[%add3A_123, %broadcast_in_dim3A_362] : memref<80x128xf32, #tpu.memory_space<vmem>>[vector<16xi32>, vector<16xi32>], vector<16xf32>,
        %mul3A_365 = arith.mulf %gather3A_363, %gather3A_364 : vector<16xf32>
        %add3A_366 = arith.addf %add3A_360, %mul3A_365 : vector<16xf32>
        %broadcast_in_dim3A_367 = arith.constant 38 : i32
        %broadcast_in_dim3A_368 = vector.broadcast %broadcast_in_dim3A_367 : i32 to vector<16xi32>
        %gather3A_369 = tpu.vector_load_idx %arg14[%add3A_123, %broadcast_in_dim3A_368] : memref<80x128xf32, #tpu.memory_space<vmem>>[vector<16xi32>, vector<16xi32>], vector<16xf32>,
        %gather3A_370 = tpu.vector_load_idx %arg15[%add3A_123, %broadcast_in_dim3A_368] : memref<80x128xf32, #tpu.memory_space<vmem>>[vector<16xi32>, vector<16xi32>], vector<16xf32>,
        %mul3A_371 = arith.mulf %gather3A_369, %gather3A_370 : vector<16xf32>
        %add3A_372 = arith.addf %add3A_366, %mul3A_371 : vector<16xf32>
        %broadcast_in_dim3A_373 = arith.constant 39 : i32
        %broadcast_in_dim3A_374 = vector.broadcast %broadcast_in_dim3A_373 : i32 to vector<16xi32>
        %gather3A_375 = tpu.vector_load_idx %arg14[%add3A_123, %broadcast_in_dim3A_374] : memref<80x128xf32, #tpu.memory_space<vmem>>[vector<16xi32>, vector<16xi32>], vector<16xf32>,
        %gather3A_376 = tpu.vector_load_idx %arg15[%add3A_123, %broadcast_in_dim3A_374] : memref<80x128xf32, #tpu.memory_space<vmem>>[vector<16xi32>, vector<16xi32>], vector<16xf32>,
        %mul3A_377 = arith.mulf %gather3A_375, %gather3A_376 : vector<16xf32>
        %add3A_378 = arith.addf %add3A_372, %mul3A_377 : vector<16xf32>
        %broadcast_in_dim3A_379 = arith.constant 40 : i32
        %broadcast_in_dim3A_380 = vector.broadcast %broadcast_in_dim3A_379 : i32 to vector<16xi32>
        %gather3A_381 = tpu.vector_load_idx %arg14[%add3A_123, %broadcast_in_dim3A_380] : memref<80x128xf32, #tpu.memory_space<vmem>>[vector<16xi32>, vector<16xi32>], vector<16xf32>,
        %gather3A_382 = tpu.vector_load_idx %arg15[%add3A_123, %broadcast_in_dim3A_380] : memref<80x128xf32, #tpu.memory_space<vmem>>[vector<16xi32>, vector<16xi32>], vector<16xf32>,
        %mul3A_383 = arith.mulf %gather3A_381, %gather3A_382 : vector<16xf32>
        %add3A_384 = arith.addf %add3A_378, %mul3A_383 : vector<16xf32>
        %broadcast_in_dim3A_385 = arith.constant 41 : i32
        %broadcast_in_dim3A_386 = vector.broadcast %broadcast_in_dim3A_385 : i32 to vector<16xi32>
        %gather3A_387 = tpu.vector_load_idx %arg14[%add3A_123, %broadcast_in_dim3A_386] : memref<80x128xf32, #tpu.memory_space<vmem>>[vector<16xi32>, vector<16xi32>], vector<16xf32>,
        %gather3A_388 = tpu.vector_load_idx %arg15[%add3A_123, %broadcast_in_dim3A_386] : memref<80x128xf32, #tpu.memory_space<vmem>>[vector<16xi32>, vector<16xi32>], vector<16xf32>,
        %mul3A_389 = arith.mulf %gather3A_387, %gather3A_388 : vector<16xf32>
        %add3A_390 = arith.addf %add3A_384, %mul3A_389 : vector<16xf32>
        %broadcast_in_dim3A_391 = arith.constant 42 : i32
        %broadcast_in_dim3A_392 = vector.broadcast %broadcast_in_dim3A_391 : i32 to vector<16xi32>
        %gather3A_393 = tpu.vector_load_idx %arg14[%add3A_123, %broadcast_in_dim3A_392] : memref<80x128xf32, #tpu.memory_space<vmem>>[vector<16xi32>, vector<16xi32>], vector<16xf32>,
        %gather3A_394 = tpu.vector_load_idx %arg15[%add3A_123, %broadcast_in_dim3A_392] : memref<80x128xf32, #tpu.memory_space<vmem>>[vector<16xi32>, vector<16xi32>], vector<16xf32>,
        %mul3A_395 = arith.mulf %gather3A_393, %gather3A_394 : vector<16xf32>
        %add3A_396 = arith.addf %add3A_390, %mul3A_395 : vector<16xf32>
        %broadcast_in_dim3A_397 = arith.constant 43 : i32
        %broadcast_in_dim3A_398 = vector.broadcast %broadcast_in_dim3A_397 : i32 to vector<16xi32>
        %gather3A_399 = tpu.vector_load_idx %arg14[%add3A_123, %broadcast_in_dim3A_398] : memref<80x128xf32, #tpu.memory_space<vmem>>[vector<16xi32>, vector<16xi32>], vector<16xf32>,
        %gather3A_400 = tpu.vector_load_idx %arg15[%add3A_123, %broadcast_in_dim3A_398] : memref<80x128xf32, #tpu.memory_space<vmem>>[vector<16xi32>, vector<16xi32>], vector<16xf32>,
        %mul3A_401 = arith.mulf %gather3A_399, %gather3A_400 : vector<16xf32>
        %add3A_402 = arith.addf %add3A_396, %mul3A_401 : vector<16xf32>
        %broadcast_in_dim3A_403 = arith.constant 44 : i32
        %broadcast_in_dim3A_404 = vector.broadcast %broadcast_in_dim3A_403 : i32 to vector<16xi32>
        %gather3A_405 = tpu.vector_load_idx %arg14[%add3A_123, %broadcast_in_dim3A_404] : memref<80x128xf32, #tpu.memory_space<vmem>>[vector<16xi32>, vector<16xi32>], vector<16xf32>,
        %gather3A_406 = tpu.vector_load_idx %arg15[%add3A_123, %broadcast_in_dim3A_404] : memref<80x128xf32, #tpu.memory_space<vmem>>[vector<16xi32>, vector<16xi32>], vector<16xf32>,
        %mul3A_407 = arith.mulf %gather3A_405, %gather3A_406 : vector<16xf32>
        %add3A_408 = arith.addf %add3A_402, %mul3A_407 : vector<16xf32>
        %broadcast_in_dim3A_409 = arith.constant 45 : i32
        %broadcast_in_dim3A_410 = vector.broadcast %broadcast_in_dim3A_409 : i32 to vector<16xi32>
        %gather3A_411 = tpu.vector_load_idx %arg14[%add3A_123, %broadcast_in_dim3A_410] : memref<80x128xf32, #tpu.memory_space<vmem>>[vector<16xi32>, vector<16xi32>], vector<16xf32>,
        %gather3A_412 = tpu.vector_load_idx %arg15[%add3A_123, %broadcast_in_dim3A_410] : memref<80x128xf32, #tpu.memory_space<vmem>>[vector<16xi32>, vector<16xi32>], vector<16xf32>,
        %mul3A_413 = arith.mulf %gather3A_411, %gather3A_412 : vector<16xf32>
        %add3A_414 = arith.addf %add3A_408, %mul3A_413 : vector<16xf32>
        %broadcast_in_dim3A_415 = arith.constant 46 : i32
        %broadcast_in_dim3A_416 = vector.broadcast %broadcast_in_dim3A_415 : i32 to vector<16xi32>
        %gather3A_417 = tpu.vector_load_idx %arg14[%add3A_123, %broadcast_in_dim3A_416] : memref<80x128xf32, #tpu.memory_space<vmem>>[vector<16xi32>, vector<16xi32>], vector<16xf32>,
        %gather3A_418 = tpu.vector_load_idx %arg15[%add3A_123, %broadcast_in_dim3A_416] : memref<80x128xf32, #tpu.memory_space<vmem>>[vector<16xi32>, vector<16xi32>], vector<16xf32>,
        %mul3A_419 = arith.mulf %gather3A_417, %gather3A_418 : vector<16xf32>
        %add3A_420 = arith.addf %add3A_414, %mul3A_419 : vector<16xf32>
        %broadcast_in_dim3A_421 = arith.constant 47 : i32
        %broadcast_in_dim3A_422 = vector.broadcast %broadcast_in_dim3A_421 : i32 to vector<16xi32>
        %gather3A_423 = tpu.vector_load_idx %arg14[%add3A_123, %broadcast_in_dim3A_422] : memref<80x128xf32, #tpu.memory_space<vmem>>[vector<16xi32>, vector<16xi32>], vector<16xf32>,
        %gather3A_424 = tpu.vector_load_idx %arg15[%add3A_123, %broadcast_in_dim3A_422] : memref<80x128xf32, #tpu.memory_space<vmem>>[vector<16xi32>, vector<16xi32>], vector<16xf32>,
        %mul3A_425 = arith.mulf %gather3A_423, %gather3A_424 : vector<16xf32>
        %add3A_426 = arith.addf %add3A_420, %mul3A_425 : vector<16xf32>
        %broadcast_in_dim3A_427 = arith.constant 48 : i32
        %broadcast_in_dim3A_428 = vector.broadcast %broadcast_in_dim3A_427 : i32 to vector<16xi32>
        %gather3A_429 = tpu.vector_load_idx %arg14[%add3A_123, %broadcast_in_dim3A_428] : memref<80x128xf32, #tpu.memory_space<vmem>>[vector<16xi32>, vector<16xi32>], vector<16xf32>,
        %gather3A_430 = tpu.vector_load_idx %arg15[%add3A_123, %broadcast_in_dim3A_428] : memref<80x128xf32, #tpu.memory_space<vmem>>[vector<16xi32>, vector<16xi32>], vector<16xf32>,
        %mul3A_431 = arith.mulf %gather3A_429, %gather3A_430 : vector<16xf32>
        %add3A_432 = arith.addf %add3A_426, %mul3A_431 : vector<16xf32>
        %broadcast_in_dim3A_433 = arith.constant 49 : i32
        %broadcast_in_dim3A_434 = vector.broadcast %broadcast_in_dim3A_433 : i32 to vector<16xi32>
        %gather3A_435 = tpu.vector_load_idx %arg14[%add3A_123, %broadcast_in_dim3A_434] : memref<80x128xf32, #tpu.memory_space<vmem>>[vector<16xi32>, vector<16xi32>], vector<16xf32>,
        %gather3A_436 = tpu.vector_load_idx %arg15[%add3A_123, %broadcast_in_dim3A_434] : memref<80x128xf32, #tpu.memory_space<vmem>>[vector<16xi32>, vector<16xi32>], vector<16xf32>,
        %mul3A_437 = arith.mulf %gather3A_435, %gather3A_436 : vector<16xf32>
        %add3A_438 = arith.addf %add3A_432, %mul3A_437 : vector<16xf32>
        %broadcast_in_dim3A_439 = arith.constant 50 : i32
        %broadcast_in_dim3A_440 = vector.broadcast %broadcast_in_dim3A_439 : i32 to vector<16xi32>
        %gather3A_441 = tpu.vector_load_idx %arg14[%add3A_123, %broadcast_in_dim3A_440] : memref<80x128xf32, #tpu.memory_space<vmem>>[vector<16xi32>, vector<16xi32>], vector<16xf32>,
        %gather3A_442 = tpu.vector_load_idx %arg15[%add3A_123, %broadcast_in_dim3A_440] : memref<80x128xf32, #tpu.memory_space<vmem>>[vector<16xi32>, vector<16xi32>], vector<16xf32>,
        %mul3A_443 = arith.mulf %gather3A_441, %gather3A_442 : vector<16xf32>
        %add3A_444 = arith.addf %add3A_438, %mul3A_443 : vector<16xf32>
        %broadcast_in_dim3A_445 = arith.constant 51 : i32
        %broadcast_in_dim3A_446 = vector.broadcast %broadcast_in_dim3A_445 : i32 to vector<16xi32>
        %gather3A_447 = tpu.vector_load_idx %arg14[%add3A_123, %broadcast_in_dim3A_446] : memref<80x128xf32, #tpu.memory_space<vmem>>[vector<16xi32>, vector<16xi32>], vector<16xf32>,
        %gather3A_448 = tpu.vector_load_idx %arg15[%add3A_123, %broadcast_in_dim3A_446] : memref<80x128xf32, #tpu.memory_space<vmem>>[vector<16xi32>, vector<16xi32>], vector<16xf32>,
        %mul3A_449 = arith.mulf %gather3A_447, %gather3A_448 : vector<16xf32>
        %add3A_450 = arith.addf %add3A_444, %mul3A_449 : vector<16xf32>
        %broadcast_in_dim3A_451 = arith.constant 52 : i32
        %broadcast_in_dim3A_452 = vector.broadcast %broadcast_in_dim3A_451 : i32 to vector<16xi32>
        %gather3A_453 = tpu.vector_load_idx %arg14[%add3A_123, %broadcast_in_dim3A_452] : memref<80x128xf32, #tpu.memory_space<vmem>>[vector<16xi32>, vector<16xi32>], vector<16xf32>,
        %gather3A_454 = tpu.vector_load_idx %arg15[%add3A_123, %broadcast_in_dim3A_452] : memref<80x128xf32, #tpu.memory_space<vmem>>[vector<16xi32>, vector<16xi32>], vector<16xf32>,
        %mul3A_455 = arith.mulf %gather3A_453, %gather3A_454 : vector<16xf32>
        %add3A_456 = arith.addf %add3A_450, %mul3A_455 : vector<16xf32>
        %broadcast_in_dim3A_457 = arith.constant 53 : i32
        %broadcast_in_dim3A_458 = vector.broadcast %broadcast_in_dim3A_457 : i32 to vector<16xi32>
        %gather3A_459 = tpu.vector_load_idx %arg14[%add3A_123, %broadcast_in_dim3A_458] : memref<80x128xf32, #tpu.memory_space<vmem>>[vector<16xi32>, vector<16xi32>], vector<16xf32>,
        %gather3A_460 = tpu.vector_load_idx %arg15[%add3A_123, %broadcast_in_dim3A_458] : memref<80x128xf32, #tpu.memory_space<vmem>>[vector<16xi32>, vector<16xi32>], vector<16xf32>,
        %mul3A_461 = arith.mulf %gather3A_459, %gather3A_460 : vector<16xf32>
        %add3A_462 = arith.addf %add3A_456, %mul3A_461 : vector<16xf32>
        %broadcast_in_dim3A_463 = arith.constant 54 : i32
        %broadcast_in_dim3A_464 = vector.broadcast %broadcast_in_dim3A_463 : i32 to vector<16xi32>
        %gather3A_465 = tpu.vector_load_idx %arg14[%add3A_123, %broadcast_in_dim3A_464] : memref<80x128xf32, #tpu.memory_space<vmem>>[vector<16xi32>, vector<16xi32>], vector<16xf32>,
        %gather3A_466 = tpu.vector_load_idx %arg15[%add3A_123, %broadcast_in_dim3A_464] : memref<80x128xf32, #tpu.memory_space<vmem>>[vector<16xi32>, vector<16xi32>], vector<16xf32>,
        %mul3A_467 = arith.mulf %gather3A_465, %gather3A_466 : vector<16xf32>
        %add3A_468 = arith.addf %add3A_462, %mul3A_467 : vector<16xf32>
        %broadcast_in_dim3A_469 = arith.constant 55 : i32
        %broadcast_in_dim3A_470 = vector.broadcast %broadcast_in_dim3A_469 : i32 to vector<16xi32>
        %gather3A_471 = tpu.vector_load_idx %arg14[%add3A_123, %broadcast_in_dim3A_470] : memref<80x128xf32, #tpu.memory_space<vmem>>[vector<16xi32>, vector<16xi32>], vector<16xf32>,
        %gather3A_472 = tpu.vector_load_idx %arg15[%add3A_123, %broadcast_in_dim3A_470] : memref<80x128xf32, #tpu.memory_space<vmem>>[vector<16xi32>, vector<16xi32>], vector<16xf32>,
        %mul3A_473 = arith.mulf %gather3A_471, %gather3A_472 : vector<16xf32>
        %add3A_474 = arith.addf %add3A_468, %mul3A_473 : vector<16xf32>
        %broadcast_in_dim3A_475 = arith.constant 56 : i32
        %broadcast_in_dim3A_476 = vector.broadcast %broadcast_in_dim3A_475 : i32 to vector<16xi32>
        %gather3A_477 = tpu.vector_load_idx %arg14[%add3A_123, %broadcast_in_dim3A_476] : memref<80x128xf32, #tpu.memory_space<vmem>>[vector<16xi32>, vector<16xi32>], vector<16xf32>,
        %gather3A_478 = tpu.vector_load_idx %arg15[%add3A_123, %broadcast_in_dim3A_476] : memref<80x128xf32, #tpu.memory_space<vmem>>[vector<16xi32>, vector<16xi32>], vector<16xf32>,
        %mul3A_479 = arith.mulf %gather3A_477, %gather3A_478 : vector<16xf32>
        %add3A_480 = arith.addf %add3A_474, %mul3A_479 : vector<16xf32>
        %broadcast_in_dim3A_481 = arith.constant 57 : i32
        %broadcast_in_dim3A_482 = vector.broadcast %broadcast_in_dim3A_481 : i32 to vector<16xi32>
        %gather3A_483 = tpu.vector_load_idx %arg14[%add3A_123, %broadcast_in_dim3A_482] : memref<80x128xf32, #tpu.memory_space<vmem>>[vector<16xi32>, vector<16xi32>], vector<16xf32>,
        %gather3A_484 = tpu.vector_load_idx %arg15[%add3A_123, %broadcast_in_dim3A_482] : memref<80x128xf32, #tpu.memory_space<vmem>>[vector<16xi32>, vector<16xi32>], vector<16xf32>,
        %mul3A_485 = arith.mulf %gather3A_483, %gather3A_484 : vector<16xf32>
        %add3A_486 = arith.addf %add3A_480, %mul3A_485 : vector<16xf32>
        %broadcast_in_dim3A_487 = arith.constant 58 : i32
        %broadcast_in_dim3A_488 = vector.broadcast %broadcast_in_dim3A_487 : i32 to vector<16xi32>
        %gather3A_489 = tpu.vector_load_idx %arg14[%add3A_123, %broadcast_in_dim3A_488] : memref<80x128xf32, #tpu.memory_space<vmem>>[vector<16xi32>, vector<16xi32>], vector<16xf32>,
        %gather3A_490 = tpu.vector_load_idx %arg15[%add3A_123, %broadcast_in_dim3A_488] : memref<80x128xf32, #tpu.memory_space<vmem>>[vector<16xi32>, vector<16xi32>], vector<16xf32>,
        %mul3A_491 = arith.mulf %gather3A_489, %gather3A_490 : vector<16xf32>
        %add3A_492 = arith.addf %add3A_486, %mul3A_491 : vector<16xf32>
        %broadcast_in_dim3A_493 = arith.constant 59 : i32
        %broadcast_in_dim3A_494 = vector.broadcast %broadcast_in_dim3A_493 : i32 to vector<16xi32>
        %gather3A_495 = tpu.vector_load_idx %arg14[%add3A_123, %broadcast_in_dim3A_494] : memref<80x128xf32, #tpu.memory_space<vmem>>[vector<16xi32>, vector<16xi32>], vector<16xf32>,
        %gather3A_496 = tpu.vector_load_idx %arg15[%add3A_123, %broadcast_in_dim3A_494] : memref<80x128xf32, #tpu.memory_space<vmem>>[vector<16xi32>, vector<16xi32>], vector<16xf32>,
        %mul3A_497 = arith.mulf %gather3A_495, %gather3A_496 : vector<16xf32>
        %add3A_498 = arith.addf %add3A_492, %mul3A_497 : vector<16xf32>
        %broadcast_in_dim3A_499 = arith.constant 60 : i32
        %broadcast_in_dim3A_500 = vector.broadcast %broadcast_in_dim3A_499 : i32 to vector<16xi32>
        %gather3A_501 = tpu.vector_load_idx %arg14[%add3A_123, %broadcast_in_dim3A_500] : memref<80x128xf32, #tpu.memory_space<vmem>>[vector<16xi32>, vector<16xi32>], vector<16xf32>,
        %gather3A_502 = tpu.vector_load_idx %arg15[%add3A_123, %broadcast_in_dim3A_500] : memref<80x128xf32, #tpu.memory_space<vmem>>[vector<16xi32>, vector<16xi32>], vector<16xf32>,
        %mul3A_503 = arith.mulf %gather3A_501, %gather3A_502 : vector<16xf32>
        %add3A_504 = arith.addf %add3A_498, %mul3A_503 : vector<16xf32>
        %broadcast_in_dim3A_505 = arith.constant 61 : i32
        %broadcast_in_dim3A_506 = vector.broadcast %broadcast_in_dim3A_505 : i32 to vector<16xi32>
        %gather3A_507 = tpu.vector_load_idx %arg14[%add3A_123, %broadcast_in_dim3A_506] : memref<80x128xf32, #tpu.memory_space<vmem>>[vector<16xi32>, vector<16xi32>], vector<16xf32>,
        %gather3A_508 = tpu.vector_load_idx %arg15[%add3A_123, %broadcast_in_dim3A_506] : memref<80x128xf32, #tpu.memory_space<vmem>>[vector<16xi32>, vector<16xi32>], vector<16xf32>,
        %mul3A_509 = arith.mulf %gather3A_507, %gather3A_508 : vector<16xf32>
        %add3A_510 = arith.addf %add3A_504, %mul3A_509 : vector<16xf32>
        %broadcast_in_dim3A_511 = arith.constant 62 : i32
        %broadcast_in_dim3A_512 = vector.broadcast %broadcast_in_dim3A_511 : i32 to vector<16xi32>
        %gather3A_513 = tpu.vector_load_idx %arg14[%add3A_123, %broadcast_in_dim3A_512] : memref<80x128xf32, #tpu.memory_space<vmem>>[vector<16xi32>, vector<16xi32>], vector<16xf32>,
        %gather3A_514 = tpu.vector_load_idx %arg15[%add3A_123, %broadcast_in_dim3A_512] : memref<80x128xf32, #tpu.memory_space<vmem>>[vector<16xi32>, vector<16xi32>], vector<16xf32>,
        %mul3A_515 = arith.mulf %gather3A_513, %gather3A_514 : vector<16xf32>
        %add3A_516 = arith.addf %add3A_510, %mul3A_515 : vector<16xf32>
        %broadcast_in_dim3A_517 = arith.constant 63 : i32
        %broadcast_in_dim3A_518 = vector.broadcast %broadcast_in_dim3A_517 : i32 to vector<16xi32>
        %gather3A_519 = tpu.vector_load_idx %arg14[%add3A_123, %broadcast_in_dim3A_518] : memref<80x128xf32, #tpu.memory_space<vmem>>[vector<16xi32>, vector<16xi32>], vector<16xf32>,
        %gather3A_520 = tpu.vector_load_idx %arg15[%add3A_123, %broadcast_in_dim3A_518] : memref<80x128xf32, #tpu.memory_space<vmem>>[vector<16xi32>, vector<16xi32>], vector<16xf32>,
        %mul3A_521 = arith.mulf %gather3A_519, %gather3A_520 : vector<16xf32>
        %add3A_522 = arith.addf %add3A_516, %mul3A_521 : vector<16xf32>
        %mul3A_523 = arith.constant 4 : i32
        %mul3A_524 = vector.broadcast %mul3A_523 : i32 to vector<16xi32>
        %mul3A_525 = arith.muli %add3A_123, %mul3A_524 : vector<16xi32>
        %add3A_526 = arith.constant 1 : i32
        %add3A_527 = vector.broadcast %add3A_526 : i32 to vector<16xi32>
        %add3A_528 = arith.addi %mul3A_525, %add3A_527 : vector<16xi32>
        %gather3A_529 = tpu.vector_load_idx %arg17[%add3A_528] : memref<320xf32, #tpu.memory_space<vmem>>[vector<16xi32>], vector<16xf32>,
        %mul3A_530 = arith.constant 0.176776692 : f32
        %mul3A_531 = vector.broadcast %mul3A_530 : f32 to vector<16xf32>
        %mul3A_532 = arith.mulf %add3A_522, %mul3A_531 : vector<16xf32>
        %mul3A_533 = arith.mulf %mul3A_532, %gather3A_529 : vector<16xf32>
        %exp3A_534 = math.exp %mul3A_533 : vector<16xf32>
        tpu.vector_store_idx %arg17[%add3A_528], %exp3A_534 : memref<320xf32, #tpu.memory_space<vmem>>[vector<16xi32>], vector<16xf32>,
        %add3A_535 = arith.addf %scan3A_117, %exp3A_534 : vector<16xf32>
        %broadcast_in_dim3A_536 = arith.constant 0.000000e+00 : f32
        %broadcast_in_dim3A_537 = vector.broadcast %broadcast_in_dim3A_536 : f32 to vector<16xf32>
        %broadcast_in_dim3A_538 = arith.constant 64 : i32
        %broadcast_in_dim3A_539 = vector.broadcast %broadcast_in_dim3A_538 : i32 to vector<16xi32>
        %gather3A_540 = tpu.vector_load_idx %arg14[%add3A_123, %broadcast_in_dim3A_539] : memref<80x128xf32, #tpu.memory_space<vmem>>[vector<16xi32>, vector<16xi32>], vector<16xf32>,
        %gather3A_541 = tpu.vector_load_idx %arg15[%add3A_123, %broadcast_in_dim3A_539] : memref<80x128xf32, #tpu.memory_space<vmem>>[vector<16xi32>, vector<16xi32>], vector<16xf32>,
        %mul3A_542 = arith.mulf %gather3A_540, %gather3A_541 : vector<16xf32>
        %add3A_543 = arith.addf %broadcast_in_dim3A_537, %mul3A_542 : vector<16xf32>
        %broadcast_in_dim3A_544 = arith.constant 65 : i32
        %broadcast_in_dim3A_545 = vector.broadcast %broadcast_in_dim3A_544 : i32 to vector<16xi32>
        %gather3A_546 = tpu.vector_load_idx %arg14[%add3A_123, %broadcast_in_dim3A_545] : memref<80x128xf32, #tpu.memory_space<vmem>>[vector<16xi32>, vector<16xi32>], vector<16xf32>,
        %gather3A_547 = tpu.vector_load_idx %arg15[%add3A_123, %broadcast_in_dim3A_545] : memref<80x128xf32, #tpu.memory_space<vmem>>[vector<16xi32>, vector<16xi32>], vector<16xf32>,
        %mul3A_548 = arith.mulf %gather3A_546, %gather3A_547 : vector<16xf32>
        %add3A_549 = arith.addf %add3A_543, %mul3A_548 : vector<16xf32>
        %broadcast_in_dim3A_550 = arith.constant 66 : i32
        %broadcast_in_dim3A_551 = vector.broadcast %broadcast_in_dim3A_550 : i32 to vector<16xi32>
        %gather3A_552 = tpu.vector_load_idx %arg14[%add3A_123, %broadcast_in_dim3A_551] : memref<80x128xf32, #tpu.memory_space<vmem>>[vector<16xi32>, vector<16xi32>], vector<16xf32>,
        %gather3A_553 = tpu.vector_load_idx %arg15[%add3A_123, %broadcast_in_dim3A_551] : memref<80x128xf32, #tpu.memory_space<vmem>>[vector<16xi32>, vector<16xi32>], vector<16xf32>,
        %mul3A_554 = arith.mulf %gather3A_552, %gather3A_553 : vector<16xf32>
        %add3A_555 = arith.addf %add3A_549, %mul3A_554 : vector<16xf32>
        %broadcast_in_dim3A_556 = arith.constant 67 : i32
        %broadcast_in_dim3A_557 = vector.broadcast %broadcast_in_dim3A_556 : i32 to vector<16xi32>
        %gather3A_558 = tpu.vector_load_idx %arg14[%add3A_123, %broadcast_in_dim3A_557] : memref<80x128xf32, #tpu.memory_space<vmem>>[vector<16xi32>, vector<16xi32>], vector<16xf32>,
        %gather3A_559 = tpu.vector_load_idx %arg15[%add3A_123, %broadcast_in_dim3A_557] : memref<80x128xf32, #tpu.memory_space<vmem>>[vector<16xi32>, vector<16xi32>], vector<16xf32>,
        %mul3A_560 = arith.mulf %gather3A_558, %gather3A_559 : vector<16xf32>
        %add3A_561 = arith.addf %add3A_555, %mul3A_560 : vector<16xf32>
        %broadcast_in_dim3A_562 = arith.constant 68 : i32
        %broadcast_in_dim3A_563 = vector.broadcast %broadcast_in_dim3A_562 : i32 to vector<16xi32>
        %gather3A_564 = tpu.vector_load_idx %arg14[%add3A_123, %broadcast_in_dim3A_563] : memref<80x128xf32, #tpu.memory_space<vmem>>[vector<16xi32>, vector<16xi32>], vector<16xf32>,
        %gather3A_565 = tpu.vector_load_idx %arg15[%add3A_123, %broadcast_in_dim3A_563] : memref<80x128xf32, #tpu.memory_space<vmem>>[vector<16xi32>, vector<16xi32>], vector<16xf32>,
        %mul3A_566 = arith.mulf %gather3A_564, %gather3A_565 : vector<16xf32>
        %add3A_567 = arith.addf %add3A_561, %mul3A_566 : vector<16xf32>
        %broadcast_in_dim3A_568 = arith.constant 69 : i32
        %broadcast_in_dim3A_569 = vector.broadcast %broadcast_in_dim3A_568 : i32 to vector<16xi32>
        %gather3A_570 = tpu.vector_load_idx %arg14[%add3A_123, %broadcast_in_dim3A_569] : memref<80x128xf32, #tpu.memory_space<vmem>>[vector<16xi32>, vector<16xi32>], vector<16xf32>,
        %gather3A_571 = tpu.vector_load_idx %arg15[%add3A_123, %broadcast_in_dim3A_569] : memref<80x128xf32, #tpu.memory_space<vmem>>[vector<16xi32>, vector<16xi32>], vector<16xf32>,
        %mul3A_572 = arith.mulf %gather3A_570, %gather3A_571 : vector<16xf32>
        %add3A_573 = arith.addf %add3A_567, %mul3A_572 : vector<16xf32>
        %broadcast_in_dim3A_574 = arith.constant 70 : i32
        %broadcast_in_dim3A_575 = vector.broadcast %broadcast_in_dim3A_574 : i32 to vector<16xi32>
        %gather3A_576 = tpu.vector_load_idx %arg14[%add3A_123, %broadcast_in_dim3A_575] : memref<80x128xf32, #tpu.memory_space<vmem>>[vector<16xi32>, vector<16xi32>], vector<16xf32>,
        %gather3A_577 = tpu.vector_load_idx %arg15[%add3A_123, %broadcast_in_dim3A_575] : memref<80x128xf32, #tpu.memory_space<vmem>>[vector<16xi32>, vector<16xi32>], vector<16xf32>,
        %mul3A_578 = arith.mulf %gather3A_576, %gather3A_577 : vector<16xf32>
        %add3A_579 = arith.addf %add3A_573, %mul3A_578 : vector<16xf32>
        %broadcast_in_dim3A_580 = arith.constant 71 : i32
        %broadcast_in_dim3A_581 = vector.broadcast %broadcast_in_dim3A_580 : i32 to vector<16xi32>
        %gather3A_582 = tpu.vector_load_idx %arg14[%add3A_123, %broadcast_in_dim3A_581] : memref<80x128xf32, #tpu.memory_space<vmem>>[vector<16xi32>, vector<16xi32>], vector<16xf32>,
        %gather3A_583 = tpu.vector_load_idx %arg15[%add3A_123, %broadcast_in_dim3A_581] : memref<80x128xf32, #tpu.memory_space<vmem>>[vector<16xi32>, vector<16xi32>], vector<16xf32>,
        %mul3A_584 = arith.mulf %gather3A_582, %gather3A_583 : vector<16xf32>
        %add3A_585 = arith.addf %add3A_579, %mul3A_584 : vector<16xf32>
        %broadcast_in_dim3A_586 = arith.constant 72 : i32
        %broadcast_in_dim3A_587 = vector.broadcast %broadcast_in_dim3A_586 : i32 to vector<16xi32>
        %gather3A_588 = tpu.vector_load_idx %arg14[%add3A_123, %broadcast_in_dim3A_587] : memref<80x128xf32, #tpu.memory_space<vmem>>[vector<16xi32>, vector<16xi32>], vector<16xf32>,
        %gather3A_589 = tpu.vector_load_idx %arg15[%add3A_123, %broadcast_in_dim3A_587] : memref<80x128xf32, #tpu.memory_space<vmem>>[vector<16xi32>, vector<16xi32>], vector<16xf32>,
        %mul3A_590 = arith.mulf %gather3A_588, %gather3A_589 : vector<16xf32>
        %add3A_591 = arith.addf %add3A_585, %mul3A_590 : vector<16xf32>
        %broadcast_in_dim3A_592 = arith.constant 73 : i32
        %broadcast_in_dim3A_593 = vector.broadcast %broadcast_in_dim3A_592 : i32 to vector<16xi32>
        %gather3A_594 = tpu.vector_load_idx %arg14[%add3A_123, %broadcast_in_dim3A_593] : memref<80x128xf32, #tpu.memory_space<vmem>>[vector<16xi32>, vector<16xi32>], vector<16xf32>,
        %gather3A_595 = tpu.vector_load_idx %arg15[%add3A_123, %broadcast_in_dim3A_593] : memref<80x128xf32, #tpu.memory_space<vmem>>[vector<16xi32>, vector<16xi32>], vector<16xf32>,
        %mul3A_596 = arith.mulf %gather3A_594, %gather3A_595 : vector<16xf32>
        %add3A_597 = arith.addf %add3A_591, %mul3A_596 : vector<16xf32>
        %broadcast_in_dim3A_598 = arith.constant 74 : i32
        %broadcast_in_dim3A_599 = vector.broadcast %broadcast_in_dim3A_598 : i32 to vector<16xi32>
        %gather3A_600 = tpu.vector_load_idx %arg14[%add3A_123, %broadcast_in_dim3A_599] : memref<80x128xf32, #tpu.memory_space<vmem>>[vector<16xi32>, vector<16xi32>], vector<16xf32>,
        %gather3A_601 = tpu.vector_load_idx %arg15[%add3A_123, %broadcast_in_dim3A_599] : memref<80x128xf32, #tpu.memory_space<vmem>>[vector<16xi32>, vector<16xi32>], vector<16xf32>,
        %mul3A_602 = arith.mulf %gather3A_600, %gather3A_601 : vector<16xf32>
        %add3A_603 = arith.addf %add3A_597, %mul3A_602 : vector<16xf32>
        %broadcast_in_dim3A_604 = arith.constant 75 : i32
        %broadcast_in_dim3A_605 = vector.broadcast %broadcast_in_dim3A_604 : i32 to vector<16xi32>
        %gather3A_606 = tpu.vector_load_idx %arg14[%add3A_123, %broadcast_in_dim3A_605] : memref<80x128xf32, #tpu.memory_space<vmem>>[vector<16xi32>, vector<16xi32>], vector<16xf32>,
        %gather3A_607 = tpu.vector_load_idx %arg15[%add3A_123, %broadcast_in_dim3A_605] : memref<80x128xf32, #tpu.memory_space<vmem>>[vector<16xi32>, vector<16xi32>], vector<16xf32>,
        %mul3A_608 = arith.mulf %gather3A_606, %gather3A_607 : vector<16xf32>
        %add3A_609 = arith.addf %add3A_603, %mul3A_608 : vector<16xf32>
        %broadcast_in_dim3A_610 = arith.constant 76 : i32
        %broadcast_in_dim3A_611 = vector.broadcast %broadcast_in_dim3A_610 : i32 to vector<16xi32>
        %gather3A_612 = tpu.vector_load_idx %arg14[%add3A_123, %broadcast_in_dim3A_611] : memref<80x128xf32, #tpu.memory_space<vmem>>[vector<16xi32>, vector<16xi32>], vector<16xf32>,
        %gather3A_613 = tpu.vector_load_idx %arg15[%add3A_123, %broadcast_in_dim3A_611] : memref<80x128xf32, #tpu.memory_space<vmem>>[vector<16xi32>, vector<16xi32>], vector<16xf32>,
        %mul3A_614 = arith.mulf %gather3A_612, %gather3A_613 : vector<16xf32>
        %add3A_615 = arith.addf %add3A_609, %mul3A_614 : vector<16xf32>
        %broadcast_in_dim3A_616 = arith.constant 77 : i32
        %broadcast_in_dim3A_617 = vector.broadcast %broadcast_in_dim3A_616 : i32 to vector<16xi32>
        %gather3A_618 = tpu.vector_load_idx %arg14[%add3A_123, %broadcast_in_dim3A_617] : memref<80x128xf32, #tpu.memory_space<vmem>>[vector<16xi32>, vector<16xi32>], vector<16xf32>,
        %gather3A_619 = tpu.vector_load_idx %arg15[%add3A_123, %broadcast_in_dim3A_617] : memref<80x128xf32, #tpu.memory_space<vmem>>[vector<16xi32>, vector<16xi32>], vector<16xf32>,
        %mul3A_620 = arith.mulf %gather3A_618, %gather3A_619 : vector<16xf32>
        %add3A_621 = arith.addf %add3A_615, %mul3A_620 : vector<16xf32>
        %broadcast_in_dim3A_622 = arith.constant 78 : i32
        %broadcast_in_dim3A_623 = vector.broadcast %broadcast_in_dim3A_622 : i32 to vector<16xi32>
        %gather3A_624 = tpu.vector_load_idx %arg14[%add3A_123, %broadcast_in_dim3A_623] : memref<80x128xf32, #tpu.memory_space<vmem>>[vector<16xi32>, vector<16xi32>], vector<16xf32>,
        %gather3A_625 = tpu.vector_load_idx %arg15[%add3A_123, %broadcast_in_dim3A_623] : memref<80x128xf32, #tpu.memory_space<vmem>>[vector<16xi32>, vector<16xi32>], vector<16xf32>,
        %mul3A_626 = arith.mulf %gather3A_624, %gather3A_625 : vector<16xf32>
        %add3A_627 = arith.addf %add3A_621, %mul3A_626 : vector<16xf32>
        %broadcast_in_dim3A_628 = arith.constant 79 : i32
        %broadcast_in_dim3A_629 = vector.broadcast %broadcast_in_dim3A_628 : i32 to vector<16xi32>
        %gather3A_630 = tpu.vector_load_idx %arg14[%add3A_123, %broadcast_in_dim3A_629] : memref<80x128xf32, #tpu.memory_space<vmem>>[vector<16xi32>, vector<16xi32>], vector<16xf32>,
        %gather3A_631 = tpu.vector_load_idx %arg15[%add3A_123, %broadcast_in_dim3A_629] : memref<80x128xf32, #tpu.memory_space<vmem>>[vector<16xi32>, vector<16xi32>], vector<16xf32>,
        %mul3A_632 = arith.mulf %gather3A_630, %gather3A_631 : vector<16xf32>
        %add3A_633 = arith.addf %add3A_627, %mul3A_632 : vector<16xf32>
        %broadcast_in_dim3A_634 = arith.constant 80 : i32
        %broadcast_in_dim3A_635 = vector.broadcast %broadcast_in_dim3A_634 : i32 to vector<16xi32>
        %gather3A_636 = tpu.vector_load_idx %arg14[%add3A_123, %broadcast_in_dim3A_635] : memref<80x128xf32, #tpu.memory_space<vmem>>[vector<16xi32>, vector<16xi32>], vector<16xf32>,
        %gather3A_637 = tpu.vector_load_idx %arg15[%add3A_123, %broadcast_in_dim3A_635] : memref<80x128xf32, #tpu.memory_space<vmem>>[vector<16xi32>, vector<16xi32>], vector<16xf32>,
        %mul3A_638 = arith.mulf %gather3A_636, %gather3A_637 : vector<16xf32>
        %add3A_639 = arith.addf %add3A_633, %mul3A_638 : vector<16xf32>
        %broadcast_in_dim3A_640 = arith.constant 81 : i32
        %broadcast_in_dim3A_641 = vector.broadcast %broadcast_in_dim3A_640 : i32 to vector<16xi32>
        %gather3A_642 = tpu.vector_load_idx %arg14[%add3A_123, %broadcast_in_dim3A_641] : memref<80x128xf32, #tpu.memory_space<vmem>>[vector<16xi32>, vector<16xi32>], vector<16xf32>,
        %gather3A_643 = tpu.vector_load_idx %arg15[%add3A_123, %broadcast_in_dim3A_641] : memref<80x128xf32, #tpu.memory_space<vmem>>[vector<16xi32>, vector<16xi32>], vector<16xf32>,
        %mul3A_644 = arith.mulf %gather3A_642, %gather3A_643 : vector<16xf32>
        %add3A_645 = arith.addf %add3A_639, %mul3A_644 : vector<16xf32>
        %broadcast_in_dim3A_646 = arith.constant 82 : i32
        %broadcast_in_dim3A_647 = vector.broadcast %broadcast_in_dim3A_646 : i32 to vector<16xi32>
        %gather3A_648 = tpu.vector_load_idx %arg14[%add3A_123, %broadcast_in_dim3A_647] : memref<80x128xf32, #tpu.memory_space<vmem>>[vector<16xi32>, vector<16xi32>], vector<16xf32>,
        %gather3A_649 = tpu.vector_load_idx %arg15[%add3A_123, %broadcast_in_dim3A_647] : memref<80x128xf32, #tpu.memory_space<vmem>>[vector<16xi32>, vector<16xi32>], vector<16xf32>,
        %mul3A_650 = arith.mulf %gather3A_648, %gather3A_649 : vector<16xf32>
        %add3A_651 = arith.addf %add3A_645, %mul3A_650 : vector<16xf32>
        %broadcast_in_dim3A_652 = arith.constant 83 : i32
        %broadcast_in_dim3A_653 = vector.broadcast %broadcast_in_dim3A_652 : i32 to vector<16xi32>
        %gather3A_654 = tpu.vector_load_idx %arg14[%add3A_123, %broadcast_in_dim3A_653] : memref<80x128xf32, #tpu.memory_space<vmem>>[vector<16xi32>, vector<16xi32>], vector<16xf32>,
        %gather3A_655 = tpu.vector_load_idx %arg15[%add3A_123, %broadcast_in_dim3A_653] : memref<80x128xf32, #tpu.memory_space<vmem>>[vector<16xi32>, vector<16xi32>], vector<16xf32>,
        %mul3A_656 = arith.mulf %gather3A_654, %gather3A_655 : vector<16xf32>
        %add3A_657 = arith.addf %add3A_651, %mul3A_656 : vector<16xf32>
        %broadcast_in_dim3A_658 = arith.constant 84 : i32
        %broadcast_in_dim3A_659 = vector.broadcast %broadcast_in_dim3A_658 : i32 to vector<16xi32>
        %gather3A_660 = tpu.vector_load_idx %arg14[%add3A_123, %broadcast_in_dim3A_659] : memref<80x128xf32, #tpu.memory_space<vmem>>[vector<16xi32>, vector<16xi32>], vector<16xf32>,
        %gather3A_661 = tpu.vector_load_idx %arg15[%add3A_123, %broadcast_in_dim3A_659] : memref<80x128xf32, #tpu.memory_space<vmem>>[vector<16xi32>, vector<16xi32>], vector<16xf32>,
        %mul3A_662 = arith.mulf %gather3A_660, %gather3A_661 : vector<16xf32>
        %add3A_663 = arith.addf %add3A_657, %mul3A_662 : vector<16xf32>
        %broadcast_in_dim3A_664 = arith.constant 85 : i32
        %broadcast_in_dim3A_665 = vector.broadcast %broadcast_in_dim3A_664 : i32 to vector<16xi32>
        %gather3A_666 = tpu.vector_load_idx %arg14[%add3A_123, %broadcast_in_dim3A_665] : memref<80x128xf32, #tpu.memory_space<vmem>>[vector<16xi32>, vector<16xi32>], vector<16xf32>,
        %gather3A_667 = tpu.vector_load_idx %arg15[%add3A_123, %broadcast_in_dim3A_665] : memref<80x128xf32, #tpu.memory_space<vmem>>[vector<16xi32>, vector<16xi32>], vector<16xf32>,
        %mul3A_668 = arith.mulf %gather3A_666, %gather3A_667 : vector<16xf32>
        %add3A_669 = arith.addf %add3A_663, %mul3A_668 : vector<16xf32>
        %broadcast_in_dim3A_670 = arith.constant 86 : i32
        %broadcast_in_dim3A_671 = vector.broadcast %broadcast_in_dim3A_670 : i32 to vector<16xi32>
        %gather3A_672 = tpu.vector_load_idx %arg14[%add3A_123, %broadcast_in_dim3A_671] : memref<80x128xf32, #tpu.memory_space<vmem>>[vector<16xi32>, vector<16xi32>], vector<16xf32>,
        %gather3A_673 = tpu.vector_load_idx %arg15[%add3A_123, %broadcast_in_dim3A_671] : memref<80x128xf32, #tpu.memory_space<vmem>>[vector<16xi32>, vector<16xi32>], vector<16xf32>,
        %mul3A_674 = arith.mulf %gather3A_672, %gather3A_673 : vector<16xf32>
        %add3A_675 = arith.addf %add3A_669, %mul3A_674 : vector<16xf32>
        %broadcast_in_dim3A_676 = arith.constant 87 : i32
        %broadcast_in_dim3A_677 = vector.broadcast %broadcast_in_dim3A_676 : i32 to vector<16xi32>
        %gather3A_678 = tpu.vector_load_idx %arg14[%add3A_123, %broadcast_in_dim3A_677] : memref<80x128xf32, #tpu.memory_space<vmem>>[vector<16xi32>, vector<16xi32>], vector<16xf32>,
        %gather3A_679 = tpu.vector_load_idx %arg15[%add3A_123, %broadcast_in_dim3A_677] : memref<80x128xf32, #tpu.memory_space<vmem>>[vector<16xi32>, vector<16xi32>], vector<16xf32>,
        %mul3A_680 = arith.mulf %gather3A_678, %gather3A_679 : vector<16xf32>
        %add3A_681 = arith.addf %add3A_675, %mul3A_680 : vector<16xf32>
        %broadcast_in_dim3A_682 = arith.constant 88 : i32
        %broadcast_in_dim3A_683 = vector.broadcast %broadcast_in_dim3A_682 : i32 to vector<16xi32>
        %gather3A_684 = tpu.vector_load_idx %arg14[%add3A_123, %broadcast_in_dim3A_683] : memref<80x128xf32, #tpu.memory_space<vmem>>[vector<16xi32>, vector<16xi32>], vector<16xf32>,
        %gather3A_685 = tpu.vector_load_idx %arg15[%add3A_123, %broadcast_in_dim3A_683] : memref<80x128xf32, #tpu.memory_space<vmem>>[vector<16xi32>, vector<16xi32>], vector<16xf32>,
        %mul3A_686 = arith.mulf %gather3A_684, %gather3A_685 : vector<16xf32>
        %add3A_687 = arith.addf %add3A_681, %mul3A_686 : vector<16xf32>
        %broadcast_in_dim3A_688 = arith.constant 89 : i32
        %broadcast_in_dim3A_689 = vector.broadcast %broadcast_in_dim3A_688 : i32 to vector<16xi32>
        %gather3A_690 = tpu.vector_load_idx %arg14[%add3A_123, %broadcast_in_dim3A_689] : memref<80x128xf32, #tpu.memory_space<vmem>>[vector<16xi32>, vector<16xi32>], vector<16xf32>,
        %gather3A_691 = tpu.vector_load_idx %arg15[%add3A_123, %broadcast_in_dim3A_689] : memref<80x128xf32, #tpu.memory_space<vmem>>[vector<16xi32>, vector<16xi32>], vector<16xf32>,
        %mul3A_692 = arith.mulf %gather3A_690, %gather3A_691 : vector<16xf32>
        %add3A_693 = arith.addf %add3A_687, %mul3A_692 : vector<16xf32>
        %broadcast_in_dim3A_694 = arith.constant 90 : i32
        %broadcast_in_dim3A_695 = vector.broadcast %broadcast_in_dim3A_694 : i32 to vector<16xi32>
        %gather3A_696 = tpu.vector_load_idx %arg14[%add3A_123, %broadcast_in_dim3A_695] : memref<80x128xf32, #tpu.memory_space<vmem>>[vector<16xi32>, vector<16xi32>], vector<16xf32>,
        %gather3A_697 = tpu.vector_load_idx %arg15[%add3A_123, %broadcast_in_dim3A_695] : memref<80x128xf32, #tpu.memory_space<vmem>>[vector<16xi32>, vector<16xi32>], vector<16xf32>,
        %mul3A_698 = arith.mulf %gather3A_696, %gather3A_697 : vector<16xf32>
        %add3A_699 = arith.addf %add3A_693, %mul3A_698 : vector<16xf32>
        %broadcast_in_dim3A_700 = arith.constant 91 : i32
        %broadcast_in_dim3A_701 = vector.broadcast %broadcast_in_dim3A_700 : i32 to vector<16xi32>
        %gather3A_702 = tpu.vector_load_idx %arg14[%add3A_123, %broadcast_in_dim3A_701] : memref<80x128xf32, #tpu.memory_space<vmem>>[vector<16xi32>, vector<16xi32>], vector<16xf32>,
        %gather3A_703 = tpu.vector_load_idx %arg15[%add3A_123, %broadcast_in_dim3A_701] : memref<80x128xf32, #tpu.memory_space<vmem>>[vector<16xi32>, vector<16xi32>], vector<16xf32>,
        %mul3A_704 = arith.mulf %gather3A_702, %gather3A_703 : vector<16xf32>
        %add3A_705 = arith.addf %add3A_699, %mul3A_704 : vector<16xf32>
        %broadcast_in_dim3A_706 = arith.constant 92 : i32
        %broadcast_in_dim3A_707 = vector.broadcast %broadcast_in_dim3A_706 : i32 to vector<16xi32>
        %gather3A_708 = tpu.vector_load_idx %arg14[%add3A_123, %broadcast_in_dim3A_707] : memref<80x128xf32, #tpu.memory_space<vmem>>[vector<16xi32>, vector<16xi32>], vector<16xf32>,
        %gather3A_709 = tpu.vector_load_idx %arg15[%add3A_123, %broadcast_in_dim3A_707] : memref<80x128xf32, #tpu.memory_space<vmem>>[vector<16xi32>, vector<16xi32>], vector<16xf32>,
        %mul3A_710 = arith.mulf %gather3A_708, %gather3A_709 : vector<16xf32>
        %add3A_711 = arith.addf %add3A_705, %mul3A_710 : vector<16xf32>
        %broadcast_in_dim3A_712 = arith.constant 93 : i32
        %broadcast_in_dim3A_713 = vector.broadcast %broadcast_in_dim3A_712 : i32 to vector<16xi32>
        %gather3A_714 = tpu.vector_load_idx %arg14[%add3A_123, %broadcast_in_dim3A_713] : memref<80x128xf32, #tpu.memory_space<vmem>>[vector<16xi32>, vector<16xi32>], vector<16xf32>,
        %gather3A_715 = tpu.vector_load_idx %arg15[%add3A_123, %broadcast_in_dim3A_713] : memref<80x128xf32, #tpu.memory_space<vmem>>[vector<16xi32>, vector<16xi32>], vector<16xf32>,
        %mul3A_716 = arith.mulf %gather3A_714, %gather3A_715 : vector<16xf32>
        %add3A_717 = arith.addf %add3A_711, %mul3A_716 : vector<16xf32>
        %broadcast_in_dim3A_718 = arith.constant 94 : i32
        %broadcast_in_dim3A_719 = vector.broadcast %broadcast_in_dim3A_718 : i32 to vector<16xi32>
        %gather3A_720 = tpu.vector_load_idx %arg14[%add3A_123, %broadcast_in_dim3A_719] : memref<80x128xf32, #tpu.memory_space<vmem>>[vector<16xi32>, vector<16xi32>], vector<16xf32>,
        %gather3A_721 = tpu.vector_load_idx %arg15[%add3A_123, %broadcast_in_dim3A_719] : memref<80x128xf32, #tpu.memory_space<vmem>>[vector<16xi32>, vector<16xi32>], vector<16xf32>,
        %mul3A_722 = arith.mulf %gather3A_720, %gather3A_721 : vector<16xf32>
        %add3A_723 = arith.addf %add3A_717, %mul3A_722 : vector<16xf32>
        %broadcast_in_dim3A_724 = arith.constant 95 : i32
        %broadcast_in_dim3A_725 = vector.broadcast %broadcast_in_dim3A_724 : i32 to vector<16xi32>
        %gather3A_726 = tpu.vector_load_idx %arg14[%add3A_123, %broadcast_in_dim3A_725] : memref<80x128xf32, #tpu.memory_space<vmem>>[vector<16xi32>, vector<16xi32>], vector<16xf32>,
        %gather3A_727 = tpu.vector_load_idx %arg15[%add3A_123, %broadcast_in_dim3A_725] : memref<80x128xf32, #tpu.memory_space<vmem>>[vector<16xi32>, vector<16xi32>], vector<16xf32>,
        %mul3A_728 = arith.mulf %gather3A_726, %gather3A_727 : vector<16xf32>
        %add3A_729 = arith.addf %add3A_723, %mul3A_728 : vector<16xf32>
        %mul3A_730 = arith.constant 4 : i32
        %mul3A_731 = vector.broadcast %mul3A_730 : i32 to vector<16xi32>
        %mul3A_732 = arith.muli %add3A_123, %mul3A_731 : vector<16xi32>
        %add3A_733 = arith.constant 2 : i32
        %add3A_734 = vector.broadcast %add3A_733 : i32 to vector<16xi32>
        %add3A_735 = arith.addi %mul3A_732, %add3A_734 : vector<16xi32>
        %gather3A_736 = tpu.vector_load_idx %arg17[%add3A_735] : memref<320xf32, #tpu.memory_space<vmem>>[vector<16xi32>], vector<16xf32>,
        %mul3A_737 = arith.constant 0.176776692 : f32
        %mul3A_738 = vector.broadcast %mul3A_737 : f32 to vector<16xf32>
        %mul3A_739 = arith.mulf %add3A_729, %mul3A_738 : vector<16xf32>
        %mul3A_740 = arith.mulf %mul3A_739, %gather3A_736 : vector<16xf32>
        %exp3A_741 = math.exp %mul3A_740 : vector<16xf32>
        tpu.vector_store_idx %arg17[%add3A_735], %exp3A_741 : memref<320xf32, #tpu.memory_space<vmem>>[vector<16xi32>], vector<16xf32>,
        %add3A_742 = arith.addf %scan3A_118, %exp3A_741 : vector<16xf32>
        %broadcast_in_dim3A_743 = arith.constant 0.000000e+00 : f32
        %broadcast_in_dim3A_744 = vector.broadcast %broadcast_in_dim3A_743 : f32 to vector<16xf32>
        %broadcast_in_dim3A_745 = arith.constant 96 : i32
        %broadcast_in_dim3A_746 = vector.broadcast %broadcast_in_dim3A_745 : i32 to vector<16xi32>
        %gather3A_747 = tpu.vector_load_idx %arg14[%add3A_123, %broadcast_in_dim3A_746] : memref<80x128xf32, #tpu.memory_space<vmem>>[vector<16xi32>, vector<16xi32>], vector<16xf32>,
        %gather3A_748 = tpu.vector_load_idx %arg15[%add3A_123, %broadcast_in_dim3A_746] : memref<80x128xf32, #tpu.memory_space<vmem>>[vector<16xi32>, vector<16xi32>], vector<16xf32>,
        %mul3A_749 = arith.mulf %gather3A_747, %gather3A_748 : vector<16xf32>
        %add3A_750 = arith.addf %broadcast_in_dim3A_744, %mul3A_749 : vector<16xf32>
        %broadcast_in_dim3A_751 = arith.constant 97 : i32
        %broadcast_in_dim3A_752 = vector.broadcast %broadcast_in_dim3A_751 : i32 to vector<16xi32>
        %gather3A_753 = tpu.vector_load_idx %arg14[%add3A_123, %broadcast_in_dim3A_752] : memref<80x128xf32, #tpu.memory_space<vmem>>[vector<16xi32>, vector<16xi32>], vector<16xf32>,
        %gather3A_754 = tpu.vector_load_idx %arg15[%add3A_123, %broadcast_in_dim3A_752] : memref<80x128xf32, #tpu.memory_space<vmem>>[vector<16xi32>, vector<16xi32>], vector<16xf32>,
        %mul3A_755 = arith.mulf %gather3A_753, %gather3A_754 : vector<16xf32>
        %add3A_756 = arith.addf %add3A_750, %mul3A_755 : vector<16xf32>
        %broadcast_in_dim3A_757 = arith.constant 98 : i32
        %broadcast_in_dim3A_758 = vector.broadcast %broadcast_in_dim3A_757 : i32 to vector<16xi32>
        %gather3A_759 = tpu.vector_load_idx %arg14[%add3A_123, %broadcast_in_dim3A_758] : memref<80x128xf32, #tpu.memory_space<vmem>>[vector<16xi32>, vector<16xi32>], vector<16xf32>,
        %gather3A_760 = tpu.vector_load_idx %arg15[%add3A_123, %broadcast_in_dim3A_758] : memref<80x128xf32, #tpu.memory_space<vmem>>[vector<16xi32>, vector<16xi32>], vector<16xf32>,
        %mul3A_761 = arith.mulf %gather3A_759, %gather3A_760 : vector<16xf32>
        %add3A_762 = arith.addf %add3A_756, %mul3A_761 : vector<16xf32>
        %broadcast_in_dim3A_763 = arith.constant 99 : i32
        %broadcast_in_dim3A_764 = vector.broadcast %broadcast_in_dim3A_763 : i32 to vector<16xi32>
        %gather3A_765 = tpu.vector_load_idx %arg14[%add3A_123, %broadcast_in_dim3A_764] : memref<80x128xf32, #tpu.memory_space<vmem>>[vector<16xi32>, vector<16xi32>], vector<16xf32>,
        %gather3A_766 = tpu.vector_load_idx %arg15[%add3A_123, %broadcast_in_dim3A_764] : memref<80x128xf32, #tpu.memory_space<vmem>>[vector<16xi32>, vector<16xi32>], vector<16xf32>,
        %mul3A_767 = arith.mulf %gather3A_765, %gather3A_766 : vector<16xf32>
        %add3A_768 = arith.addf %add3A_762, %mul3A_767 : vector<16xf32>
        %broadcast_in_dim3A_769 = arith.constant 100 : i32
        %broadcast_in_dim3A_770 = vector.broadcast %broadcast_in_dim3A_769 : i32 to vector<16xi32>
        %gather3A_771 = tpu.vector_load_idx %arg14[%add3A_123, %broadcast_in_dim3A_770] : memref<80x128xf32, #tpu.memory_space<vmem>>[vector<16xi32>, vector<16xi32>], vector<16xf32>,
        %gather3A_772 = tpu.vector_load_idx %arg15[%add3A_123, %broadcast_in_dim3A_770] : memref<80x128xf32, #tpu.memory_space<vmem>>[vector<16xi32>, vector<16xi32>], vector<16xf32>,
        %mul3A_773 = arith.mulf %gather3A_771, %gather3A_772 : vector<16xf32>
        %add3A_774 = arith.addf %add3A_768, %mul3A_773 : vector<16xf32>
        %broadcast_in_dim3A_775 = arith.constant 101 : i32
        %broadcast_in_dim3A_776 = vector.broadcast %broadcast_in_dim3A_775 : i32 to vector<16xi32>
        %gather3A_777 = tpu.vector_load_idx %arg14[%add3A_123, %broadcast_in_dim3A_776] : memref<80x128xf32, #tpu.memory_space<vmem>>[vector<16xi32>, vector<16xi32>], vector<16xf32>,
        %gather3A_778 = tpu.vector_load_idx %arg15[%add3A_123, %broadcast_in_dim3A_776] : memref<80x128xf32, #tpu.memory_space<vmem>>[vector<16xi32>, vector<16xi32>], vector<16xf32>,
        %mul3A_779 = arith.mulf %gather3A_777, %gather3A_778 : vector<16xf32>
        %add3A_780 = arith.addf %add3A_774, %mul3A_779 : vector<16xf32>
        %broadcast_in_dim3A_781 = arith.constant 102 : i32
        %broadcast_in_dim3A_782 = vector.broadcast %broadcast_in_dim3A_781 : i32 to vector<16xi32>
        %gather3A_783 = tpu.vector_load_idx %arg14[%add3A_123, %broadcast_in_dim3A_782] : memref<80x128xf32, #tpu.memory_space<vmem>>[vector<16xi32>, vector<16xi32>], vector<16xf32>,
        %gather3A_784 = tpu.vector_load_idx %arg15[%add3A_123, %broadcast_in_dim3A_782] : memref<80x128xf32, #tpu.memory_space<vmem>>[vector<16xi32>, vector<16xi32>], vector<16xf32>,
        %mul3A_785 = arith.mulf %gather3A_783, %gather3A_784 : vector<16xf32>
        %add3A_786 = arith.addf %add3A_780, %mul3A_785 : vector<16xf32>
        %broadcast_in_dim3A_787 = arith.constant 103 : i32
        %broadcast_in_dim3A_788 = vector.broadcast %broadcast_in_dim3A_787 : i32 to vector<16xi32>
        %gather3A_789 = tpu.vector_load_idx %arg14[%add3A_123, %broadcast_in_dim3A_788] : memref<80x128xf32, #tpu.memory_space<vmem>>[vector<16xi32>, vector<16xi32>], vector<16xf32>,
        %gather3A_790 = tpu.vector_load_idx %arg15[%add3A_123, %broadcast_in_dim3A_788] : memref<80x128xf32, #tpu.memory_space<vmem>>[vector<16xi32>, vector<16xi32>], vector<16xf32>,
        %mul3A_791 = arith.mulf %gather3A_789, %gather3A_790 : vector<16xf32>
        %add3A_792 = arith.addf %add3A_786, %mul3A_791 : vector<16xf32>
        %broadcast_in_dim3A_793 = arith.constant 104 : i32
        %broadcast_in_dim3A_794 = vector.broadcast %broadcast_in_dim3A_793 : i32 to vector<16xi32>
        %gather3A_795 = tpu.vector_load_idx %arg14[%add3A_123, %broadcast_in_dim3A_794] : memref<80x128xf32, #tpu.memory_space<vmem>>[vector<16xi32>, vector<16xi32>], vector<16xf32>,
        %gather3A_796 = tpu.vector_load_idx %arg15[%add3A_123, %broadcast_in_dim3A_794] : memref<80x128xf32, #tpu.memory_space<vmem>>[vector<16xi32>, vector<16xi32>], vector<16xf32>,
        %mul3A_797 = arith.mulf %gather3A_795, %gather3A_796 : vector<16xf32>
        %add3A_798 = arith.addf %add3A_792, %mul3A_797 : vector<16xf32>
        %broadcast_in_dim3A_799 = arith.constant 105 : i32
        %broadcast_in_dim3A_800 = vector.broadcast %broadcast_in_dim3A_799 : i32 to vector<16xi32>
        %gather3A_801 = tpu.vector_load_idx %arg14[%add3A_123, %broadcast_in_dim3A_800] : memref<80x128xf32, #tpu.memory_space<vmem>>[vector<16xi32>, vector<16xi32>], vector<16xf32>,
        %gather3A_802 = tpu.vector_load_idx %arg15[%add3A_123, %broadcast_in_dim3A_800] : memref<80x128xf32, #tpu.memory_space<vmem>>[vector<16xi32>, vector<16xi32>], vector<16xf32>,
        %mul3A_803 = arith.mulf %gather3A_801, %gather3A_802 : vector<16xf32>
        %add3A_804 = arith.addf %add3A_798, %mul3A_803 : vector<16xf32>
        %broadcast_in_dim3A_805 = arith.constant 106 : i32
        %broadcast_in_dim3A_806 = vector.broadcast %broadcast_in_dim3A_805 : i32 to vector<16xi32>
        %gather3A_807 = tpu.vector_load_idx %arg14[%add3A_123, %broadcast_in_dim3A_806] : memref<80x128xf32, #tpu.memory_space<vmem>>[vector<16xi32>, vector<16xi32>], vector<16xf32>,
        %gather3A_808 = tpu.vector_load_idx %arg15[%add3A_123, %broadcast_in_dim3A_806] : memref<80x128xf32, #tpu.memory_space<vmem>>[vector<16xi32>, vector<16xi32>], vector<16xf32>,
        %mul3A_809 = arith.mulf %gather3A_807, %gather3A_808 : vector<16xf32>
        %add3A_810 = arith.addf %add3A_804, %mul3A_809 : vector<16xf32>
        %broadcast_in_dim3A_811 = arith.constant 107 : i32
        %broadcast_in_dim3A_812 = vector.broadcast %broadcast_in_dim3A_811 : i32 to vector<16xi32>
        %gather3A_813 = tpu.vector_load_idx %arg14[%add3A_123, %broadcast_in_dim3A_812] : memref<80x128xf32, #tpu.memory_space<vmem>>[vector<16xi32>, vector<16xi32>], vector<16xf32>,
        %gather3A_814 = tpu.vector_load_idx %arg15[%add3A_123, %broadcast_in_dim3A_812] : memref<80x128xf32, #tpu.memory_space<vmem>>[vector<16xi32>, vector<16xi32>], vector<16xf32>,
        %mul3A_815 = arith.mulf %gather3A_813, %gather3A_814 : vector<16xf32>
        %add3A_816 = arith.addf %add3A_810, %mul3A_815 : vector<16xf32>
        %broadcast_in_dim3A_817 = arith.constant 108 : i32
        %broadcast_in_dim3A_818 = vector.broadcast %broadcast_in_dim3A_817 : i32 to vector<16xi32>
        %gather3A_819 = tpu.vector_load_idx %arg14[%add3A_123, %broadcast_in_dim3A_818] : memref<80x128xf32, #tpu.memory_space<vmem>>[vector<16xi32>, vector<16xi32>], vector<16xf32>,
        %gather3A_820 = tpu.vector_load_idx %arg15[%add3A_123, %broadcast_in_dim3A_818] : memref<80x128xf32, #tpu.memory_space<vmem>>[vector<16xi32>, vector<16xi32>], vector<16xf32>,
        %mul3A_821 = arith.mulf %gather3A_819, %gather3A_820 : vector<16xf32>
        %add3A_822 = arith.addf %add3A_816, %mul3A_821 : vector<16xf32>
        %broadcast_in_dim3A_823 = arith.constant 109 : i32
        %broadcast_in_dim3A_824 = vector.broadcast %broadcast_in_dim3A_823 : i32 to vector<16xi32>
        %gather3A_825 = tpu.vector_load_idx %arg14[%add3A_123, %broadcast_in_dim3A_824] : memref<80x128xf32, #tpu.memory_space<vmem>>[vector<16xi32>, vector<16xi32>], vector<16xf32>,
        %gather3A_826 = tpu.vector_load_idx %arg15[%add3A_123, %broadcast_in_dim3A_824] : memref<80x128xf32, #tpu.memory_space<vmem>>[vector<16xi32>, vector<16xi32>], vector<16xf32>,
        %mul3A_827 = arith.mulf %gather3A_825, %gather3A_826 : vector<16xf32>
        %add3A_828 = arith.addf %add3A_822, %mul3A_827 : vector<16xf32>
        %broadcast_in_dim3A_829 = arith.constant 110 : i32
        %broadcast_in_dim3A_830 = vector.broadcast %broadcast_in_dim3A_829 : i32 to vector<16xi32>
        %gather3A_831 = tpu.vector_load_idx %arg14[%add3A_123, %broadcast_in_dim3A_830] : memref<80x128xf32, #tpu.memory_space<vmem>>[vector<16xi32>, vector<16xi32>], vector<16xf32>,
        %gather3A_832 = tpu.vector_load_idx %arg15[%add3A_123, %broadcast_in_dim3A_830] : memref<80x128xf32, #tpu.memory_space<vmem>>[vector<16xi32>, vector<16xi32>], vector<16xf32>,
        %mul3A_833 = arith.mulf %gather3A_831, %gather3A_832 : vector<16xf32>
        %add3A_834 = arith.addf %add3A_828, %mul3A_833 : vector<16xf32>
        %broadcast_in_dim3A_835 = arith.constant 111 : i32
        %broadcast_in_dim3A_836 = vector.broadcast %broadcast_in_dim3A_835 : i32 to vector<16xi32>
        %gather3A_837 = tpu.vector_load_idx %arg14[%add3A_123, %broadcast_in_dim3A_836] : memref<80x128xf32, #tpu.memory_space<vmem>>[vector<16xi32>, vector<16xi32>], vector<16xf32>,
        %gather3A_838 = tpu.vector_load_idx %arg15[%add3A_123, %broadcast_in_dim3A_836] : memref<80x128xf32, #tpu.memory_space<vmem>>[vector<16xi32>, vector<16xi32>], vector<16xf32>,
        %mul3A_839 = arith.mulf %gather3A_837, %gather3A_838 : vector<16xf32>
        %add3A_840 = arith.addf %add3A_834, %mul3A_839 : vector<16xf32>
        %broadcast_in_dim3A_841 = arith.constant 112 : i32
        %broadcast_in_dim3A_842 = vector.broadcast %broadcast_in_dim3A_841 : i32 to vector<16xi32>
        %gather3A_843 = tpu.vector_load_idx %arg14[%add3A_123, %broadcast_in_dim3A_842] : memref<80x128xf32, #tpu.memory_space<vmem>>[vector<16xi32>, vector<16xi32>], vector<16xf32>,
        %gather3A_844 = tpu.vector_load_idx %arg15[%add3A_123, %broadcast_in_dim3A_842] : memref<80x128xf32, #tpu.memory_space<vmem>>[vector<16xi32>, vector<16xi32>], vector<16xf32>,
        %mul3A_845 = arith.mulf %gather3A_843, %gather3A_844 : vector<16xf32>
        %add3A_846 = arith.addf %add3A_840, %mul3A_845 : vector<16xf32>
        %broadcast_in_dim3A_847 = arith.constant 113 : i32
        %broadcast_in_dim3A_848 = vector.broadcast %broadcast_in_dim3A_847 : i32 to vector<16xi32>
        %gather3A_849 = tpu.vector_load_idx %arg14[%add3A_123, %broadcast_in_dim3A_848] : memref<80x128xf32, #tpu.memory_space<vmem>>[vector<16xi32>, vector<16xi32>], vector<16xf32>,
        %gather3A_850 = tpu.vector_load_idx %arg15[%add3A_123, %broadcast_in_dim3A_848] : memref<80x128xf32, #tpu.memory_space<vmem>>[vector<16xi32>, vector<16xi32>], vector<16xf32>,
        %mul3A_851 = arith.mulf %gather3A_849, %gather3A_850 : vector<16xf32>
        %add3A_852 = arith.addf %add3A_846, %mul3A_851 : vector<16xf32>
        %broadcast_in_dim3A_853 = arith.constant 114 : i32
        %broadcast_in_dim3A_854 = vector.broadcast %broadcast_in_dim3A_853 : i32 to vector<16xi32>
        %gather3A_855 = tpu.vector_load_idx %arg14[%add3A_123, %broadcast_in_dim3A_854] : memref<80x128xf32, #tpu.memory_space<vmem>>[vector<16xi32>, vector<16xi32>], vector<16xf32>,
        %gather3A_856 = tpu.vector_load_idx %arg15[%add3A_123, %broadcast_in_dim3A_854] : memref<80x128xf32, #tpu.memory_space<vmem>>[vector<16xi32>, vector<16xi32>], vector<16xf32>,
        %mul3A_857 = arith.mulf %gather3A_855, %gather3A_856 : vector<16xf32>
        %add3A_858 = arith.addf %add3A_852, %mul3A_857 : vector<16xf32>
        %broadcast_in_dim3A_859 = arith.constant 115 : i32
        %broadcast_in_dim3A_860 = vector.broadcast %broadcast_in_dim3A_859 : i32 to vector<16xi32>
        %gather3A_861 = tpu.vector_load_idx %arg14[%add3A_123, %broadcast_in_dim3A_860] : memref<80x128xf32, #tpu.memory_space<vmem>>[vector<16xi32>, vector<16xi32>], vector<16xf32>,
        %gather3A_862 = tpu.vector_load_idx %arg15[%add3A_123, %broadcast_in_dim3A_860] : memref<80x128xf32, #tpu.memory_space<vmem>>[vector<16xi32>, vector<16xi32>], vector<16xf32>,
        %mul3A_863 = arith.mulf %gather3A_861, %gather3A_862 : vector<16xf32>
        %add3A_864 = arith.addf %add3A_858, %mul3A_863 : vector<16xf32>
        %broadcast_in_dim3A_865 = arith.constant 116 : i32
        %broadcast_in_dim3A_866 = vector.broadcast %broadcast_in_dim3A_865 : i32 to vector<16xi32>
        %gather3A_867 = tpu.vector_load_idx %arg14[%add3A_123, %broadcast_in_dim3A_866] : memref<80x128xf32, #tpu.memory_space<vmem>>[vector<16xi32>, vector<16xi32>], vector<16xf32>,
        %gather3A_868 = tpu.vector_load_idx %arg15[%add3A_123, %broadcast_in_dim3A_866] : memref<80x128xf32, #tpu.memory_space<vmem>>[vector<16xi32>, vector<16xi32>], vector<16xf32>,
        %mul3A_869 = arith.mulf %gather3A_867, %gather3A_868 : vector<16xf32>
        %add3A_870 = arith.addf %add3A_864, %mul3A_869 : vector<16xf32>
        %broadcast_in_dim3A_871 = arith.constant 117 : i32
        %broadcast_in_dim3A_872 = vector.broadcast %broadcast_in_dim3A_871 : i32 to vector<16xi32>
        %gather3A_873 = tpu.vector_load_idx %arg14[%add3A_123, %broadcast_in_dim3A_872] : memref<80x128xf32, #tpu.memory_space<vmem>>[vector<16xi32>, vector<16xi32>], vector<16xf32>,
        %gather3A_874 = tpu.vector_load_idx %arg15[%add3A_123, %broadcast_in_dim3A_872] : memref<80x128xf32, #tpu.memory_space<vmem>>[vector<16xi32>, vector<16xi32>], vector<16xf32>,
        %mul3A_875 = arith.mulf %gather3A_873, %gather3A_874 : vector<16xf32>
        %add3A_876 = arith.addf %add3A_870, %mul3A_875 : vector<16xf32>
        %broadcast_in_dim3A_877 = arith.constant 118 : i32
        %broadcast_in_dim3A_878 = vector.broadcast %broadcast_in_dim3A_877 : i32 to vector<16xi32>
        %gather3A_879 = tpu.vector_load_idx %arg14[%add3A_123, %broadcast_in_dim3A_878] : memref<80x128xf32, #tpu.memory_space<vmem>>[vector<16xi32>, vector<16xi32>], vector<16xf32>,
        %gather3A_880 = tpu.vector_load_idx %arg15[%add3A_123, %broadcast_in_dim3A_878] : memref<80x128xf32, #tpu.memory_space<vmem>>[vector<16xi32>, vector<16xi32>], vector<16xf32>,
        %mul3A_881 = arith.mulf %gather3A_879, %gather3A_880 : vector<16xf32>
        %add3A_882 = arith.addf %add3A_876, %mul3A_881 : vector<16xf32>
        %broadcast_in_dim3A_883 = arith.constant 119 : i32
        %broadcast_in_dim3A_884 = vector.broadcast %broadcast_in_dim3A_883 : i32 to vector<16xi32>
        %gather3A_885 = tpu.vector_load_idx %arg14[%add3A_123, %broadcast_in_dim3A_884] : memref<80x128xf32, #tpu.memory_space<vmem>>[vector<16xi32>, vector<16xi32>], vector<16xf32>,
        %gather3A_886 = tpu.vector_load_idx %arg15[%add3A_123, %broadcast_in_dim3A_884] : memref<80x128xf32, #tpu.memory_space<vmem>>[vector<16xi32>, vector<16xi32>], vector<16xf32>,
        %mul3A_887 = arith.mulf %gather3A_885, %gather3A_886 : vector<16xf32>
        %add3A_888 = arith.addf %add3A_882, %mul3A_887 : vector<16xf32>
        %broadcast_in_dim3A_889 = arith.constant 120 : i32
        %broadcast_in_dim3A_890 = vector.broadcast %broadcast_in_dim3A_889 : i32 to vector<16xi32>
        %gather3A_891 = tpu.vector_load_idx %arg14[%add3A_123, %broadcast_in_dim3A_890] : memref<80x128xf32, #tpu.memory_space<vmem>>[vector<16xi32>, vector<16xi32>], vector<16xf32>,
        %gather3A_892 = tpu.vector_load_idx %arg15[%add3A_123, %broadcast_in_dim3A_890] : memref<80x128xf32, #tpu.memory_space<vmem>>[vector<16xi32>, vector<16xi32>], vector<16xf32>,
        %mul3A_893 = arith.mulf %gather3A_891, %gather3A_892 : vector<16xf32>
        %add3A_894 = arith.addf %add3A_888, %mul3A_893 : vector<16xf32>
        %broadcast_in_dim3A_895 = arith.constant 121 : i32
        %broadcast_in_dim3A_896 = vector.broadcast %broadcast_in_dim3A_895 : i32 to vector<16xi32>
        %gather3A_897 = tpu.vector_load_idx %arg14[%add3A_123, %broadcast_in_dim3A_896] : memref<80x128xf32, #tpu.memory_space<vmem>>[vector<16xi32>, vector<16xi32>], vector<16xf32>,
        %gather3A_898 = tpu.vector_load_idx %arg15[%add3A_123, %broadcast_in_dim3A_896] : memref<80x128xf32, #tpu.memory_space<vmem>>[vector<16xi32>, vector<16xi32>], vector<16xf32>,
        %mul3A_899 = arith.mulf %gather3A_897, %gather3A_898 : vector<16xf32>
        %add3A_900 = arith.addf %add3A_894, %mul3A_899 : vector<16xf32>
        %broadcast_in_dim3A_901 = arith.constant 122 : i32
        %broadcast_in_dim3A_902 = vector.broadcast %broadcast_in_dim3A_901 : i32 to vector<16xi32>
        %gather3A_903 = tpu.vector_load_idx %arg14[%add3A_123, %broadcast_in_dim3A_902] : memref<80x128xf32, #tpu.memory_space<vmem>>[vector<16xi32>, vector<16xi32>], vector<16xf32>,
        %gather3A_904 = tpu.vector_load_idx %arg15[%add3A_123, %broadcast_in_dim3A_902] : memref<80x128xf32, #tpu.memory_space<vmem>>[vector<16xi32>, vector<16xi32>], vector<16xf32>,
        %mul3A_905 = arith.mulf %gather3A_903, %gather3A_904 : vector<16xf32>
        %add3A_906 = arith.addf %add3A_900, %mul3A_905 : vector<16xf32>
        %broadcast_in_dim3A_907 = arith.constant 123 : i32
        %broadcast_in_dim3A_908 = vector.broadcast %broadcast_in_dim3A_907 : i32 to vector<16xi32>
        %gather3A_909 = tpu.vector_load_idx %arg14[%add3A_123, %broadcast_in_dim3A_908] : memref<80x128xf32, #tpu.memory_space<vmem>>[vector<16xi32>, vector<16xi32>], vector<16xf32>,
        %gather3A_910 = tpu.vector_load_idx %arg15[%add3A_123, %broadcast_in_dim3A_908] : memref<80x128xf32, #tpu.memory_space<vmem>>[vector<16xi32>, vector<16xi32>], vector<16xf32>,
        %mul3A_911 = arith.mulf %gather3A_909, %gather3A_910 : vector<16xf32>
        %add3A_912 = arith.addf %add3A_906, %mul3A_911 : vector<16xf32>
        %broadcast_in_dim3A_913 = arith.constant 124 : i32
        %broadcast_in_dim3A_914 = vector.broadcast %broadcast_in_dim3A_913 : i32 to vector<16xi32>
        %gather3A_915 = tpu.vector_load_idx %arg14[%add3A_123, %broadcast_in_dim3A_914] : memref<80x128xf32, #tpu.memory_space<vmem>>[vector<16xi32>, vector<16xi32>], vector<16xf32>,
        %gather3A_916 = tpu.vector_load_idx %arg15[%add3A_123, %broadcast_in_dim3A_914] : memref<80x128xf32, #tpu.memory_space<vmem>>[vector<16xi32>, vector<16xi32>], vector<16xf32>,
        %mul3A_917 = arith.mulf %gather3A_915, %gather3A_916 : vector<16xf32>
        %add3A_918 = arith.addf %add3A_912, %mul3A_917 : vector<16xf32>
        %broadcast_in_dim3A_919 = arith.constant 125 : i32
        %broadcast_in_dim3A_920 = vector.broadcast %broadcast_in_dim3A_919 : i32 to vector<16xi32>
        %gather3A_921 = tpu.vector_load_idx %arg14[%add3A_123, %broadcast_in_dim3A_920] : memref<80x128xf32, #tpu.memory_space<vmem>>[vector<16xi32>, vector<16xi32>], vector<16xf32>,
        %gather3A_922 = tpu.vector_load_idx %arg15[%add3A_123, %broadcast_in_dim3A_920] : memref<80x128xf32, #tpu.memory_space<vmem>>[vector<16xi32>, vector<16xi32>], vector<16xf32>,
        %mul3A_923 = arith.mulf %gather3A_921, %gather3A_922 : vector<16xf32>
        %add3A_924 = arith.addf %add3A_918, %mul3A_923 : vector<16xf32>
        %broadcast_in_dim3A_925 = arith.constant 126 : i32
        %broadcast_in_dim3A_926 = vector.broadcast %broadcast_in_dim3A_925 : i32 to vector<16xi32>
        %gather3A_927 = tpu.vector_load_idx %arg14[%add3A_123, %broadcast_in_dim3A_926] : memref<80x128xf32, #tpu.memory_space<vmem>>[vector<16xi32>, vector<16xi32>], vector<16xf32>,
        %gather3A_928 = tpu.vector_load_idx %arg15[%add3A_123, %broadcast_in_dim3A_926] : memref<80x128xf32, #tpu.memory_space<vmem>>[vector<16xi32>, vector<16xi32>], vector<16xf32>,
        %mul3A_929 = arith.mulf %gather3A_927, %gather3A_928 : vector<16xf32>
        %add3A_930 = arith.addf %add3A_924, %mul3A_929 : vector<16xf32>
        %broadcast_in_dim3A_931 = arith.constant 127 : i32
        %broadcast_in_dim3A_932 = vector.broadcast %broadcast_in_dim3A_931 : i32 to vector<16xi32>
        %gather3A_933 = tpu.vector_load_idx %arg14[%add3A_123, %broadcast_in_dim3A_932] : memref<80x128xf32, #tpu.memory_space<vmem>>[vector<16xi32>, vector<16xi32>], vector<16xf32>,
        %gather3A_934 = tpu.vector_load_idx %arg15[%add3A_123, %broadcast_in_dim3A_932] : memref<80x128xf32, #tpu.memory_space<vmem>>[vector<16xi32>, vector<16xi32>], vector<16xf32>,
        %mul3A_935 = arith.mulf %gather3A_933, %gather3A_934 : vector<16xf32>
        %add3A_936 = arith.addf %add3A_930, %mul3A_935 : vector<16xf32>
        %mul3A_937 = arith.constant 4 : i32
        %mul3A_938 = vector.broadcast %mul3A_937 : i32 to vector<16xi32>
        %mul3A_939 = arith.muli %add3A_123, %mul3A_938 : vector<16xi32>
        %add3A_940 = arith.constant 3 : i32
        %add3A_941 = vector.broadcast %add3A_940 : i32 to vector<16xi32>
        %add3A_942 = arith.addi %mul3A_939, %add3A_941 : vector<16xi32>
        %gather3A_943 = tpu.vector_load_idx %arg17[%add3A_942] : memref<320xf32, #tpu.memory_space<vmem>>[vector<16xi32>], vector<16xf32>,
        %mul3A_944 = arith.constant 0.176776692 : f32
        %mul3A_945 = vector.broadcast %mul3A_944 : f32 to vector<16xf32>
        %mul3A_946 = arith.mulf %add3A_936, %mul3A_945 : vector<16xf32>
        %mul3A_947 = arith.mulf %mul3A_946, %gather3A_943 : vector<16xf32>
        %exp3A_948 = math.exp %mul3A_947 : vector<16xf32>
        tpu.vector_store_idx %arg17[%add3A_942], %exp3A_948 : memref<320xf32, #tpu.memory_space<vmem>>[vector<16xi32>], vector<16xf32>,
        %add3A_949 = arith.addf %scan3A_119, %exp3A_948 : vector<16xf32>
        scf.yield %add3A_328, %add3A_535, %add3A_742, %add3A_949 : vector<16xf32>, vector<16xf32>, vector<16xf32>, vector<16xf32>
      }
      %scan3A_105 = arith.constant 5 : i32
      %dma_wait3A_106 = arith.constant 0 : i32
      %dma_wait3A_107 = arith.constant 0 : i32
      %dma_wait3A_108 = tpu.memref_slice %arg4[%dma_wait3A_106, %dma_wait3A_107] : memref<10000x128xf32, #tpu.memory_space<hbm>> -> memref<10000x128xf32, #tpu.memory_space<hbm>>
      tpu.wait_indirect_dma semaphore(%arg21 : memref<!tpu.dma_semaphore, #tpu.memory_space<semaphore_mem>>) src(%dma_wait3A_108 : memref<10000x128xf32, #tpu.memory_space<hbm>>) dst(%arg16 : memref<80x128xf32, #tpu.memory_space<vmem>>)
      %scan3A_109 = arith.constant 0 : i32
      %scan3A_110 = arith.constant 0 : i32
      %scan3A_111 = arith.constant 80 : i32
      %scan3A_112 = arith.addi %scan3A_110, %scan3A_111 : i32
      %scan3A_113 = arith.constant 1 : i32
      scf.for %scan3A_115 = %scan3A_110 to %scan3A_112 step %scan3A_113  : i32 {
        %broadcast_in_dim3A_116 = arith.constant 0 : i32
        %broadcast_in_dim3A_117 = vector.broadcast %broadcast_in_dim3A_116 : i32 to vector<16xi32>
        %mul3A_118 = arith.constant 4 : i32
        %mul3A_119 = arith.muli %scan3A_115, %mul3A_118 : i32
        %add3A_120 = arith.constant 0 : i32
        %add3A_121 = arith.addi %mul3A_119, %add3A_120 : i32
        %add3A_122 = vector.broadcast %add3A_121 : i32 to vector<16xi32>
        %add3A_123 = arith.addi %broadcast_in_dim3A_117, %add3A_122 : vector<16xi32>
        %gather3A = tpu.vector_load_idx %arg17[%add3A_123] : memref<320xf32, #tpu.memory_space<vmem>>[vector<16xi32>], vector<16xf32>,
        %get3A = arith.index_cast %scan3A_115 : i32 to index
        %get3A_124 = arith.constant 0 : index
        %get3A_125 = tpu.vector_load %arg16[%get3A, %get3A_124] {strides = array<i32>} : memref<80x128xf32, #tpu.memory_space<vmem>>, vector<16xf32>,
        %mul3A_126 = arith.mulf %gather3A, %get3A_125 : vector<16xf32>
        %swap3A_127 = arith.index_cast %scan3A_115 : i32 to index
        %swap3A_128 = arith.constant 0 : index
        %swap3A_129 = tpu.vector_load %arg16[%swap3A_127, %swap3A_128] {strides = array<i32>} : memref<80x128xf32, #tpu.memory_space<vmem>>, vector<16xf32>,
        tpu.vector_store %arg16[%swap3A_127, %swap3A_128], %mul3A_126 {strides = array<i32>} : memref<80x128xf32, #tpu.memory_space<vmem>>, vector<16xf32>,
        %get3A_130 = arith.index_cast %scan3A_115 : i32 to index
        %get3A_131 = arith.constant 16 : index
        %get3A_132 = tpu.vector_load %arg16[%get3A_130, %get3A_131] {strides = array<i32>} : memref<80x128xf32, #tpu.memory_space<vmem>>, vector<16xf32>,
        %mul3A_133 = arith.mulf %gather3A, %get3A_132 : vector<16xf32>
        %swap3A_134 = arith.index_cast %scan3A_115 : i32 to index
        %swap3A_135 = arith.constant 16 : index
        %swap3A_136 = tpu.vector_load %arg16[%swap3A_134, %swap3A_135] {strides = array<i32>} : memref<80x128xf32, #tpu.memory_space<vmem>>, vector<16xf32>,
        tpu.vector_store %arg16[%swap3A_134, %swap3A_135], %mul3A_133 {strides = array<i32>} : memref<80x128xf32, #tpu.memory_space<vmem>>, vector<16xf32>,
        %broadcast_in_dim3A_137 = arith.constant 0 : i32
        %broadcast_in_dim3A_138 = vector.broadcast %broadcast_in_dim3A_137 : i32 to vector<16xi32>
        %mul3A_139 = arith.constant 4 : i32
        %mul3A_140 = arith.muli %scan3A_115, %mul3A_139 : i32
        %add3A_141 = arith.constant 1 : i32
        %add3A_142 = arith.addi %mul3A_140, %add3A_141 : i32
        %add3A_143 = vector.broadcast %add3A_142 : i32 to vector<16xi32>
        %add3A_144 = arith.addi %broadcast_in_dim3A_138, %add3A_143 : vector<16xi32>
        %gather3A_145 = tpu.vector_load_idx %arg17[%add3A_144] : memref<320xf32, #tpu.memory_space<vmem>>[vector<16xi32>], vector<16xf32>,
        %get3A_146 = arith.index_cast %scan3A_115 : i32 to index
        %get3A_147 = arith.constant 32 : index
        %get3A_148 = tpu.vector_load %arg16[%get3A_146, %get3A_147] {strides = array<i32>} : memref<80x128xf32, #tpu.memory_space<vmem>>, vector<16xf32>,
        %mul3A_149 = arith.mulf %gather3A_145, %get3A_148 : vector<16xf32>
        %swap3A_150 = arith.index_cast %scan3A_115 : i32 to index
        %swap3A_151 = arith.constant 32 : index
        %swap3A_152 = tpu.vector_load %arg16[%swap3A_150, %swap3A_151] {strides = array<i32>} : memref<80x128xf32, #tpu.memory_space<vmem>>, vector<16xf32>,
        tpu.vector_store %arg16[%swap3A_150, %swap3A_151], %mul3A_149 {strides = array<i32>} : memref<80x128xf32, #tpu.memory_space<vmem>>, vector<16xf32>,
        %get3A_153 = arith.index_cast %scan3A_115 : i32 to index
        %get3A_154 = arith.constant 48 : index
        %get3A_155 = tpu.vector_load %arg16[%get3A_153, %get3A_154] {strides = array<i32>} : memref<80x128xf32, #tpu.memory_space<vmem>>, vector<16xf32>,
        %mul3A_156 = arith.mulf %gather3A_145, %get3A_155 : vector<16xf32>
        %swap3A_157 = arith.index_cast %scan3A_115 : i32 to index
        %swap3A_158 = arith.constant 48 : index
        %swap3A_159 = tpu.vector_load %arg16[%swap3A_157, %swap3A_158] {strides = array<i32>} : memref<80x128xf32, #tpu.memory_space<vmem>>, vector<16xf32>,
        tpu.vector_store %arg16[%swap3A_157, %swap3A_158], %mul3A_156 {strides = array<i32>} : memref<80x128xf32, #tpu.memory_space<vmem>>, vector<16xf32>,
        %broadcast_in_dim3A_160 = arith.constant 0 : i32
        %broadcast_in_dim3A_161 = vector.broadcast %broadcast_in_dim3A_160 : i32 to vector<16xi32>
        %mul3A_162 = arith.constant 4 : i32
        %mul3A_163 = arith.muli %scan3A_115, %mul3A_162 : i32
        %add3A_164 = arith.constant 2 : i32
        %add3A_165 = arith.addi %mul3A_163, %add3A_164 : i32
        %add3A_166 = vector.broadcast %add3A_165 : i32 to vector<16xi32>
        %add3A_167 = arith.addi %broadcast_in_dim3A_161, %add3A_166 : vector<16xi32>
        %gather3A_168 = tpu.vector_load_idx %arg17[%add3A_167] : memref<320xf32, #tpu.memory_space<vmem>>[vector<16xi32>], vector<16xf32>,
        %get3A_169 = arith.index_cast %scan3A_115 : i32 to index
        %get3A_170 = arith.constant 64 : index
        %get3A_171 = tpu.vector_load %arg16[%get3A_169, %get3A_170] {strides = array<i32>} : memref<80x128xf32, #tpu.memory_space<vmem>>, vector<16xf32>,
        %mul3A_172 = arith.mulf %gather3A_168, %get3A_171 : vector<16xf32>
        %swap3A_173 = arith.index_cast %scan3A_115 : i32 to index
        %swap3A_174 = arith.constant 64 : index
        %swap3A_175 = tpu.vector_load %arg16[%swap3A_173, %swap3A_174] {strides = array<i32>} : memref<80x128xf32, #tpu.memory_space<vmem>>, vector<16xf32>,
        tpu.vector_store %arg16[%swap3A_173, %swap3A_174], %mul3A_172 {strides = array<i32>} : memref<80x128xf32, #tpu.memory_space<vmem>>, vector<16xf32>,
        %get3A_176 = arith.index_cast %scan3A_115 : i32 to index
        %get3A_177 = arith.constant 80 : index
        %get3A_178 = tpu.vector_load %arg16[%get3A_176, %get3A_177] {strides = array<i32>} : memref<80x128xf32, #tpu.memory_space<vmem>>, vector<16xf32>,
        %mul3A_179 = arith.mulf %gather3A_168, %get3A_178 : vector<16xf32>
        %swap3A_180 = arith.index_cast %scan3A_115 : i32 to index
        %swap3A_181 = arith.constant 80 : index
        %swap3A_182 = tpu.vector_load %arg16[%swap3A_180, %swap3A_181] {strides = array<i32>} : memref<80x128xf32, #tpu.memory_space<vmem>>, vector<16xf32>,
        tpu.vector_store %arg16[%swap3A_180, %swap3A_181], %mul3A_179 {strides = array<i32>} : memref<80x128xf32, #tpu.memory_space<vmem>>, vector<16xf32>,
        %broadcast_in_dim3A_183 = arith.constant 0 : i32
        %broadcast_in_dim3A_184 = vector.broadcast %broadcast_in_dim3A_183 : i32 to vector<16xi32>
        %mul3A_185 = arith.constant 4 : i32
        %mul3A_186 = arith.muli %scan3A_115, %mul3A_185 : i32
        %add3A_187 = arith.constant 3 : i32
        %add3A_188 = arith.addi %mul3A_186, %add3A_187 : i32
        %add3A_189 = vector.broadcast %add3A_188 : i32 to vector<16xi32>
        %add3A_190 = arith.addi %broadcast_in_dim3A_184, %add3A_189 : vector<16xi32>
        %gather3A_191 = tpu.vector_load_idx %arg17[%add3A_190] : memref<320xf32, #tpu.memory_space<vmem>>[vector<16xi32>], vector<16xf32>,
        %get3A_192 = arith.index_cast %scan3A_115 : i32 to index
        %get3A_193 = arith.constant 96 : index
        %get3A_194 = tpu.vector_load %arg16[%get3A_192, %get3A_193] {strides = array<i32>} : memref<80x128xf32, #tpu.memory_space<vmem>>, vector<16xf32>,
        %mul3A_195 = arith.mulf %gather3A_191, %get3A_194 : vector<16xf32>
        %swap3A_196 = arith.index_cast %scan3A_115 : i32 to index
        %swap3A_197 = arith.constant 96 : index
        %swap3A_198 = tpu.vector_load %arg16[%swap3A_196, %swap3A_197] {strides = array<i32>} : memref<80x128xf32, #tpu.memory_space<vmem>>, vector<16xf32>,
        tpu.vector_store %arg16[%swap3A_196, %swap3A_197], %mul3A_195 {strides = array<i32>} : memref<80x128xf32, #tpu.memory_space<vmem>>, vector<16xf32>,
        %get3A_199 = arith.index_cast %scan3A_115 : i32 to index
        %get3A_200 = arith.constant 112 : index
        %get3A_201 = tpu.vector_load %arg16[%get3A_199, %get3A_200] {strides = array<i32>} : memref<80x128xf32, #tpu.memory_space<vmem>>, vector<16xf32>,
        %mul3A_202 = arith.mulf %gather3A_191, %get3A_201 : vector<16xf32>
        %swap3A_203 = arith.index_cast %scan3A_115 : i32 to index
        %swap3A_204 = arith.constant 112 : index
        %swap3A_205 = tpu.vector_load %arg16[%swap3A_203, %swap3A_204] {strides = array<i32>} : memref<80x128xf32, #tpu.memory_space<vmem>>, vector<16xf32>,
        tpu.vector_store %arg16[%swap3A_203, %swap3A_204], %mul3A_202 {strides = array<i32>} : memref<80x128xf32, #tpu.memory_space<vmem>>, vector<16xf32>,
      }
      %scan3A_114 = arith.constant 80 : i32
      "tpu.region"() ({
        %run_scoped3A_115 = tpu.sem_alloc : memref<!tpu.dma_semaphore, #tpu.memory_space<semaphore_mem>>
        %dma_start3A_116 = arith.constant 0 : i32
        %dma_start3A_117 = arith.constant 0 : i32
        %dma_start3A_118 = tpu.memref_slice %arg18[%dma_start3A_116, %dma_start3A_117] : memref<10000x128xf32, #tpu.memory_space<vmem_shared>> -> memref<10000x128xf32, #tpu.memory_space<vmem_shared>>
        tpu.enqueue_indirect_dma source(%arg16 : memref<80x128xf32, #tpu.memory_space<vmem>>) target(%dma_start3A_118 : memref<10000x128xf32, #tpu.memory_space<vmem_shared>>) offsets(%arg13 : memref<80xi32, #tpu.memory_space<vmem>>) semaphore(%run_scoped3A_115 : memref<!tpu.dma_semaphore, #tpu.memory_space<semaphore_mem>>) {add = true}
        %dma_wait3A_119 = arith.constant 0 : i32
        %dma_wait3A_120 = arith.constant 0 : i32
        %dma_wait3A_121 = tpu.memref_slice %arg18[%dma_wait3A_119, %dma_wait3A_120] : memref<10000x128xf32, #tpu.memory_space<vmem_shared>> -> memref<10000x128xf32, #tpu.memory_space<vmem_shared>>
        tpu.wait_indirect_dma semaphore(%run_scoped3A_115 : memref<!tpu.dma_semaphore, #tpu.memory_space<semaphore_mem>>) src(%arg16 : memref<80x128xf32, #tpu.memory_space<vmem>>) dst(%dma_wait3A_121 : memref<10000x128xf32, #tpu.memory_space<vmem_shared>>)
        tpu.yield
      }) : () -> ()
      scf.yield %scan3A_104#0, %scan3A_104#1, %scan3A_104#2, %scan3A_104#3 : vector<16xf32>, vector<16xf32>, vector<16xf32>, vector<16xf32>
    }
    %scan3A_10 = arith.constant 125 : i32
    %swap3A = arith.constant 0 : i32
    %swap3A_11 = arith.index_cast %swap3A : i32 to index
    %swap3A_12 = arith.constant 0 : index
    %swap3A_13 = tpu.vector_load %arg14[%swap3A_11, %swap3A_12] {strides = array<i32>} : memref<80x128xf32, #tpu.memory_space<vmem>>, vector<16xf32>,
    tpu.vector_store %arg14[%swap3A_11, %swap3A_12], %scan3A_9#0 {strides = array<i32>} : memref<80x128xf32, #tpu.memory_space<vmem>>, vector<16xf32>,
    %broadcast_in_dim3A_14 = arith.constant 0.000000e+00 : f32
    %broadcast_in_dim3A_15 = vector.broadcast %broadcast_in_dim3A_14 : f32 to vector<16xf32>
    %swap3A_16 = arith.constant 0 : i32
    %swap3A_17 = arith.index_cast %swap3A_16 : i32 to index
    %swap3A_18 = arith.constant 16 : index
    %swap3A_19 = tpu.vector_load %arg14[%swap3A_17, %swap3A_18] {strides = array<i32>} : memref<80x128xf32, #tpu.memory_space<vmem>>, vector<16xf32>,
    tpu.vector_store %arg14[%swap3A_17, %swap3A_18], %broadcast_in_dim3A_15 {strides = array<i32>} : memref<80x128xf32, #tpu.memory_space<vmem>>, vector<16xf32>,
    %swap3A_20 = arith.constant 0 : i32
    %swap3A_21 = arith.index_cast %swap3A_20 : i32 to index
    %swap3A_22 = arith.constant 32 : index
    %swap3A_23 = tpu.vector_load %arg14[%swap3A_21, %swap3A_22] {strides = array<i32>} : memref<80x128xf32, #tpu.memory_space<vmem>>, vector<16xf32>,
    tpu.vector_store %arg14[%swap3A_21, %swap3A_22], %scan3A_9#1 {strides = array<i32>} : memref<80x128xf32, #tpu.memory_space<vmem>>, vector<16xf32>,
    %broadcast_in_dim3A_24 = arith.constant 0.000000e+00 : f32
    %broadcast_in_dim3A_25 = vector.broadcast %broadcast_in_dim3A_24 : f32 to vector<16xf32>
    %swap3A_26 = arith.constant 0 : i32
    %swap3A_27 = arith.index_cast %swap3A_26 : i32 to index
    %swap3A_28 = arith.constant 48 : index
    %swap3A_29 = tpu.vector_load %arg14[%swap3A_27, %swap3A_28] {strides = array<i32>} : memref<80x128xf32, #tpu.memory_space<vmem>>, vector<16xf32>,
    tpu.vector_store %arg14[%swap3A_27, %swap3A_28], %broadcast_in_dim3A_25 {strides = array<i32>} : memref<80x128xf32, #tpu.memory_space<vmem>>, vector<16xf32>,
    %swap3A_30 = arith.constant 0 : i32
    %swap3A_31 = arith.index_cast %swap3A_30 : i32 to index
    %swap3A_32 = arith.constant 64 : index
    %swap3A_33 = tpu.vector_load %arg14[%swap3A_31, %swap3A_32] {strides = array<i32>} : memref<80x128xf32, #tpu.memory_space<vmem>>, vector<16xf32>,
    tpu.vector_store %arg14[%swap3A_31, %swap3A_32], %scan3A_9#2 {strides = array<i32>} : memref<80x128xf32, #tpu.memory_space<vmem>>, vector<16xf32>,
    %broadcast_in_dim3A_34 = arith.constant 0.000000e+00 : f32
    %broadcast_in_dim3A_35 = vector.broadcast %broadcast_in_dim3A_34 : f32 to vector<16xf32>
    %swap3A_36 = arith.constant 0 : i32
    %swap3A_37 = arith.index_cast %swap3A_36 : i32 to index
    %swap3A_38 = arith.constant 80 : index
    %swap3A_39 = tpu.vector_load %arg14[%swap3A_37, %swap3A_38] {strides = array<i32>} : memref<80x128xf32, #tpu.memory_space<vmem>>, vector<16xf32>,
    tpu.vector_store %arg14[%swap3A_37, %swap3A_38], %broadcast_in_dim3A_35 {strides = array<i32>} : memref<80x128xf32, #tpu.memory_space<vmem>>, vector<16xf32>,
    %swap3A_40 = arith.constant 0 : i32
    %swap3A_41 = arith.index_cast %swap3A_40 : i32 to index
    %swap3A_42 = arith.constant 96 : index
    %swap3A_43 = tpu.vector_load %arg14[%swap3A_41, %swap3A_42] {strides = array<i32>} : memref<80x128xf32, #tpu.memory_space<vmem>>, vector<16xf32>,
    tpu.vector_store %arg14[%swap3A_41, %swap3A_42], %scan3A_9#3 {strides = array<i32>} : memref<80x128xf32, #tpu.memory_space<vmem>>, vector<16xf32>,
    %broadcast_in_dim3A_44 = arith.constant 0.000000e+00 : f32
    %broadcast_in_dim3A_45 = vector.broadcast %broadcast_in_dim3A_44 : f32 to vector<16xf32>
    %swap3A_46 = arith.constant 0 : i32
    %swap3A_47 = arith.index_cast %swap3A_46 : i32 to index
    %swap3A_48 = arith.constant 112 : index
    %swap3A_49 = tpu.vector_load %arg14[%swap3A_47, %swap3A_48] {strides = array<i32>} : memref<80x128xf32, #tpu.memory_space<vmem>>, vector<16xf32>,
    tpu.vector_store %arg14[%swap3A_47, %swap3A_48], %broadcast_in_dim3A_45 {strides = array<i32>} : memref<80x128xf32, #tpu.memory_space<vmem>>, vector<16xf32>,
    %mul3A_50 = arith.constant 128 : i32
    %mul3A_51 = arith.muli %add3A, %mul3A_50 : i32
    %run_scoped3A = arith.constant 0 : i32
    "tpu.region"() ({
      %run_scoped3A_63 = tpu.sem_alloc : memref<!tpu.dma_semaphore, #tpu.memory_space<semaphore_mem>>
      %dma_start3A = arith.constant 0 : i32
      %dma_start3A_64 = tpu.memref_slice %arg14[%run_scoped3A, %dma_start3A] : memref<80x128xf32, #tpu.memory_space<vmem>> -> memref<1x128xf32, #tpu.memory_space<vmem>>
      %dma_start3A_65 = tpu.memref_squeeze %dma_start3A_64 : memref<1x128xf32, #tpu.memory_space<vmem>> -> memref<128xf32, #tpu.memory_space<vmem>>
      %dma_start3A_66 = tpu.memref_slice %arg11[%mul3A_51] : memref<4096xf32, #tpu.memory_space<hbm>> -> memref<128xf32, #tpu.memory_space<hbm>>
      %dma_start3A_67 = tpu.memref_slice %arg11[%mul3A_51] : memref<4096xf32, #tpu.memory_space<hbm>> -> memref<128xf32, #tpu.memory_space<hbm>>
      %dma_start3A_68 = arith.constant 0 : i32
      %dma_start3A_69 = tpu.memref_slice %arg14[%run_scoped3A, %dma_start3A_68] : memref<80x128xf32, #tpu.memory_space<vmem>> -> memref<1x128xf32, #tpu.memory_space<vmem>>
      %dma_start3A_70 = tpu.memref_squeeze %dma_start3A_69 : memref<1x128xf32, #tpu.memory_space<vmem>> -> memref<128xf32, #tpu.memory_space<vmem>>
      tpu.enqueue_dma source(%dma_start3A_70 : memref<128xf32, #tpu.memory_space<vmem>>) target(%dma_start3A_67 : memref<128xf32, #tpu.memory_space<hbm>>) target_semaphore(%run_scoped3A_63 : memref<!tpu.dma_semaphore, #tpu.memory_space<semaphore_mem>>)
      %dma_wait3A = arith.constant 0 : i32
      %dma_wait3A_71 = tpu.memref_slice %arg14[%run_scoped3A, %dma_wait3A] : memref<80x128xf32, #tpu.memory_space<vmem>> -> memref<1x128xf32, #tpu.memory_space<vmem>>
      %dma_wait3A_72 = tpu.memref_squeeze %dma_wait3A_71 : memref<1x128xf32, #tpu.memory_space<vmem>> -> memref<128xf32, #tpu.memory_space<vmem>>
      %dma_wait3A_73 = tpu.memref_slice %arg11[%mul3A_51] : memref<4096xf32, #tpu.memory_space<hbm>> -> memref<128xf32, #tpu.memory_space<hbm>>
      %dma_wait3A_74 = tpu.memref_slice %arg11[%mul3A_51] : memref<4096xf32, #tpu.memory_space<hbm>> -> memref<128xf32, #tpu.memory_space<hbm>>
      %dma_wait3A_75 = arith.constant 0 : i32
      %dma_wait3A_76 = tpu.memref_slice %arg14[%run_scoped3A, %dma_wait3A_75] : memref<80x128xf32, #tpu.memory_space<vmem>> -> memref<1x128xf32, #tpu.memory_space<vmem>>
      %dma_wait3A_77 = tpu.memref_squeeze %dma_wait3A_76 : memref<1x128xf32, #tpu.memory_space<vmem>> -> memref<128xf32, #tpu.memory_space<vmem>>
      tpu.wait_dma2 semaphore(%run_scoped3A_63 : memref<!tpu.dma_semaphore, #tpu.memory_space<semaphore_mem>>) src(%dma_wait3A_77 : memref<128xf32, #tpu.memory_space<vmem>>) dst(%dma_wait3A_74 : memref<128xf32, #tpu.memory_space<hbm>>)
      tpu.yield
    }) : () -> ()
    %barrier3A_52 = arith.constant 0 : index
    tpu.barrier barrier_id(%barrier3A_52)
    %eq3A_53 = arith.constant 0 : i32
    %eq3A_54 = arith.cmpi eq, %arg0, %eq3A_53 : i32
    %convert_element_type3A_55 = arith.extui %eq3A_54 : i1 to i32
    %cond3A_56 = arith.constant 0 : i32
    %cond3A_57 = arith.cmpi ne, %convert_element_type3A_55, %cond3A_56 : i32
    scf.if %cond3A_57 {
      "tpu.region"() ({
        %run_scoped3A_68 = tpu.sem_alloc : memref<!tpu.dma_semaphore, #tpu.memory_space<semaphore_mem>>
        %dma_start3A = arith.constant 0 : i32
        %dma_start3A_69 = tpu.memref_slice %arg9[%mul3A_2, %dma_start3A] : memref<10000x128xf32, #tpu.memory_space<hbm>> -> memref<624x128xf32, #tpu.memory_space<hbm>>
        %dma_start3A_70 = arith.constant 0 : i32
        %dma_start3A_71 = tpu.memref_slice %arg18[%mul3A_2, %dma_start3A_70] : memref<10000x128xf32, #tpu.memory_space<vmem_shared>> -> memref<624x128xf32, #tpu.memory_space<vmem_shared>>
        tpu.enqueue_dma source(%dma_start3A_71 : memref<624x128xf32, #tpu.memory_space<vmem_shared>>) target(%dma_start3A_69 : memref<624x128xf32, #tpu.memory_space<hbm>>) target_semaphore(%run_scoped3A_68 : memref<!tpu.dma_semaphore, #tpu.memory_space<semaphore_mem>>)
        %dma_wait3A = arith.constant 0 : i32
        %dma_wait3A_72 = tpu.memref_slice %arg9[%mul3A_2, %dma_wait3A] : memref<10000x128xf32, #tpu.memory_space<hbm>> -> memref<624x128xf32, #tpu.memory_space<hbm>>
        %dma_wait3A_73 = arith.constant 0 : i32
        %dma_wait3A_74 = tpu.memref_slice %arg18[%mul3A_2, %dma_wait3A_73] : memref<10000x128xf32, #tpu.memory_space<vmem_shared>> -> memref<624x128xf32, #tpu.memory_space<vmem_shared>>
        tpu.wait_dma2 semaphore(%run_scoped3A_68 : memref<!tpu.dma_semaphore, #tpu.memory_space<semaphore_mem>>) src(%dma_wait3A_74 : memref<624x128xf32, #tpu.memory_space<vmem_shared>>) dst(%dma_wait3A_72 : memref<624x128xf32, #tpu.memory_space<hbm>>)
        tpu.yield
      }) : () -> ()
      %eq3A_63 = arith.constant 15 : i32
      %eq3A_64 = arith.cmpi eq, %arg1, %eq3A_63 : i32
      %convert_element_type3A_65 = arith.extui %eq3A_64 : i1 to i32
      %cond3A_66 = arith.constant 0 : i32
      %cond3A_67 = arith.cmpi ne, %convert_element_type3A_65, %cond3A_66 : i32
      scf.if %cond3A_67 {
        "tpu.region"() ({
          %run_scoped3A_68 = tpu.sem_alloc : memref<!tpu.dma_semaphore, #tpu.memory_space<semaphore_mem>>
          %dma_start3A = arith.constant 9984 : i32
          %dma_start3A_69 = arith.constant 0 : i32
          %dma_start3A_70 = tpu.memref_slice %arg9[%dma_start3A, %dma_start3A_69] : memref<10000x128xf32, #tpu.memory_space<hbm>> -> memref<16x128xf32, #tpu.memory_space<hbm>>
          %dma_start3A_71 = arith.constant 9984 : i32
          %dma_start3A_72 = arith.constant 0 : i32
          %dma_start3A_73 = tpu.memref_slice %arg18[%dma_start3A_71, %dma_start3A_72] : memref<10000x128xf32, #tpu.memory_space<vmem_shared>> -> memref<16x128xf32, #tpu.memory_space<vmem_shared>>
          tpu.enqueue_dma source(%dma_start3A_73 : memref<16x128xf32, #tpu.memory_space<vmem_shared>>) target(%dma_start3A_70 : memref<16x128xf32, #tpu.memory_space<hbm>>) target_semaphore(%run_scoped3A_68 : memref<!tpu.dma_semaphore, #tpu.memory_space<semaphore_mem>>)
          %dma_wait3A = arith.constant 9984 : i32
          %dma_wait3A_74 = arith.constant 0 : i32
          %dma_wait3A_75 = tpu.memref_slice %arg9[%dma_wait3A, %dma_wait3A_74] : memref<10000x128xf32, #tpu.memory_space<hbm>> -> memref<16x128xf32, #tpu.memory_space<hbm>>
          %dma_wait3A_76 = arith.constant 9984 : i32
          %dma_wait3A_77 = arith.constant 0 : i32
          %dma_wait3A_78 = tpu.memref_slice %arg18[%dma_wait3A_76, %dma_wait3A_77] : memref<10000x128xf32, #tpu.memory_space<vmem_shared>> -> memref<16x128xf32, #tpu.memory_space<vmem_shared>>
          tpu.wait_dma2 semaphore(%run_scoped3A_68 : memref<!tpu.dma_semaphore, #tpu.memory_space<semaphore_mem>>) src(%dma_wait3A_78 : memref<16x128xf32, #tpu.memory_space<vmem_shared>>) dst(%dma_wait3A_75 : memref<16x128xf32, #tpu.memory_space<hbm>>)
          tpu.yield
        }) : () -> ()
      } else {
      }
    } else {
    }
    %eq3A_58 = arith.constant 1 : i32
    %eq3A_59 = arith.cmpi eq, %arg0, %eq3A_58 : i32
    %convert_element_type3A_60 = arith.extui %eq3A_59 : i1 to i32
    %cond3A_61 = arith.constant 0 : i32
    %cond3A_62 = arith.cmpi ne, %convert_element_type3A_60, %cond3A_61 : i32
    scf.if %cond3A_62 {
      "tpu.region"() ({
        %run_scoped3A_68 = tpu.sem_alloc : memref<!tpu.dma_semaphore, #tpu.memory_space<semaphore_mem>>
        %dma_start3A = arith.constant 0 : i32
        %dma_start3A_69 = tpu.memref_slice %arg10[%mul3A_2, %dma_start3A] : memref<10000x128xf32, #tpu.memory_space<hbm>> -> memref<624x128xf32, #tpu.memory_space<hbm>>
        %dma_start3A_70 = arith.constant 0 : i32
        %dma_start3A_71 = tpu.memref_slice %arg18[%mul3A_2, %dma_start3A_70] : memref<10000x128xf32, #tpu.memory_space<vmem_shared>> -> memref<624x128xf32, #tpu.memory_space<vmem_shared>>
        tpu.enqueue_dma source(%dma_start3A_71 : memref<624x128xf32, #tpu.memory_space<vmem_shared>>) target(%dma_start3A_69 : memref<624x128xf32, #tpu.memory_space<hbm>>) target_semaphore(%run_scoped3A_68 : memref<!tpu.dma_semaphore, #tpu.memory_space<semaphore_mem>>)
        %dma_wait3A = arith.constant 0 : i32
        %dma_wait3A_72 = tpu.memref_slice %arg10[%mul3A_2, %dma_wait3A] : memref<10000x128xf32, #tpu.memory_space<hbm>> -> memref<624x128xf32, #tpu.memory_space<hbm>>
        %dma_wait3A_73 = arith.constant 0 : i32
        %dma_wait3A_74 = tpu.memref_slice %arg18[%mul3A_2, %dma_wait3A_73] : memref<10000x128xf32, #tpu.memory_space<vmem_shared>> -> memref<624x128xf32, #tpu.memory_space<vmem_shared>>
        tpu.wait_dma2 semaphore(%run_scoped3A_68 : memref<!tpu.dma_semaphore, #tpu.memory_space<semaphore_mem>>) src(%dma_wait3A_74 : memref<624x128xf32, #tpu.memory_space<vmem_shared>>) dst(%dma_wait3A_72 : memref<624x128xf32, #tpu.memory_space<hbm>>)
        tpu.yield
      }) : () -> ()
      %eq3A_63 = arith.constant 15 : i32
      %eq3A_64 = arith.cmpi eq, %arg1, %eq3A_63 : i32
      %convert_element_type3A_65 = arith.extui %eq3A_64 : i1 to i32
      %cond3A_66 = arith.constant 0 : i32
      %cond3A_67 = arith.cmpi ne, %convert_element_type3A_65, %cond3A_66 : i32
      scf.if %cond3A_67 {
        "tpu.region"() ({
          %run_scoped3A_68 = tpu.sem_alloc : memref<!tpu.dma_semaphore, #tpu.memory_space<semaphore_mem>>
          %dma_start3A = arith.constant 9984 : i32
          %dma_start3A_69 = arith.constant 0 : i32
          %dma_start3A_70 = tpu.memref_slice %arg10[%dma_start3A, %dma_start3A_69] : memref<10000x128xf32, #tpu.memory_space<hbm>> -> memref<16x128xf32, #tpu.memory_space<hbm>>
          %dma_start3A_71 = arith.constant 9984 : i32
          %dma_start3A_72 = arith.constant 0 : i32
          %dma_start3A_73 = tpu.memref_slice %arg18[%dma_start3A_71, %dma_start3A_72] : memref<10000x128xf32, #tpu.memory_space<vmem_shared>> -> memref<16x128xf32, #tpu.memory_space<vmem_shared>>
          tpu.enqueue_dma source(%dma_start3A_73 : memref<16x128xf32, #tpu.memory_space<vmem_shared>>) target(%dma_start3A_70 : memref<16x128xf32, #tpu.memory_space<hbm>>) target_semaphore(%run_scoped3A_68 : memref<!tpu.dma_semaphore, #tpu.memory_space<semaphore_mem>>)
          %dma_wait3A = arith.constant 9984 : i32
          %dma_wait3A_74 = arith.constant 0 : i32
          %dma_wait3A_75 = tpu.memref_slice %arg10[%dma_wait3A, %dma_wait3A_74] : memref<10000x128xf32, #tpu.memory_space<hbm>> -> memref<16x128xf32, #tpu.memory_space<hbm>>
          %dma_wait3A_76 = arith.constant 9984 : i32
          %dma_wait3A_77 = arith.constant 0 : i32
          %dma_wait3A_78 = tpu.memref_slice %arg18[%dma_wait3A_76, %dma_wait3A_77] : memref<10000x128xf32, #tpu.memory_space<vmem_shared>> -> memref<16x128xf32, #tpu.memory_space<vmem_shared>>
          tpu.wait_dma2 semaphore(%run_scoped3A_68 : memref<!tpu.dma_semaphore, #tpu.memory_space<semaphore_mem>>) src(%dma_wait3A_78 : memref<16x128xf32, #tpu.memory_space<vmem_shared>>) dst(%dma_wait3A_75 : memref<16x128xf32, #tpu.memory_space<hbm>>)
          tpu.yield
        }) : () -> ()
      } else {
      }
    } else {
    }
    return
  }
}

module attributes {stable_mosaic.version = 14 : i64} {
  func.func @_qkv_body(%arg0: i32, %arg1: memref<2000x128xf32, #tpu.memory_space<vmem>>, %arg2: memref<128x128xf32, #tpu.memory_space<vmem>>, %arg3: memref<128x128xf32, #tpu.memory_space<vmem>>, %arg4: memref<128x128xf32, #tpu.memory_space<vmem>>, %arg5: memref<3x128xf32, #tpu.memory_space<vmem>>, %arg6: memref<2000x128xf32, #tpu.memory_space<vmem>>, %arg7: memref<2000x128xf32, #tpu.memory_space<vmem>>, %arg8: memref<2000x128xf32, #tpu.memory_space<vmem>>) attributes {dimension_semantics = [#tpu.dimension_semantics<arbitrary>], iteration_bounds = array<i64: 5>, scalar_prefetch = 0 : i64, scratch_operands = 0 : i64, tpu.core_type = #tpu.core_type<tc>, window_params = [{transform_indices = @transform_0, window_bounds = array<i64: 2000, 128>}, {pipeline_mode = #tpu.pipeline_mode<synchronous>, transform_indices = @transform_1, window_bounds = array<i64: 128, 128>}, {pipeline_mode = #tpu.pipeline_mode<synchronous>, transform_indices = @transform_2, window_bounds = array<i64: 128, 128>}, {pipeline_mode = #tpu.pipeline_mode<synchronous>, transform_indices = @transform_3, window_bounds = array<i64: 128, 128>}, {pipeline_mode = #tpu.pipeline_mode<synchronous>, transform_indices = @transform_4, window_bounds = array<i64: 3, 128>}, {transform_indices = @transform_5, window_bounds = array<i64: 2000, 128>}, {transform_indices = @transform_6, window_bounds = array<i64: 2000, 128>}, {transform_indices = @transform_7, window_bounds = array<i64: 2000, 128>}]} {
    %get3A = arith.constant 0 : index
    %get3A_0 = arith.constant 0 : index
    %get3A_1 = vector.load %arg1[%get3A, %get3A_0] : memref<2000x128xf32, #tpu.memory_space<vmem>>, vector<2000x128xf32>
    %get3A_2 = arith.constant 0 : index
    %get3A_3 = arith.constant 0 : index
    %get3A_4 = vector.load %arg2[%get3A_2, %get3A_3] : memref<128x128xf32, #tpu.memory_space<vmem>>, vector<128x128xf32>
    %dot_general3A = arith.constant dense<0.000000e+00> : vector<2000x128xf32>
    %dot_general3A_5 = tpu.matmul %get3A_1, %get3A_4, %dot_general3A {dimension_numbers = #tpu.dot_dimension_numbers<[1], [0], [0], [1], [0, 0, 1, 1], [], []>, precision = #tpu.contract_precision<fp32>, transpose_lhs_hint = false} : vector<2000x128xf32>, vector<128x128xf32>, vector<2000x128xf32> -> vector<2000x128xf32>
    %get3A_6 = arith.constant 0 : index
    %get3A_7 = arith.constant 0 : index
    %get3A_8 = vector.load %arg5[%get3A_6, %get3A_7] : memref<3x128xf32, #tpu.memory_space<vmem>>, vector<1x128xf32>
    %add3A = vector.broadcast %get3A_8 : vector<1x128xf32> to vector<2000x128xf32>
    %add3A_9 = arith.addf %dot_general3A_5, %add3A : vector<2000x128xf32>
    %swap3A = arith.constant 0 : index
    %swap3A_10 = arith.constant 0 : index
    %swap3A_11 = vector.load %arg6[%swap3A, %swap3A_10] : memref<2000x128xf32, #tpu.memory_space<vmem>>, vector<2000x128xf32>
    tpu.vector_store %arg6[%swap3A, %swap3A_10], %add3A_9 {strides = array<i32>} : memref<2000x128xf32, #tpu.memory_space<vmem>>, vector<2000x128xf32>,
    %get3A_12 = arith.constant 0 : index
    %get3A_13 = arith.constant 0 : index
    %get3A_14 = vector.load %arg3[%get3A_12, %get3A_13] : memref<128x128xf32, #tpu.memory_space<vmem>>, vector<128x128xf32>
    %dot_general3A_15 = arith.constant dense<0.000000e+00> : vector<2000x128xf32>
    %dot_general3A_16 = tpu.matmul %get3A_1, %get3A_14, %dot_general3A_15 {dimension_numbers = #tpu.dot_dimension_numbers<[1], [0], [0], [1], [0, 0, 1, 1], [], []>, precision = #tpu.contract_precision<fp32>, transpose_lhs_hint = false} : vector<2000x128xf32>, vector<128x128xf32>, vector<2000x128xf32> -> vector<2000x128xf32>
    %get3A_17 = arith.constant 1 : index
    %get3A_18 = arith.constant 0 : index
    %get3A_19 = vector.load %arg5[%get3A_17, %get3A_18] : memref<3x128xf32, #tpu.memory_space<vmem>>, vector<1x128xf32>
    %add3A_20 = vector.broadcast %get3A_19 : vector<1x128xf32> to vector<2000x128xf32>
    %add3A_21 = arith.addf %dot_general3A_16, %add3A_20 : vector<2000x128xf32>
    %swap3A_22 = arith.constant 0 : index
    %swap3A_23 = arith.constant 0 : index
    %swap3A_24 = vector.load %arg7[%swap3A_22, %swap3A_23] : memref<2000x128xf32, #tpu.memory_space<vmem>>, vector<2000x128xf32>
    tpu.vector_store %arg7[%swap3A_22, %swap3A_23], %add3A_21 {strides = array<i32>} : memref<2000x128xf32, #tpu.memory_space<vmem>>, vector<2000x128xf32>,
    %get3A_25 = arith.constant 0 : index
    %get3A_26 = arith.constant 0 : index
    %get3A_27 = vector.load %arg4[%get3A_25, %get3A_26] : memref<128x128xf32, #tpu.memory_space<vmem>>, vector<128x128xf32>
    %dot_general3A_28 = arith.constant dense<0.000000e+00> : vector<2000x128xf32>
    %dot_general3A_29 = tpu.matmul %get3A_1, %get3A_27, %dot_general3A_28 {dimension_numbers = #tpu.dot_dimension_numbers<[1], [0], [0], [1], [0, 0, 1, 1], [], []>, precision = #tpu.contract_precision<fp32>, transpose_lhs_hint = false} : vector<2000x128xf32>, vector<128x128xf32>, vector<2000x128xf32> -> vector<2000x128xf32>
    %get3A_30 = arith.constant 2 : index
    %get3A_31 = arith.constant 0 : index
    %get3A_32 = vector.load %arg5[%get3A_30, %get3A_31] : memref<3x128xf32, #tpu.memory_space<vmem>>, vector<1x128xf32>
    %add3A_33 = vector.broadcast %get3A_32 : vector<1x128xf32> to vector<2000x128xf32>
    %add3A_34 = arith.addf %dot_general3A_29, %add3A_33 : vector<2000x128xf32>
    %swap3A_35 = arith.constant 0 : index
    %swap3A_36 = arith.constant 0 : index
    %swap3A_37 = vector.load %arg8[%swap3A_35, %swap3A_36] : memref<2000x128xf32, #tpu.memory_space<vmem>>, vector<2000x128xf32>
    tpu.vector_store %arg8[%swap3A_35, %swap3A_36], %add3A_34 {strides = array<i32>} : memref<2000x128xf32, #tpu.memory_space<vmem>>, vector<2000x128xf32>,
    return
  }
  func.func @transform_0(%arg0: i32) -> (i32, i32) {
    %c0_i32 = arith.constant 0 : i32
    %c0_i32_0 = arith.constant 0 : i32
    return %arg0, %c0_i32 : i32, i32
  }
  func.func @transform_1(%arg0: i32) -> (i32, i32) {
    %c0_i32 = arith.constant 0 : i32
    %c0_i32_0 = arith.constant 0 : i32
    %c0_i32_1 = arith.constant 0 : i32
    return %c0_i32, %c0_i32_0 : i32, i32
  }
  func.func @transform_2(%arg0: i32) -> (i32, i32) {
    %c0_i32 = arith.constant 0 : i32
    %c0_i32_0 = arith.constant 0 : i32
    %c0_i32_1 = arith.constant 0 : i32
    return %c0_i32, %c0_i32_0 : i32, i32
  }
  func.func @transform_3(%arg0: i32) -> (i32, i32) {
    %c0_i32 = arith.constant 0 : i32
    %c0_i32_0 = arith.constant 0 : i32
    %c0_i32_1 = arith.constant 0 : i32
    return %c0_i32, %c0_i32_0 : i32, i32
  }
  func.func @transform_4(%arg0: i32) -> (i32, i32) {
    %c0_i32 = arith.constant 0 : i32
    %c0_i32_0 = arith.constant 0 : i32
    %c0_i32_1 = arith.constant 0 : i32
    return %c0_i32, %c0_i32_0 : i32, i32
  }
  func.func @transform_5(%arg0: i32) -> (i32, i32) {
    %c0_i32 = arith.constant 0 : i32
    %c0_i32_0 = arith.constant 0 : i32
    return %arg0, %c0_i32 : i32, i32
  }
  func.func @transform_6(%arg0: i32) -> (i32, i32) {
    %c0_i32 = arith.constant 0 : i32
    %c0_i32_0 = arith.constant 0 : i32
    return %arg0, %c0_i32 : i32, i32
  }
  func.func @transform_7(%arg0: i32) -> (i32, i32) {
    %c0_i32 = arith.constant 0 : i32
    %c0_i32_0 = arith.constant 0 : i32
    return %arg0, %c0_i32 : i32, i32
  }
}

module attributes {stable_mosaic.version = 14 : i64} {
  func.func @_out_body(%arg0: i32, %arg1: memref<2000x128xf32, #tpu.memory_space<vmem>>, %arg2: memref<2000x128xf32, #tpu.memory_space<vmem>>, %arg3: memref<32x128xf32, #tpu.memory_space<vmem>>, %arg4: memref<128x128xf32, #tpu.memory_space<vmem>>, %arg5: memref<1x128xf32, #tpu.memory_space<vmem>>, %arg6: memref<1x128xf32, #tpu.memory_space<vmem>>, %arg7: memref<1x128xf32, #tpu.memory_space<vmem>>, %arg8: memref<2000x128xf32, #tpu.memory_space<vmem>>) attributes {dimension_semantics = [#tpu.dimension_semantics<arbitrary>], iteration_bounds = array<i64: 5>, scalar_prefetch = 0 : i64, scratch_operands = 0 : i64, tpu.core_type = #tpu.core_type<tc>, window_params = [{transform_indices = @transform_0, window_bounds = array<i64: 2000, 128>}, {transform_indices = @transform_1, window_bounds = array<i64: 2000, 128>}, {pipeline_mode = #tpu.pipeline_mode<synchronous>, transform_indices = @transform_2, window_bounds = array<i64: 32, 128>}, {pipeline_mode = #tpu.pipeline_mode<synchronous>, transform_indices = @transform_3, window_bounds = array<i64: 128, 128>}, {pipeline_mode = #tpu.pipeline_mode<synchronous>, transform_indices = @transform_4, window_bounds = array<i64: 1, 128>}, {pipeline_mode = #tpu.pipeline_mode<synchronous>, transform_indices = @transform_5, window_bounds = array<i64: 1, 128>}, {pipeline_mode = #tpu.pipeline_mode<synchronous>, transform_indices = @transform_6, window_bounds = array<i64: 1, 128>}, {transform_indices = @transform_7, window_bounds = array<i64: 2000, 128>}]} {
    %get3A = arith.constant 0 : index
    %get3A_0 = arith.constant 0 : index
    %get3A_1 = vector.load %arg3[%get3A, %get3A_0] : memref<32x128xf32, #tpu.memory_space<vmem>>, vector<32x128xf32>
    %reduce_sum3A = arith.constant dense<0.000000e+00> : vector<128xf32>
    %reduce_sum3A_2 = vector.multi_reduction <add>, %get3A_1, %reduce_sum3A [0] : vector<32x128xf32> to vector<128xf32>
    %broadcast_in_dim3A = vector.shape_cast %reduce_sum3A_2 : vector<128xf32> to vector<1x128xf32>
    %iota3A = tpu.iota {dimensions = array<i32: 0>} : vector<128x128xi32>
    %jit3A = arith.constant 32 : i32
    %div3A = vector.broadcast %jit3A : i32 to vector<128x128xi32>
    %div3A_3 = arith.divsi %iota3A, %div3A : vector<128x128xi32>
    %sign3A = arith.constant 0 : i32
    %sign3A_4 = vector.broadcast %sign3A : i32 to vector<128x128xi32>
    %sign3A_5 = arith.cmpi sgt, %iota3A, %sign3A_4 : vector<128x128xi32>
    %sign3A_6 = arith.extui %sign3A_5 : vector<128x128xi1> to vector<128x128xi32>
    %sign3A_7 = arith.constant 0 : i32
    %sign3A_8 = vector.broadcast %sign3A_7 : i32 to vector<128x128xi32>
    %sign3A_9 = arith.cmpi slt, %iota3A, %sign3A_8 : vector<128x128xi32>
    %sign3A_10 = arith.extui %sign3A_9 : vector<128x128xi1> to vector<128x128xi32>
    %sign3A_11 = arith.subi %sign3A_6, %sign3A_10 : vector<128x128xi32>
    %sign3A_12 = arith.constant 0 : i32
    %sign3A_13 = arith.cmpi sgt, %jit3A, %sign3A_12 : i32
    %sign3A_14 = arith.extui %sign3A_13 : i1 to i32
    %sign3A_15 = arith.constant 0 : i32
    %sign3A_16 = arith.cmpi slt, %jit3A, %sign3A_15 : i32
    %sign3A_17 = arith.extui %sign3A_16 : i1 to i32
    %sign3A_18 = arith.subi %sign3A_14, %sign3A_17 : i32
    %ne3A = vector.broadcast %sign3A_18 : i32 to vector<128x128xi32>
    %ne3A_19 = arith.cmpi ne, %sign3A_11, %ne3A : vector<128x128xi32>
    %rem3A = vector.broadcast %jit3A : i32 to vector<128x128xi32>
    %rem3A_20 = arith.remsi %iota3A, %rem3A : vector<128x128xi32>
    %ne3A_21 = arith.constant 0 : i32
    %ne3A_22 = vector.broadcast %ne3A_21 : i32 to vector<128x128xi32>
    %ne3A_23 = arith.cmpi ne, %rem3A_20, %ne3A_22 : vector<128x128xi32>
    %and3A = arith.andi %ne3A_19, %ne3A_23 : vector<128x128xi1>
    %sub3A = arith.constant 1 : i32
    %sub3A_24 = vector.broadcast %sub3A : i32 to vector<128x128xi32>
    %sub3A_25 = arith.subi %div3A_3, %sub3A_24 : vector<128x128xi32>
    %select_n3A = arith.select %and3A, %sub3A_25, %div3A_3 : vector<128x128xi1>, vector<128x128xi32>
    %iota3A_26 = tpu.iota {dimensions = array<i32: 1>} : vector<128x128xi32>
    %jit3A_27 = arith.constant 32 : i32
    %div3A_28 = vector.broadcast %jit3A_27 : i32 to vector<128x128xi32>
    %div3A_29 = arith.divsi %iota3A_26, %div3A_28 : vector<128x128xi32>
    %sign3A_30 = arith.constant 0 : i32
    %sign3A_31 = vector.broadcast %sign3A_30 : i32 to vector<128x128xi32>
    %sign3A_32 = arith.cmpi sgt, %iota3A_26, %sign3A_31 : vector<128x128xi32>
    %sign3A_33 = arith.extui %sign3A_32 : vector<128x128xi1> to vector<128x128xi32>
    %sign3A_34 = arith.constant 0 : i32
    %sign3A_35 = vector.broadcast %sign3A_34 : i32 to vector<128x128xi32>
    %sign3A_36 = arith.cmpi slt, %iota3A_26, %sign3A_35 : vector<128x128xi32>
    %sign3A_37 = arith.extui %sign3A_36 : vector<128x128xi1> to vector<128x128xi32>
    %sign3A_38 = arith.subi %sign3A_33, %sign3A_37 : vector<128x128xi32>
    %sign3A_39 = arith.constant 0 : i32
    %sign3A_40 = arith.cmpi sgt, %jit3A_27, %sign3A_39 : i32
    %sign3A_41 = arith.extui %sign3A_40 : i1 to i32
    %sign3A_42 = arith.constant 0 : i32
    %sign3A_43 = arith.cmpi slt, %jit3A_27, %sign3A_42 : i32
    %sign3A_44 = arith.extui %sign3A_43 : i1 to i32
    %sign3A_45 = arith.subi %sign3A_41, %sign3A_44 : i32
    %ne3A_46 = vector.broadcast %sign3A_45 : i32 to vector<128x128xi32>
    %ne3A_47 = arith.cmpi ne, %sign3A_38, %ne3A_46 : vector<128x128xi32>
    %rem3A_48 = vector.broadcast %jit3A_27 : i32 to vector<128x128xi32>
    %rem3A_49 = arith.remsi %iota3A_26, %rem3A_48 : vector<128x128xi32>
    %ne3A_50 = arith.constant 0 : i32
    %ne3A_51 = vector.broadcast %ne3A_50 : i32 to vector<128x128xi32>
    %ne3A_52 = arith.cmpi ne, %rem3A_49, %ne3A_51 : vector<128x128xi32>
    %and3A_53 = arith.andi %ne3A_47, %ne3A_52 : vector<128x128xi1>
    %sub3A_54 = arith.constant 1 : i32
    %sub3A_55 = vector.broadcast %sub3A_54 : i32 to vector<128x128xi32>
    %sub3A_56 = arith.subi %div3A_29, %sub3A_55 : vector<128x128xi32>
    %select_n3A_57 = arith.select %and3A_53, %sub3A_56, %div3A_29 : vector<128x128xi1>, vector<128x128xi32>
    %eq3A = arith.cmpi eq, %select_n3A, %select_n3A_57 : vector<128x128xi32>
    %convert_element_type3A = arith.extui %eq3A : vector<128x128xi1> to vector<128x128xi32>
    %convert_element_type3A_58 = arith.sitofp %convert_element_type3A : vector<128x128xi32> to vector<128x128xf32>
    %dot_general3A = arith.constant dense<0.000000e+00> : vector<1x128xf32>
    %dot_general3A_59 = tpu.matmul %broadcast_in_dim3A, %convert_element_type3A_58, %dot_general3A {dimension_numbers = #tpu.dot_dimension_numbers<[1], [0], [0], [1], [0, 0, 1, 1], [], []>, precision = #tpu.contract_precision<fp32>, transpose_lhs_hint = false} : vector<1x128xf32>, vector<128x128xf32>, vector<1x128xf32> -> vector<1x128xf32>
    %get3A_60 = arith.constant 0 : index
    %get3A_61 = arith.constant 0 : index
    %get3A_62 = vector.load %arg1[%get3A_60, %get3A_61] : memref<2000x128xf32, #tpu.memory_space<vmem>>, vector<2000x128xf32>
    %get3A_63 = arith.constant 0 : index
    %get3A_64 = arith.constant 0 : index
    %get3A_65 = vector.load %arg2[%get3A_63, %get3A_64] : memref<2000x128xf32, #tpu.memory_space<vmem>>, vector<2000x128xf32>
    %add3A = arith.addf %get3A_62, %get3A_65 : vector<2000x128xf32>
    %div3A_66 = vector.broadcast %dot_general3A_59 : vector<1x128xf32> to vector<2000x128xf32>
    %div3A_67 = arith.divf %add3A, %div3A_66 : vector<2000x128xf32>
    %get3A_68 = arith.constant 0 : index
    %get3A_69 = arith.constant 0 : index
    %get3A_70 = vector.load %arg4[%get3A_68, %get3A_69] : memref<128x128xf32, #tpu.memory_space<vmem>>, vector<128x128xf32>
    %dot_general3A_71 = arith.constant dense<0.000000e+00> : vector<2000x128xf32>
    %dot_general3A_72 = tpu.matmul %div3A_67, %get3A_70, %dot_general3A_71 {dimension_numbers = #tpu.dot_dimension_numbers<[1], [0], [0], [1], [0, 0, 1, 1], [], []>, precision = #tpu.contract_precision<fp32>, transpose_lhs_hint = false} : vector<2000x128xf32>, vector<128x128xf32>, vector<2000x128xf32> -> vector<2000x128xf32>
    %get3A_73 = arith.constant 0 : index
    %get3A_74 = arith.constant 0 : index
    %get3A_75 = vector.load %arg5[%get3A_73, %get3A_74] : memref<1x128xf32, #tpu.memory_space<vmem>>, vector<1x128xf32>
    %add3A_76 = vector.broadcast %get3A_75 : vector<1x128xf32> to vector<2000x128xf32>
    %add3A_77 = arith.addf %dot_general3A_72, %add3A_76 : vector<2000x128xf32>
    %reduce_sum3A_78 = arith.constant dense<0.000000e+00> : vector<2000xf32>
    %reduce_sum3A_79 = vector.multi_reduction <add>, %add3A_77, %reduce_sum3A_78 [1] : vector<2000x128xf32> to vector<2000xf32>
    %broadcast_in_dim3A_80 = vector.shape_cast %reduce_sum3A_79 : vector<2000xf32> to vector<2000x1xf32>
    %div3A_81 = arith.constant 1.280000e+02 : f32
    %div3A_82 = vector.broadcast %div3A_81 : f32 to vector<2000x1xf32>
    %div3A_83 = arith.divf %broadcast_in_dim3A_80, %div3A_82 : vector<2000x1xf32>
    %sub3A_84 = vector.broadcast %div3A_83 : vector<2000x1xf32> to vector<2000x128xf32>
    %sub3A_85 = arith.subf %add3A_77, %sub3A_84 : vector<2000x128xf32>
    %integer_pow3A = arith.mulf %sub3A_85, %sub3A_85 : vector<2000x128xf32>
    %reduce_sum3A_86 = arith.constant dense<0.000000e+00> : vector<2000xf32>
    %reduce_sum3A_87 = vector.multi_reduction <add>, %integer_pow3A, %reduce_sum3A_86 [1] : vector<2000x128xf32> to vector<2000xf32>
    %broadcast_in_dim3A_88 = vector.shape_cast %reduce_sum3A_87 : vector<2000xf32> to vector<2000x1xf32>
    %div3A_89 = arith.constant 1.280000e+02 : f32
    %div3A_90 = vector.broadcast %div3A_89 : f32 to vector<2000x1xf32>
    %div3A_91 = arith.divf %broadcast_in_dim3A_88, %div3A_90 : vector<2000x1xf32>
    %sub3A_92 = vector.broadcast %div3A_83 : vector<2000x1xf32> to vector<2000x128xf32>
    %sub3A_93 = arith.subf %add3A_77, %sub3A_92 : vector<2000x128xf32>
    %add3A_94 = arith.constant 9.99999974E-6 : f32
    %add3A_95 = vector.broadcast %add3A_94 : f32 to vector<2000x1xf32>
    %add3A_96 = arith.addf %div3A_91, %add3A_95 : vector<2000x1xf32>
    %rsqrt3A = math.rsqrt %add3A_96 : vector<2000x1xf32>
    %mul3A = vector.broadcast %rsqrt3A : vector<2000x1xf32> to vector<2000x128xf32>
    %mul3A_97 = arith.mulf %sub3A_93, %mul3A : vector<2000x128xf32>
    %get3A_98 = arith.constant 0 : index
    %get3A_99 = arith.constant 0 : index
    %get3A_100 = vector.load %arg6[%get3A_98, %get3A_99] : memref<1x128xf32, #tpu.memory_space<vmem>>, vector<1x128xf32>
    %mul3A_101 = vector.broadcast %get3A_100 : vector<1x128xf32> to vector<2000x128xf32>
    %mul3A_102 = arith.mulf %mul3A_97, %mul3A_101 : vector<2000x128xf32>
    %get3A_103 = arith.constant 0 : index
    %get3A_104 = arith.constant 0 : index
    %get3A_105 = vector.load %arg7[%get3A_103, %get3A_104] : memref<1x128xf32, #tpu.memory_space<vmem>>, vector<1x128xf32>
    %add3A_106 = vector.broadcast %get3A_105 : vector<1x128xf32> to vector<2000x128xf32>
    %add3A_107 = arith.addf %mul3A_102, %add3A_106 : vector<2000x128xf32>
    %swap3A = arith.constant 0 : index
    %swap3A_108 = arith.constant 0 : index
    %swap3A_109 = vector.load %arg8[%swap3A, %swap3A_108] : memref<2000x128xf32, #tpu.memory_space<vmem>>, vector<2000x128xf32>
    tpu.vector_store %arg8[%swap3A, %swap3A_108], %add3A_107 {strides = array<i32>} : memref<2000x128xf32, #tpu.memory_space<vmem>>, vector<2000x128xf32>,
    return
  }
  func.func @transform_0(%arg0: i32) -> (i32, i32) {
    %c0_i32 = arith.constant 0 : i32
    %c0_i32_0 = arith.constant 0 : i32
    return %arg0, %c0_i32 : i32, i32
  }
  func.func @transform_1(%arg0: i32) -> (i32, i32) {
    %c0_i32 = arith.constant 0 : i32
    %c0_i32_0 = arith.constant 0 : i32
    return %arg0, %c0_i32 : i32, i32
  }
  func.func @transform_2(%arg0: i32) -> (i32, i32) {
    %c0_i32 = arith.constant 0 : i32
    %c0_i32_0 = arith.constant 0 : i32
    %c0_i32_1 = arith.constant 0 : i32
    return %c0_i32, %c0_i32_0 : i32, i32
  }
  func.func @transform_3(%arg0: i32) -> (i32, i32) {
    %c0_i32 = arith.constant 0 : i32
    %c0_i32_0 = arith.constant 0 : i32
    %c0_i32_1 = arith.constant 0 : i32
    return %c0_i32, %c0_i32_0 : i32, i32
  }
  func.func @transform_4(%arg0: i32) -> (i32, i32) {
    %c0_i32 = arith.constant 0 : i32
    %c0_i32_0 = arith.constant 0 : i32
    %c0_i32_1 = arith.constant 0 : i32
    return %c0_i32, %c0_i32_0 : i32, i32
  }
  func.func @transform_5(%arg0: i32) -> (i32, i32) {
    %c0_i32 = arith.constant 0 : i32
    %c0_i32_0 = arith.constant 0 : i32
    %c0_i32_1 = arith.constant 0 : i32
    return %c0_i32, %c0_i32_0 : i32, i32
  }
  func.func @transform_6(%arg0: i32) -> (i32, i32) {
    %c0_i32 = arith.constant 0 : i32
    %c0_i32_0 = arith.constant 0 : i32
    %c0_i32_1 = arith.constant 0 : i32
    return %c0_i32, %c0_i32_0 : i32, i32
  }
  func.func @transform_7(%arg0: i32) -> (i32, i32) {
    %c0_i32 = arith.constant 0 : i32
    %c0_i32_0 = arith.constant 0 : i32
    return %arg0, %c0_i32 : i32, i32
  }
}

</mosaic_0001>

<sc_bundles>
// kernel: kernel.5.cloned.1.call-start
scs
__scs_entry_jumppad:
0x0: {  	(pc) =	sbr.rel $0x88, $3  }
0x1: {  	(tag) =	ssettag $0x0;
	lr =	simm.s32 $0x1  }
0x2: {  	[smem:$0x3F94] =	sst lr;
	_ =	strace $0xD0000000  }
0x3: {  	_ = 	snop  }
0x4: {  	_ = 	snop  }
0x5: {  	_ = 	snop  }
0x6: {  	_ = 	snop  }
0x7: {  	_ = 	snop  }
__scs_overlays_trampoline_lowered:
0x8: {  	[smem:$0x3FA3] =	sst s0  }
0x9: {  	[smem:$0x3FA4] =	sst s1  }
0xa: {  	[smem:$0x3FA5] =	sst s2  }
0xb: {  	[smem:$0x3FA6] =	sst s3  }
0xc: {  	[smem:$0x3FA7] =	sst s4  }
0xd: {  	[smem:$0x3FA8] =	sst s5  }
0xe: {  	[smem:$0x3FA9] =	sst s6  }
0xf: {  	[smem:$0x3FAA] =	sst s7  }
0x10: {  	[smem:$0x3FAB] =	sst s8  }
0x11: {  	[smem:$0x3FAC] =	sst s9;
	s0 =	simm.s32 @!p0 $0x0  }
0x12: {  	s1 =	sld [smem:$0x3F92];
	s0 =	simm.s32 @p0 $0x1  }
0x13: {  	[smem:$0x3FAD] =	sst s0;
	s0 =	simm.s32 @!p1 $0x0  }
0x14: {  	s2 =	sld [smem:$0x3F91];
	s0 =	simm.s32 @p1 $0x1  }
0x15: {  	[smem:$0x3FAE] =	sst s0;
	s0 =	simm.s32 @!p2 $0x0  }
0x16: {  	s3 =	sld [smem:$0x3FDB];
	s0 =	simm.s32 @p2 $0x1  }
0x17: {  	s4 =	simm.s32 $0x1BF5;
	[smem:$0x3FB0] =	sst s0  }
0x18: {  	s0 =	sld [smem:$0x3F93];
	_ =	swait.ge [sflag:s4], $0x0  }
0x19: {  	s7 =	sld [smem:$0x3F94]  }
0x1a: {  	s8 =	sadd.s32 $0xFFFFE003, lr  }
0x1b: {  	s9 =	sadd.s32 $0xFFFFFEF7, lr;
	s5 =	simm.s32 $0xFFFFFFFF;
	p2 =	slt.u32 s8, $0xFFFFF086  }
0x1c: {  	p1 =	slt.u32 s9, $0xF7A;
	s5 =	simm.s32 @!p2 $0x0  }
0x1d: {  	s5 =	simm.s32 @p1 $0x1;
	p0 =	seq.s32 s7, s2  }
0x1e: {  	s7 =	smul.u32 @!p0 $0xF7A, s2;
	p2 =	seq.s32 @!p0 s5, $0x0  }
0x1f: {  	s9 =	smul.u32 $0xF7A, s1;
	s8 =	simm.s32 @!p0 $0x1BF5;
	p2 =	por !p2, p0  }
0x20: {  	[sflag:s8] =	ssyncset.s32 @!p0 $0xFFFFF086;
	s6 =	sadd.s32 @!p0 s3, s7;
	s7 =	simm.s32 @!p0 $0x108  }
0x21: {  	s3 =	sadd.s32 s3, s9;
	s6 =	sadd.s32 @!p0 $0x88, s6;
	s7 =	simm.s32 @p2 $0x1082  }
0x22: {  	[simem:s7], [sflag:s8] =	dma.local @!p0 [hbm:s6], $0xF7A  }
0x23: {  	s9 =	sor.u32 $0xD0000000, s2;
	s6 =	simm.s32 $0x108;
	_ =	swait.ge @!p0 [sflag:s8], $0x0  }
0x24: {  	s3 =	sadd.s32 $0x88, s3;
	s6 =	simm.s32 @!p1 $0x1082;
	[sflag:s4] =	ssyncset.s32 $0xFFFFF086  }
0x25: {  	[simem:s6], [sflag:s4] =	dma.local [hbm:s3], $0xF7A  }
0x26: {  	[smem:$0x3F94] =	sst s1;
	(tag) =	ssettag s2;
	_ =	strace s9  }
0x27: {  	s1 =	sld [smem:$0x3FA4]  }
0x28: {  	s2 =	sld [smem:$0x3FA5]  }
0x29: {  	s4 =	sld [smem:$0x3FA7]  }
0x2a: {  	p0 =	seq.s32 s5, $0x0;
	s5 =	sld [smem:$0x3FA8]  }
0x2b: {  	s6 =	sld [smem:$0x3FA9]  }
0x2c: {  	s7 =	sld [smem:$0x3FAA]  }
0x2d: {  	s3 =	simm.s32 $0x108;
	s8 =	sld [smem:$0x3FAB]  }
0x2e: {  	s3 =	simm.s32 @!p0 $0x1082;
	s9 =	sld [smem:$0x3FAC]  }
0x2f: {  	lr =	sadd.s32 s0, s3;
	s0 =	sld [smem:$0x3FA3]  }
0x30: {  	s3 =	sld [smem:$0x3FA6]  }
0x31: {  	[smem:$0x3FAF] =	sst s10  }
0x32: {  	s10 =	sld [smem:$0x3FAD];
	_ =	sdelay $0x3  }
0x33: {  	p0 =	seq.s32 s10, $0x1;
	s10 =	sld [smem:$0x3FAF];
	_ =	sdelay $0x3  }
0x34: {  	[smem:$0x3FAF] =	sst s10  }
0x35: {  	s10 =	sld [smem:$0x3FAE];
	_ =	sdelay $0x3  }
0x36: {  	p1 =	seq.s32 s10, $0x1;
	s10 =	sld [smem:$0x3FAF];
	_ =	sdelay $0x3  }
0x37: {  	[smem:$0x3FAF] =	sst s10  }
0x38: {  	s10 =	sld [smem:$0x3FB0]  }
0x39: {  	_ = 	snop;
	(pc) =	sbr.ind lr, $3  }
0x3a: {  	_ = 	snop  }
0x3b: {  	_ = 	snop  }
0x3c: {  	p2 =	seq.s32 s10, $0x1;
	s10 =	sld [smem:$0x3FAF]  }
0x3d: {  	_ =	shalt  }
0x3e: {  	_ =	shalt  }
0x3f: {  	_ =	shalt  }
0x40: {  	_ =	shalt  }
0x41: {  	_ =	shalt  }
0x42: {  	_ =	shalt  }
0x43: {  	_ =	shalt  }
0x44: {  	_ =	shalt  }
0x45: {  	_ =	shalt  }
0x46: {  	_ =	shalt  }
0x47: {  	_ =	shalt  }
0x48: {  	_ =	shalt  }
0x49: {  	_ =	shalt  }
0x4a: {  	_ =	shalt  }
0x4b: {  	_ =	shalt  }
0x4c: {  	_ =	shalt  }
0x4d: {  	_ =	shalt  }
0x4e: {  	_ =	shalt  }
0x4f: {  	_ =	shalt  }
0x50: {  	_ =	shalt  }
0x51: {  	_ =	shalt  }
0x52: {  	_ =	shalt  }
0x53: {  	_ =	shalt  }
0x54: {  	_ =	shalt  }
0x55: {  	_ =	shalt  }
0x56: {  	_ =	shalt  }
0x57: {  	_ =	shalt  }
0x58: {  	_ =	shalt  }
0x59: {  	_ =	shalt  }
0x5a: {  	_ =	shalt  }
0x5b: {  	_ =	shalt  }
0x5c: {  	_ =	shalt  }
0x5d: {  	_ =	shalt  }
0x5e: {  	_ =	shalt  }
0x5f: {  	_ =	shalt  }
0x60: {  	_ =	shalt  }
0x61: {  	_ =	shalt  }
0x62: {  	_ =	shalt  }
0x63: {  	_ =	shalt  }
0x64: {  	_ =	shalt  }
0x65: {  	_ =	shalt  }
0x66: {  	_ =	shalt  }
0x67: {  	_ =	shalt  }
0x68: {  	_ =	shalt  }
0x69: {  	_ =	shalt  }
0x6a: {  	_ =	shalt  }
0x6b: {  	_ =	shalt  }
0x6c: {  	_ =	shalt  }
0x6d: {  	_ =	shalt  }
0x6e: {  	_ =	shalt  }
0x6f: {  	_ =	shalt  }
0x70: {  	_ =	shalt  }
0x71: {  	_ =	shalt  }
0x72: {  	_ =	shalt  }
0x73: {  	_ =	shalt  }
0x74: {  	_ =	shalt  }
0x75: {  	_ =	shalt  }
0x76: {  	_ =	shalt  }
0x77: {  	_ =	shalt  }
0x78: {  	_ =	shalt  }
0x79: {  	_ =	shalt  }
0x7a: {  	_ =	shalt  }
0x7b: {  	_ =	shalt  }
0x7c: {  	_ =	shalt  }
0x7d: {  	_ =	shalt  }
0x7e: {  	_ =	shalt  }
0x7f: {  	_ =	shalt  }
0x80: {  	_ =	shalt  }
0x81: {  	_ =	shalt  }
0x82: {  	_ =	shalt  }
0x83: {  	_ =	shalt  }
0x84: {  	_ =	shalt  }
0x85: {  	_ =	shalt  }
0x86: {  	_ =	shalt  }
0x87: {  	_ =	shalt  }
.Lfunc_end0:
.L_simem_size_0:
called_computation_lowered:
.L_overlay_start_0:
0x88: {  	s2 =	sld [smem:$0x3FD9]  }
0x89: {  	s3 =	sld [smem:$0x3FFE];
	_ =	sdelay $0x1  }
0x8a: {  	s1 =	srdreg.scid  }
0x8b: {  	s0 =	sand.u32 $0x1, s1  }
0x8c: {  	s17 =	sshll.u32 s0, $0xA;
	s2 =	sadd.s32 s3, s2  }
0x8d: {  	s2 =	sadd.s32 s2, s17  }
0x8e: {  	[smem:$0x3FBB] =	sst s2  }
0x8f: {  	_ = 	snop  }
0x90: {  	s2 =	sld [smem:$0x3FD0];
	(tm) =	ssettm $0x1  }
0x91: {  	s18 =	sld [smem:$0x3FFB];
	_ =	sdelay $0x3  }
0x92: {  	_ =	strace s18  }
0x93: {  	s3 =	sld [smem:$0x3FFC];
	_ =	sdelay $0x3  }
0x94: {  	_ =	strace s3  }
0x95: {  	s3 =	sld [smem:$0x3FFD];
	_ =	sdelay $0x3  }
0x96: {  	_ =	strace s3  }
0x97: {  	_ =	strace $0x8FFFFFFF  }
0x98: {  	s19 =	sld [smem:$0x3FDB];
	_ =	sdelay $0x1  }
0x99: {  	s4 =	simm.s32 $_scs_section_size  }
0x9a: {  	s5 =	simm.s32 $_size__tile_overlayer_lowered;
	s6 =	simm.s32 $_tile_overlayer_lowered  }
0x9b: {  	s22 =	simm.s32 $0x1BFF;
	s21 =	sshll.u32 s6, $0x1;
	s3 =	sadd.s32 s4, s19  }
0x9c: {  	s7 =	simm.s32 $0x0;
	s20 =	sshll.u32 s5, $0x1;
	s5 =	sadd.s32 s21, s3  }
0x9d: {  	[timem:s7], [sflag:s22] =	dma.local [hbm:s5], s20  }
0x9e: {  	_ =	swait.ge [sflag:s22], s20  }
0x9f: {  	s4 =	ssub.s32 $0x0, s20;
	[sflag:s22] =	ssyncset.done $0x0  }
0xa0: {  	[sflag:s22] =	ssyncadd.s32 s4;
	_ =	sdelay $0x1  }
0xa1: {  	s23 =	simm.s32 $0x1B8B  }
0xa2: {  	_ =	swait.ge [sflag:s23], $0x1  }
0xa3: {  	[sflag:s23] =	ssyncset.done $0x0  }
0xa4: {  	s25 =	simm.s32 $0x1B8E;
	s24 =	sld [smem:$0x3FFE];
	[sflag:s23] =	ssyncadd.s32 $0xFFFFFFFF  }
0xa5: {  	s26 =	simm.s32 $execute0_lowered;
	[smem:$0x3FD2] =	sst s25  }
0xa6: {  	s5 =	sshll.u32 s26, $0x1;
	_ =	strace $0x80000046;
	[dreg:$0x1] =	wrdreg $0xFFFFFFFF  }
0xa7: {  	s28 =	simm.s32 $_size_execute0_lowered;
	s3 =	sadd.s32 s3, s5;
	[dreg:$0x0] =	wrdreg $0x0  }
0xa8: {  	s5 =	sshll.u32 s28, $0x1;
	[dreg:$0x2] =	wrdreg s3  }
0xa9: {  	[dreg:$0x3] =	wrdreg s5  }
0xaa: {  	[dreg:$0x4] =	wrdreg $0xC0  }
0xab: {  	_ =	task [dreg:s7], $0x5FFFF  }
0xac: {  	[dreg:$0x1] =	wrdreg $0xFFFFFFFF  }
0xad: {  	[dreg:$0x0] =	wrdreg $0x60  }
0xae: {  	[dreg:$0x2] =	wrdreg s2  }
0xaf: {  	[dreg:$0x3] =	wrdreg s24  }
0xb0: {  	[dreg:$0x4] =	wrdreg $0x7A800  }
0xb1: {  	[dreg:$0x5] =	wrdreg $0x9  }
0xb2: {  	_ =	task.clear_ibuf [dreg:s7], $0x6FFFF;
	_ =	strace $0x90000046  }
0xb3: {  	s29 =	simm.s32 $0x9;
	_ =	strace $0x80000048  }
0xb4: {  	_ =	swait.ge [sflag:s29], $0x1  }
0xb5: {  	[sflag:s29] =	ssyncadd.s32 $0xFFFFFFFF  }
0xb6: {  	_ =	strace $0x90000048  }
0xb7: {  	_ =	sfence  }
0xb8: {  	s30 =	sld [smem:$0x0];
	_ =	sdelay $0x2  }
0xb9: {  	s31 =	sshll.u32 s1, $0xD;
	s1 =	sshrl.u32 s1, $0x2  }
0xba: {  	s3 =	sand.u32 $0x4000, s31;
	s1 =	sadd.s32 s1, s30  }
0xbb: {  	s0 =	sor.u32 s3, s0;
	s1 =	sshll.u32 s1, $0x11  }
0xbc: {  	s0 =	sor.u32 s1, s0  }
0xbd: {  	s0 =	sadd.s32 $0x8F2B, s0  }
0xbe: {  	[sflag:s0] =	ssyncadd.remote.s32 $0x1  }
0xbf: {  	_ =	sfence.sel $0xFFFF  }
0xc0: {  	[dreg:$0x0] =	wrdreg $0xFFFFFFFF;
	(pc) =	sbr.abs _section_cstart, $3  }
0xc1: {  	[dreg:$0x1] =	wrdreg $0xFFFFFFFF  }
0xc2: {  	_ =	task.clear_ibuf [dreg:s7], $0x2FFFF;
	_ =	strace $0x9FFFFFFF  }
0xc3: {  	(tm) =	ssettm $0x7FFFFFFF  }
tec
execute0_lowered:
.L_overlay_start_1:
0x0: {  	(tag) =	ssettag $0x1  }
0x1: {  	s1 =	rddreg [dreg:$0x0]  }
0x2: {  	s0 =	rddreg [dreg:$0x1]  }
0x3: {  	s3 =	rddreg [dreg:$0x2]  }
0x4: {  	s2 =	simm.s32 $0x0;
	s26 =	stileid.u32;
	s10 =	srdreg.scid  }
0x5: {  	s28 =	simm.s32 $0x2;
	s29 =	simm.s32 $0x3;
	s30 =	simm.s32 $0x50  }
0x6: {  	s31 =	simm.s32 $0x100;
	[smem:$0x7FF] =	sst s2;
	s5 =	sadd.s32 $0x16800, s0  }
0x7: {  	s25 =	smul.u32 $0x2700, s26;
	s6 =	sadd.s32 $0x3DA00, s0;
	s7 =	sadd.s32 $0xCA00, s0  }
0x8: {  	s8 =	sadd.s32 $0x2C00, s0;
	s9 =	sadd.s32 $0x4F8800, s0;
	s20 =	sadd.s32 $0x8BE00, s0  }
0x9: {  	s10 =	sand.u32 $0x1, s10;
	s11 =	sshll.u32 s26, $0x1;
	s13 =	smul.u32 $0x4E000, s26  }
0xa: {  	s21 =	sadd.s32 $0xB3000, s0;
	s23 =	sshll.u32 s26, $0x6;
	p1 =	sne.s32 s26, $0xF  }
0xb: {  	p2 =	seq.s32 s26, $0xF;
	s26 =	simm.s32 $0x1;
	s2 =	simm.s32 $0x5100  }
0xc: {  	_ =	strace $0x80000047;
	s14 =	sor.u32 s10, s11;
	[dreg:$0x4] =	wrdreg s20  }
0xd: {  	s12 =	ssub.s32 $0x2, s10;
	p0 =	seq.s32 s10, $0x1;
	[dreg:$0x5] =	wrdreg s21  }
0xe: {  	s4 =	sadd.s32 s25, s0;
	s15 =	sshll.u32 s14, $0x4;
	s16 =	sshrl.u32 s12, $0x1  }
0xf: {  	s22 =	sshrl.u32 s13, $0x2;
	s13 =	sor.u32 $0x1C04, s23;
	s24 =	sadd.s32 s20, s25  }
0x10: {  	s25 =	sadd.s32 s21, s25;
	s17 =	sadd.s32 s15, s0;
	s18 =	ssub.s32 s12, s16  }
0x11: {  	s19 =	sadd.s32 s22, s3;
	s12 =	sadd.s32 $0x64C00, s4;
	s4 =	sadd.s32 $0x138000, s3  }
.Ltmp0:
0x12: {  	s15 =	sadd.s32 $0x8BC00, s0;
	[dreg:$0x7] =	wrdreg s24;
	(pc) =	sbr.rel .LBB2_1-.Ltmp0, $4  }
0x13: {  	s16 =	smul.u32 $0x2710, s14;
	[dreg:$0x8] =	wrdreg s25;
	s22 =	simm.s32 $0x4  }
0x14: {  	s24 =	simm.s32 $0x80;
	s25 =	simm.s32 $0x7900;
	s0 =	simm.s32 $0x2900  }
0x15: {  	s17 =	sadd.s32 $0xDA200, s17;
	s20 =	smax.u32 s18, $0x1;
	s21 =	sshrl.u32 s19, $0x3  }
0x16: {  	v0 =	vlaneseq.u32;
	v1 =	vimm.f32 $0.0e+00;
	[dreg:$0x6] =	wrdreg s4;
	s23 =	sshrl.u32 @!p1 s4, $0x3;
	s4 =	simm.s32 $0x0  }
.LBB2_10:
0x17: {  	s11 =	rddreg [dreg:$0x6]  }
0x18: {  	s10 =	sadd.s32 $0x27000, s10;
	s11 =	sshrl.u32 s11, $0x3  }
0x19: {  	[hbm:s10], [sflag:s13] =	dma.local [spmem:s11], $0x100  }
0x1a: {  	_ =	swait.ge [sflag:s22], $0x100  }
0x1b: {  	[sflag:s22] =	ssyncset.done $0x0  }
0x1c: {  	[sflag:s22] =	ssyncadd.s32 $0xFFFFFF00  }
.LBB2_11:
0x1d: {  	s4 =	sadd.s32 $0x1, s4  }
0x1e: {  	p3 =	sne.s32 s4, s20  }
.Ltmp1:
0x1f: {  	_ = 	snop;
	(pc) =	sbr.rel @!p3 .LBB2_12-.Ltmp1, $1  }
0x20: {  	_ =	sdelay $0x3  }
.LBB2_1:
0x21: {  	[spmem:s21], [sflag:s13] =	dma.local [hbm:s12], $0x2700  }
0x22: {  	_ =	swait.ge [sflag:s22], $0x2700  }
0x23: {  	[sflag:s22] =	ssyncset.done $0x0  }
0x24: {  	s10 =	simm.s32 @!p1 $0x4;
	[sflag:s22] =	ssyncadd.s32 $0xFFFFD900  }
0x25: {  	[spmem:s23], [sflag:s13] =	dma.local @!p1 [hbm:s15], $0x100  }
0x26: {  	_ =	swait.ge @!p1 [sflag:s10], $0x100  }
0x27: {  	[sflag:s10] =	ssyncset.done @!p1 $0x0  }
0x28: {  	v2 =	vimm.f32 $0.0e+00;
	[sflag:s10] =	ssyncadd.s32 @!p1 $0xFFFFFF00  }
0x29: {  	v4 =	vimm.f32 $0.0e+00;
	v5 =	vimm.f32 $0.0e+00;
	v3 =	vimm.f32 $0.0e+00;
	s18 =	simm.s32 $0x0;
	[bflag:$0x0] =	sbarrier.arrive $0xFFFF  }
.LBB2_2:
0x2a: {  	s10 =	smul.u32 $0x50, s18;
	_ =	sdelay $0x1  }
0x2b: {  	s10 =	sadd.s32 s16, s10  }
0x2c: {  	s14 =	sshrl.u32 s10, $0x3  }
0x2d: {  	s11 =	simm.s32 $0x0;
	s19 =	sadd.s32 s7, s14  }
0x2e: {  	[tilespmem:s11], [sflag:$0x1] =	stream.linear.gather [hbm4b:s19+s11], $0x50, $0x38;
	[tilespmem:$0x1B300] =	vst v63  }
0x2f: {  	s10 =	sshrl.u32 s10, $0x1;
	s14 =	sadd.s32 s8, s14  }
0x30: {  	[tilespmem:s24], [sflag:$0x2] =	stream.linear.gather [hbm4b:s14+s11], $0x50, $0x38;
	[tilespmem:$0x1B300] =	vst v63  }
0x31: {  	s10 =	sadd.s32 s9, s10  }
0x32: {  	[tilespmem:s25], [sflag:$0x3] =	stream.linear.gather [hbm4b:s10+s11], $0x140, $0x38;
	[tilespmem:$0x1B300] =	vst v63  }
0x33: {  	_ =	swait.ge [sflag:s26], $0x50  }
0x34: {  	[sflag:s26] =	ssyncset.done $0x0  }
0x35: {  	[sflag:s26] =	ssyncadd.s32 $0xFFFFFFB0  }
0x36: {  	_ =	swait.ge [sflag:s28], $0x50  }
0x37: {  	[sflag:s28] =	ssyncset.done $0x0  }
0x38: {  	[sflag:s28] =	ssyncadd.s32 $0xFFFFFFB0  }
0x39: {  	_ =	swait.ge [sflag:s29], $0x140  }
0x3a: {  	[sflag:s29] =	ssyncset.done $0x0  }
0x3b: {  	[sflag:s29] =	ssyncadd.s32 $0xFFFFFEC0  }
0x3c: {  	[tilespmem:s31], [sflag:$0x1] =	stream.indirect.gather [hbm4b:s1+s30], $0x80, s24, s30, $0xb8;
	[tilespmem:$0x1B300] =	vst v63  }
0x3d: {  	_ = 	snop  }
0x3e: {  	[tilespmem:s0], [sflag:$0x2] =	stream.indirect.gather [hbm4b:s5+s30], $0x80, s11, s30, $0xb8;
	[tilespmem:$0x1B300] =	vst v63  }
0x3f: {  	_ = 	snop  }
0x40: {  	[tilespmem:s2], [sflag:$0x3] =	stream.indirect.gather [hbm4b:s6+s30], $0x80, s11, s30, $0xb8;
	[tilespmem:$0x1B300] =	vst v63  }
0x41: {  	v7 =	vor.u32 s11, v0;
	_ =	swait.ge [sflag:s26], $0x2800  }
0x42: {  	v6 =	vshll.u32 v7, $0x7;
	[sflag:s26] =	ssyncset.done $0x0  }
0x43: {  	[sflag:s26] =	ssyncadd.s32 $0xFFFFD800  }
0x44: {  	v8 =	vor.u32 $0x1, v6;
	_ =	swait.ge [sflag:s28], $0x2800  }
0x45: {  	[sflag:s28] =	ssyncset.done $0x0  }
0x46: {  	v9 =	vor.u32 $0x2, v6;
	[sflag:s28] =	ssyncadd.s32 $0xFFFFD800  }
0x47: {  	v10 =	vld.idx.msk [tilespmem:v6+s31+$0x0], $0xffff  }
0x48: {  	v11 =	vor.u32 $0x3, v6;
	v12 =	vld.idx.msk [tilespmem:v6+s0+$0x0], $0xffff  }
0x49: {  	v13 =	vld.idx.msk [tilespmem:v8+s0+$0x0], $0xffff  }
0x4a: {  	v14 =	vor.u32 $0x4, v6;
	v8 =	vld.idx.msk [tilespmem:v8+s31+$0x0], $0xffff  }
0x4b: {  	v15 =	vld.idx.msk [tilespmem:v9+s0+$0x0], $0xffff  }
0x4c: {  	v16 =	vor.u32 $0x5, v6;
	v9 =	vld.idx.msk [tilespmem:v9+s31+$0x0], $0xffff  }
0x4d: {  	v17 =	vld.idx.msk [tilespmem:v11+s0+$0x0], $0xffff;
	v10 =	vmul.f32 v12, v10  }
0x4e: {  	v41 =	vor.u32 $0x6, v6;
	v11 =	vld.idx.msk [tilespmem:v11+s31+$0x0], $0xffff  }
0x4f: {  	v18 =	vld.idx.msk [tilespmem:v14+s0+$0x0], $0xffff;
	v8 =	vmul.f32 v13, v8;
	v10 =	vadd.f32 $0.0e+00, v10  }
0x50: {  	v42 =	vor.u32 $0x7, v6;
	v14 =	vld.idx.msk [tilespmem:v14+s31+$0x0], $0xffff  }
0x51: {  	v19 =	vld.idx.msk [tilespmem:v16+s0+$0x0], $0xffff;
	v9 =	vmul.f32 v15, v9;
	v8 =	vadd.f32 v8, v10  }
0x52: {  	v43 =	vld.idx.msk [tilespmem:v16+s31+$0x0], $0xffff;
	v10 =	vor.u32 $0x8, v6  }
0x53: {  	v44 =	vld.idx.msk [tilespmem:v41+s0+$0x0], $0xffff;
	v8 =	vadd.f32 v9, v8;
	v9 =	vmul.f32 v17, v11  }
0x54: {  	v12 =	vld.idx.msk [tilespmem:v41+s31+$0x0], $0xffff;
	v11 =	vor.u32 $0x9, v6  }
0x55: {  	v45 =	vld.idx.msk [tilespmem:v42+s0+$0x0], $0xffff;
	v8 =	vadd.f32 v9, v8;
	v9 =	vmul.f32 v18, v14  }
0x56: {  	v46 =	vor.u32 $0xA, v6;
	v13 =	vld.idx.msk [tilespmem:v42+s31+$0x0], $0xffff  }
0x57: {  	v47 =	vld.idx.msk [tilespmem:v10+s0+$0x0], $0xffff;
	v8 =	vadd.f32 v9, v8;
	v9 =	vmul.f32 v19, v43  }
0x58: {  	v48 =	vor.u32 $0xB, v6;
	v10 =	vld.idx.msk [tilespmem:v10+s31+$0x0], $0xffff  }
0x59: {  	v49 =	vld.idx.msk [tilespmem:v11+s0+$0x0], $0xffff;
	v8 =	vadd.f32 v9, v8;
	v9 =	vmul.f32 v44, v12  }
0x5a: {  	v50 =	vor.u32 $0xC, v6;
	v11 =	vld.idx.msk [tilespmem:v11+s31+$0x0], $0xffff  }
0x5b: {  	v51 =	vld.idx.msk [tilespmem:v46+s0+$0x0], $0xffff;
	v8 =	vadd.f32 v9, v8;
	v9 =	vmul.f32 v45, v13  }
0x5c: {  	v52 =	vor.u32 $0xD, v6;
	v14 =	vld.idx.msk [tilespmem:v46+s31+$0x0], $0xffff  }
0x5d: {  	v53 =	vld.idx.msk [tilespmem:v48+s0+$0x0], $0xffff;
	v8 =	vadd.f32 v9, v8;
	v9 =	vmul.f32 v47, v10  }
0x5e: {  	v15 =	vld.idx.msk [tilespmem:v48+s31+$0x0], $0xffff;
	v10 =	vor.u32 $0xE, v6  }
0x5f: {  	v54 =	vld.idx.msk [tilespmem:v50+s0+$0x0], $0xffff;
	v8 =	vadd.f32 v9, v8;
	v9 =	vmul.f32 v49, v11  }
0x60: {  	v12 =	vld.idx.msk [tilespmem:v50+s31+$0x0], $0xffff;
	v11 =	vor.u32 $0xF, v6  }
0x61: {  	v55 =	vld.idx.msk [tilespmem:v52+s0+$0x0], $0xffff;
	v8 =	vadd.f32 v9, v8;
	v9 =	vmul.f32 v51, v14  }
0x62: {  	v56 =	vor.u32 $0x10, v6;
	v13 =	vld.idx.msk [tilespmem:v52+s31+$0x0], $0xffff  }
0x63: {  	v57 =	vld.idx.msk [tilespmem:v10+s0+$0x0], $0xffff;
	v8 =	vadd.f32 v9, v8;
	v9 =	vmul.f32 v53, v15  }
0x64: {  	v58 =	vor.u32 $0x11, v6;
	v10 =	vld.idx.msk [tilespmem:v10+s31+$0x0], $0xffff  }
0x65: {  	v59 =	vld.idx.msk [tilespmem:v11+s0+$0x0], $0xffff;
	v8 =	vadd.f32 v9, v8;
	v9 =	vmul.f32 v54, v12  }
0x66: {  	v60 =	vor.u32 $0x12, v6;
	v11 =	vld.idx.msk [tilespmem:v11+s31+$0x0], $0xffff  }
0x67: {  	v61 =	vld.idx.msk [tilespmem:v56+s0+$0x0], $0xffff;
	v8 =	vadd.f32 v9, v8;
	v9 =	vmul.f32 v55, v13  }
0x68: {  	v62 =	vor.u32 $0x13, v6;
	v14 =	vld.idx.msk [tilespmem:v56+s31+$0x0], $0xffff  }
0x69: {  	v63 =	vld.idx.msk [tilespmem:v58+s0+$0x0], $0xffff;
	v8 =	vadd.f32 v9, v8;
	v9 =	vmul.f32 v57, v10  }
0x6a: {  	v15 =	vld.idx.msk [tilespmem:v58+s31+$0x0], $0xffff;
	v10 =	vor.u32 $0x14, v6  }
0x6b: {  	v21 =	vld.idx.msk [tilespmem:v60+s0+$0x0], $0xffff;
	v8 =	vadd.f32 v9, v8;
	v9 =	vmul.f32 v59, v11  }
0x6c: {  	v12 =	vld.idx.msk [tilespmem:v60+s31+$0x0], $0xffff;
	v11 =	vor.u32 $0x15, v6  }
0x6d: {  	v22 =	vld.idx.msk [tilespmem:v62+s0+$0x0], $0xffff;
	v8 =	vadd.f32 v9, v8;
	v9 =	vmul.f32 v61, v14  }
0x6e: {  	v23 =	vor.u32 $0x16, v6;
	v13 =	vld.idx.msk [tilespmem:v62+s31+$0x0], $0xffff  }
0x6f: {  	v24 =	vld.idx.msk [tilespmem:v10+s0+$0x0], $0xffff;
	v8 =	vadd.f32 v9, v8;
	v9 =	vmul.f32 v63, v15  }
0x70: {  	v25 =	vor.u32 $0x17, v6;
	v10 =	vld.idx.msk [tilespmem:v10+s31+$0x0], $0xffff  }
0x71: {  	v26 =	vld.idx.msk [tilespmem:v11+s0+$0x0], $0xffff;
	v8 =	vadd.f32 v9, v8;
	v9 =	vmul.f32 v21, v12  }
0x72: {  	v27 =	vor.u32 $0x18, v6;
	v11 =	vld.idx.msk [tilespmem:v11+s31+$0x0], $0xffff  }
0x73: {  	v28 =	vld.idx.msk [tilespmem:v23+s0+$0x0], $0xffff;
	v8 =	vadd.f32 v9, v8;
	v9 =	vmul.f32 v22, v13  }
0x74: {  	v29 =	vor.u32 $0x19, v6;
	v14 =	vld.idx.msk [tilespmem:v23+s31+$0x0], $0xffff  }
0x75: {  	v30 =	vld.idx.msk [tilespmem:v25+s0+$0x0], $0xffff;
	v8 =	vadd.f32 v9, v8;
	v9 =	vmul.f32 v24, v10  }
0x76: {  	v15 =	vld.idx.msk [tilespmem:v25+s31+$0x0], $0xffff;
	v10 =	vor.u32 $0x1A, v6  }
0x77: {  	v31 =	vld.idx.msk [tilespmem:v27+s0+$0x0], $0xffff;
	v8 =	vadd.f32 v9, v8;
	v9 =	vmul.f32 v26, v11  }
0x78: {  	v12 =	vld.idx.msk [tilespmem:v27+s31+$0x0], $0xffff;
	v11 =	vor.u32 $0x1B, v6  }
0x79: {  	v32 =	vld.idx.msk [tilespmem:v29+s0+$0x0], $0xffff;
	v8 =	vadd.f32 v9, v8;
	v9 =	vmul.f32 v28, v14  }
0x7a: {  	v33 =	vor.u32 $0x1C, v6;
	v13 =	vld.idx.msk [tilespmem:v29+s31+$0x0], $0xffff  }
0x7b: {  	v34 =	vld.idx.msk [tilespmem:v10+s0+$0x0], $0xffff;
	v8 =	vadd.f32 v9, v8;
	v9 =	vmul.f32 v30, v15  }
0x7c: {  	v35 =	vor.u32 $0x1D, v6;
	v10 =	vld.idx.msk [tilespmem:v10+s31+$0x0], $0xffff  }
0x7d: {  	v36 =	vld.idx.msk [tilespmem:v11+s0+$0x0], $0xffff;
	v8 =	vadd.f32 v9, v8;
	v9 =	vmul.f32 v31, v12  }
0x7e: {  	v37 =	vor.u32 $0x1E, v6;
	v11 =	vld.idx.msk [tilespmem:v11+s31+$0x0], $0xffff  }
0x7f: {  	v38 =	vld.idx.msk [tilespmem:v33+s0+$0x0], $0xffff;
	v8 =	vadd.f32 v9, v8;
	v9 =	vmul.f32 v32, v13  }
0x80: {  	v39 =	vor.u32 $0x1F, v6;
	v14 =	vld.idx.msk [tilespmem:v33+s31+$0x0], $0xffff  }
0x81: {  	v40 =	vld.idx.msk [tilespmem:v35+s0+$0x0], $0xffff;
	v8 =	vadd.f32 v9, v8;
	v9 =	vmul.f32 v34, v10  }
0x82: {  	v10 =	vld.idx.msk [tilespmem:v35+s31+$0x0], $0xffff  }
0x83: {  	v41 =	vld.idx.msk [tilespmem:v37+s0+$0x0], $0xffff;
	v8 =	vadd.f32 v9, v8;
	v9 =	vmul.f32 v36, v11  }
0x84: {  	v11 =	vld.idx.msk [tilespmem:v37+s31+$0x0], $0xffff  }
0x85: {  	v42 =	vld.idx.msk [tilespmem:v39+s0+$0x0], $0xffff;
	v8 =	vadd.f32 v9, v8;
	v9 =	vmul.f32 v38, v14  }
0x86: {  	v13 =	vld.idx.msk [tilespmem:v39+s31+$0x0], $0xffff  }
0x87: {  	v7 =	vshll.u32 v7, $0x2;
	v8 =	vadd.f32 v9, v8;
	v9 =	vmul.f32 v40, v10;
	_ =	sdelay $0x1  }
0x88: {  	v8 =	vadd.f32 v9, v8;
	v9 =	vmul.f32 v41, v11;
	_ =	sdelay $0x1  }
0x89: {  	v8 =	vadd.f32 v9, v8;
	v9 =	vmul.f32 v42, v13  }
0x8a: {  	v10 =	vld.idx.msk [tilespmem:v7+s25+$0x0], $0xffff  }
0x8b: {  	v8 =	vadd.f32 v9, v8;
	_ =	sdelay $0x1  }
0x8c: {  	v8 =	vmul.f32 $1.767766920e-01, v8;
	_ =	sdelay $0x1  }
0x8d: {  	v8 =	vmul.f32 v8, v10;
	_ =	sdelay $0x1  }
0x8e: {  	v8 =	vmul.f32 $1.442695020e+00, v8;
	_ =	sdelay $0x1  }
0x8f: {  	(erf) = vpow2.f32 v8;
	_ =	sdelay $0x5  }
0x90: {  	v9 =	vor.u32 $0x20, v6;
	_ =	sdelay $0x1  }
0x91: {  	v10 =	vor.u32 $0x21, v6  }
0x92: {  	v8 =	vpop (erf)  }
0x93: {  	v11 =	vor.u32 $0x22, v6;
	[tilespmem:v7+s25+$0x0] =	vst.idx.msk $0xffff, v8  }
0x94: {  	v43 =	vld.idx.msk [tilespmem:v9+s31+$0x0], $0xffff  }
0x95: {  	v44 =	vor.u32 $0x23, v6;
	v9 =	vld.idx.msk [tilespmem:v9+s0+$0x0], $0xffff  }
0x96: {  	v45 =	vld.idx.msk [tilespmem:v10+s0+$0x0], $0xffff  }
0x97: {  	v46 =	vor.u32 $0x24, v6;
	v10 =	vld.idx.msk [tilespmem:v10+s31+$0x0], $0xffff  }
0x98: {  	v47 =	vld.idx.msk [tilespmem:v11+s0+$0x0], $0xffff  }
0x99: {  	v48 =	vor.u32 $0x25, v6;
	v11 =	vld.idx.msk [tilespmem:v11+s31+$0x0], $0xffff  }
0x9a: {  	v49 =	vld.idx.msk [tilespmem:v44+s0+$0x0], $0xffff;
	v9 =	vmul.f32 v9, v43  }
0x9b: {  	v51 =	vor.u32 $0x26, v6;
	v50 =	vld.idx.msk [tilespmem:v44+s31+$0x0], $0xffff  }
0x9c: {  	v52 =	vld.idx.msk [tilespmem:v46+s0+$0x0], $0xffff;
	v10 =	vmul.f32 v45, v10;
	v9 =	vadd.f32 $0.0e+00, v9  }
0x9d: {  	v54 =	vor.u32 $0x27, v6;
	v53 =	vld.idx.msk [tilespmem:v46+s31+$0x0], $0xffff  }
0x9e: {  	v20 =	vld.idx.msk [tilespmem:v48+s0+$0x0], $0xffff;
	v9 =	vadd.f32 v10, v9;
	v10 =	vmul.f32 v47, v11  }
0x9f: {  	v55 =	vor.u32 $0x28, v6;
	v11 =	vld.idx.msk [tilespmem:v48+s31+$0x0], $0xffff  }
0xa0: {  	v56 =	vld.idx.msk [tilespmem:v51+s0+$0x0], $0xffff;
	v9 =	vadd.f32 v10, v9;
	v10 =	vmul.f32 v49, v50  }
0xa1: {  	v58 =	vor.u32 $0x29, v6;
	v57 =	vld.idx.msk [tilespmem:v51+s31+$0x0], $0xffff  }
0xa2: {  	v59 =	vld.idx.msk [tilespmem:v54+s0+$0x0], $0xffff;
	v9 =	vadd.f32 v10, v9;
	v10 =	vmul.f32 v52, v53  }
0xa3: {  	v61 =	vor.u32 $0x2A, v6;
	v60 =	vld.idx.msk [tilespmem:v54+s31+$0x0], $0xffff  }
0xa4: {  	v62 =	vld.idx.msk [tilespmem:v55+s0+$0x0], $0xffff;
	v9 =	vadd.f32 v10, v9;
	v10 =	vmul.f32 v20, v11  }
0xa5: {  	v63 =	vor.u32 $0x2B, v6;
	v11 =	vld.idx.msk [tilespmem:v55+s31+$0x0], $0xffff  }
0xa6: {  	v24 =	vld.idx.msk [tilespmem:v58+s0+$0x0], $0xffff;
	v9 =	vadd.f32 v10, v9;
	v10 =	vmul.f32 v56, v57  }
0xa7: {  	v26 =	vor.u32 $0x2C, v6;
	v25 =	vld.idx.msk [tilespmem:v58+s31+$0x0], $0xffff  }
0xa8: {  	v27 =	vld.idx.msk [tilespmem:v61+s0+$0x0], $0xffff;
	v9 =	vadd.f32 v10, v9;
	v10 =	vmul.f32 v59, v60  }
0xa9: {  	v29 =	vor.u32 $0x2D, v6;
	v28 =	vld.idx.msk [tilespmem:v61+s31+$0x0], $0xffff  }
0xaa: {  	v30 =	vld.idx.msk [tilespmem:v63+s0+$0x0], $0xffff;
	v9 =	vadd.f32 v10, v9;
	v10 =	vmul.f32 v62, v11  }
0xab: {  	v31 =	vor.u32 $0x2E, v6;
	v11 =	vld.idx.msk [tilespmem:v63+s31+$0x0], $0xffff  }
0xac: {  	v32 =	vld.idx.msk [tilespmem:v26+s0+$0x0], $0xffff;
	v9 =	vadd.f32 v10, v9;
	v10 =	vmul.f32 v24, v25  }
0xad: {  	v34 =	vor.u32 $0x2F, v6;
	v33 =	vld.idx.msk [tilespmem:v26+s31+$0x0], $0xffff  }
0xae: {  	v35 =	vld.idx.msk [tilespmem:v29+s0+$0x0], $0xffff;
	v9 =	vadd.f32 v10, v9;
	v10 =	vmul.f32 v27, v28  }
0xaf: {  	v37 =	vor.u32 $0x30, v6;
	v36 =	vld.idx.msk [tilespmem:v29+s31+$0x0], $0xffff  }
0xb0: {  	v38 =	vld.idx.msk [tilespmem:v31+s0+$0x0], $0xffff;
	v9 =	vadd.f32 v10, v9;
	v10 =	vmul.f32 v30, v11  }
0xb1: {  	v39 =	vor.u32 $0x31, v6;
	v11 =	vld.idx.msk [tilespmem:v31+s31+$0x0], $0xffff  }
0xb2: {  	v40 =	vld.idx.msk [tilespmem:v34+s0+$0x0], $0xffff;
	v9 =	vadd.f32 v10, v9;
	v10 =	vmul.f32 v32, v33  }
0xb3: {  	v42 =	vor.u32 $0x32, v6;
	v41 =	vld.idx.msk [tilespmem:v34+s31+$0x0], $0xffff  }
0xb4: {  	v44 =	vld.idx.msk [tilespmem:v37+s31+$0x0], $0xffff;
	v9 =	vadd.f32 v10, v9;
	v10 =	vmul.f32 v35, v36  }
0xb5: {  	v43 =	vld.idx.msk [tilespmem:v37+s0+$0x0], $0xffff;
	v45 =	vor.u32 $0x33, v6  }
0xb6: {  	v46 =	vld.idx.msk [tilespmem:v39+s0+$0x0], $0xffff;
	v9 =	vadd.f32 v10, v9;
	v10 =	vmul.f32 v38, v11  }
0xb7: {  	v47 =	vor.u32 $0x34, v6;
	v11 =	vld.idx.msk [tilespmem:v39+s31+$0x0], $0xffff  }
0xb8: {  	v48 =	vld.idx.msk [tilespmem:v42+s0+$0x0], $0xffff;
	v9 =	vadd.f32 v10, v9;
	v10 =	vmul.f32 v40, v41  }
0xb9: {  	v49 =	vld.idx.msk [tilespmem:v42+s31+$0x0], $0xffff;
	v50 =	vor.u32 $0x35, v6  }
0xba: {  	v51 =	vld.idx.msk [tilespmem:v45+s0+$0x0], $0xffff;
	v9 =	vadd.f32 v10, v9;
	v10 =	vmul.f32 v43, v44  }
0xbb: {  	v52 =	vld.idx.msk [tilespmem:v45+s31+$0x0], $0xffff;
	v53 =	vor.u32 $0x36, v6  }
0xbc: {  	v54 =	vld.idx.msk [tilespmem:v47+s0+$0x0], $0xffff;
	v9 =	vadd.f32 v10, v9;
	v10 =	vmul.f32 v46, v11  }
0xbd: {  	v55 =	vor.u32 $0x37, v6;
	v11 =	vld.idx.msk [tilespmem:v47+s31+$0x0], $0xffff  }
0xbe: {  	v56 =	vld.idx.msk [tilespmem:v50+s0+$0x0], $0xffff;
	v9 =	vadd.f32 v10, v9;
	v10 =	vmul.f32 v48, v49  }
0xbf: {  	v58 =	vor.u32 $0x38, v6;
	v57 =	vld.idx.msk [tilespmem:v50+s31+$0x0], $0xffff  }
0xc0: {  	v59 =	vld.idx.msk [tilespmem:v53+s0+$0x0], $0xffff;
	v9 =	vadd.f32 v10, v9;
	v10 =	vmul.f32 v51, v52  }
0xc1: {  	v61 =	vor.u32 $0x39, v6;
	v60 =	vld.idx.msk [tilespmem:v53+s31+$0x0], $0xffff  }
0xc2: {  	v62 =	vld.idx.msk [tilespmem:v55+s0+$0x0], $0xffff;
	v9 =	vadd.f32 v10, v9;
	v10 =	vmul.f32 v54, v11  }
0xc3: {  	v63 =	vor.u32 $0x3A, v6;
	v11 =	vld.idx.msk [tilespmem:v55+s31+$0x0], $0xffff  }
0xc4: {  	v24 =	vld.idx.msk [tilespmem:v58+s0+$0x0], $0xffff;
	v9 =	vadd.f32 v10, v9;
	v10 =	vmul.f32 v56, v57  }
0xc5: {  	v26 =	vor.u32 $0x3B, v6;
	v25 =	vld.idx.msk [tilespmem:v58+s31+$0x0], $0xffff  }
0xc6: {  	v27 =	vld.idx.msk [tilespmem:v61+s0+$0x0], $0xffff;
	v9 =	vadd.f32 v10, v9;
	v10 =	vmul.f32 v59, v60  }
0xc7: {  	v29 =	vor.u32 $0x3C, v6;
	v28 =	vld.idx.msk [tilespmem:v61+s31+$0x0], $0xffff  }
0xc8: {  	v30 =	vld.idx.msk [tilespmem:v63+s0+$0x0], $0xffff;
	v9 =	vadd.f32 v10, v9;
	v10 =	vmul.f32 v62, v11  }
0xc9: {  	v31 =	vor.u32 $0x3D, v6;
	v11 =	vld.idx.msk [tilespmem:v63+s31+$0x0], $0xffff  }
0xca: {  	v32 =	vld.idx.msk [tilespmem:v26+s0+$0x0], $0xffff;
	v9 =	vadd.f32 v10, v9;
	v10 =	vmul.f32 v24, v25  }
0xcb: {  	v34 =	vor.u32 $0x3E, v6;
	v33 =	vld.idx.msk [tilespmem:v26+s31+$0x0], $0xffff  }
0xcc: {  	v35 =	vld.idx.msk [tilespmem:v29+s0+$0x0], $0xffff;
	v9 =	vadd.f32 v10, v9;
	v10 =	vmul.f32 v27, v28  }
0xcd: {  	v37 =	vor.u32 $0x3F, v6;
	v36 =	vld.idx.msk [tilespmem:v29+s31+$0x0], $0xffff  }
0xce: {  	v38 =	vld.idx.msk [tilespmem:v31+s0+$0x0], $0xffff;
	v9 =	vadd.f32 v10, v9;
	v10 =	vmul.f32 v30, v11  }
0xcf: {  	v11 =	vld.idx.msk [tilespmem:v31+s31+$0x0], $0xffff  }
0xd0: {  	v39 =	vld.idx.msk [tilespmem:v34+s0+$0x0], $0xffff;
	v9 =	vadd.f32 v10, v9;
	v10 =	vmul.f32 v32, v33  }
0xd1: {  	v40 =	vld.idx.msk [tilespmem:v34+s31+$0x0], $0xffff  }
0xd2: {  	v42 =	vld.idx.msk [tilespmem:v37+s31+$0x0], $0xffff;
	v9 =	vadd.f32 v10, v9;
	v10 =	vmul.f32 v35, v36  }
0xd3: {  	v41 =	vld.idx.msk [tilespmem:v37+s0+$0x0], $0xffff  }
0xd4: {  	v43 =	vor.u32 $0x1, v7;
	v9 =	vadd.f32 v10, v9;
	v10 =	vmul.f32 v38, v11;
	_ =	sdelay $0x1  }
0xd5: {  	v9 =	vadd.f32 v10, v9;
	v10 =	vmul.f32 v39, v40;
	_ =	sdelay $0x1  }
0xd6: {  	v9 =	vadd.f32 v10, v9;
	v10 =	vmul.f32 v41, v42  }
0xd7: {  	v11 =	vld.idx.msk [tilespmem:v43+s25+$0x0], $0xffff  }
0xd8: {  	v9 =	vadd.f32 v10, v9;
	_ =	sdelay $0x1  }
0xd9: {  	v9 =	vmul.f32 $1.767766920e-01, v9;
	_ =	sdelay $0x1  }
0xda: {  	v9 =	vmul.f32 v9, v11;
	_ =	sdelay $0x1  }
0xdb: {  	v9 =	vmul.f32 $1.442695020e+00, v9;
	_ =	sdelay $0x1  }
0xdc: {  	(erf) = vpow2.f32 v9;
	_ =	sdelay $0x5  }
0xdd: {  	v10 =	vor.u32 $0x40, v6;
	_ =	sdelay $0x1  }
0xde: {  	v11 =	vor.u32 $0x41, v6  }
0xdf: {  	v9 =	vpop (erf)  }
0xe0: {  	v44 =	vor.u32 $0x42, v6;
	[tilespmem:v43+s25+$0x0] =	vst.idx.msk $0xffff, v9  }
0xe1: {  	v45 =	vld.idx.msk [tilespmem:v10+s31+$0x0], $0xffff  }
0xe2: {  	v46 =	vor.u32 $0x43, v6;
	v10 =	vld.idx.msk [tilespmem:v10+s0+$0x0], $0xffff  }
0xe3: {  	v15 =	vld.idx.msk [tilespmem:v11+s0+$0x0], $0xffff  }
0xe4: {  	v47 =	vor.u32 $0x44, v6;
	v11 =	vld.idx.msk [tilespmem:v11+s31+$0x0], $0xffff  }
0xe5: {  	v48 =	vld.idx.msk [tilespmem:v44+s0+$0x0], $0xffff  }
0xe6: {  	v49 =	vor.u32 $0x45, v6;
	v12 =	vld.idx.msk [tilespmem:v44+s31+$0x0], $0xffff  }
0xe7: {  	v50 =	vld.idx.msk [tilespmem:v46+s0+$0x0], $0xffff;
	v10 =	vmul.f32 v10, v45  }
0xe8: {  	v52 =	vor.u32 $0x46, v6;
	v51 =	vld.idx.msk [tilespmem:v46+s31+$0x0], $0xffff  }
0xe9: {  	v53 =	vld.idx.msk [tilespmem:v47+s0+$0x0], $0xffff;
	v11 =	vmul.f32 v15, v11;
	v10 =	vadd.f32 $0.0e+00, v10  }
0xea: {  	v55 =	vor.u32 $0x47, v6;
	v54 =	vld.idx.msk [tilespmem:v47+s31+$0x0], $0xffff  }
0xeb: {  	v21 =	vld.idx.msk [tilespmem:v49+s0+$0x0], $0xffff;
	v10 =	vadd.f32 v11, v10;
	v11 =	vmul.f32 v48, v12  }
0xec: {  	v57 =	vor.u32 $0x48, v6;
	v56 =	vld.idx.msk [tilespmem:v49+s31+$0x0], $0xffff  }
0xed: {  	v58 =	vld.idx.msk [tilespmem:v52+s0+$0x0], $0xffff;
	v10 =	vadd.f32 v11, v10;
	v11 =	vmul.f32 v50, v51  }
0xee: {  	v60 =	vor.u32 $0x49, v6;
	v59 =	vld.idx.msk [tilespmem:v52+s31+$0x0], $0xffff  }
0xef: {  	v61 =	vld.idx.msk [tilespmem:v55+s0+$0x0], $0xffff;
	v10 =	vadd.f32 v11, v10;
	v11 =	vmul.f32 v53, v54  }
0xf0: {  	v63 =	vor.u32 $0x4A, v6;
	v62 =	vld.idx.msk [tilespmem:v55+s31+$0x0], $0xffff  }
0xf1: {  	v24 =	vld.idx.msk [tilespmem:v57+s0+$0x0], $0xffff;
	v10 =	vadd.f32 v11, v10;
	v11 =	vmul.f32 v21, v56  }
0xf2: {  	v26 =	vor.u32 $0x4B, v6;
	v25 =	vld.idx.msk [tilespmem:v57+s31+$0x0], $0xffff  }
0xf3: {  	v27 =	vld.idx.msk [tilespmem:v60+s0+$0x0], $0xffff;
	v10 =	vadd.f32 v11, v10;
	v11 =	vmul.f32 v58, v59  }
0xf4: {  	v29 =	vor.u32 $0x4C, v6;
	v28 =	vld.idx.msk [tilespmem:v60+s31+$0x0], $0xffff  }
0xf5: {  	v30 =	vld.idx.msk [tilespmem:v63+s0+$0x0], $0xffff;
	v10 =	vadd.f32 v11, v10;
	v11 =	vmul.f32 v61, v62  }
0xf6: {  	v32 =	vor.u32 $0x4D, v6;
	v31 =	vld.idx.msk [tilespmem:v63+s31+$0x0], $0xffff  }
0xf7: {  	v33 =	vld.idx.msk [tilespmem:v26+s0+$0x0], $0xffff;
	v10 =	vadd.f32 v11, v10;
	v11 =	vmul.f32 v24, v25  }
0xf8: {  	v35 =	vor.u32 $0x4E, v6;
	v34 =	vld.idx.msk [tilespmem:v26+s31+$0x0], $0xffff  }
0xf9: {  	v36 =	vld.idx.msk [tilespmem:v29+s0+$0x0], $0xffff;
	v10 =	vadd.f32 v11, v10;
	v11 =	vmul.f32 v27, v28  }
0xfa: {  	v38 =	vor.u32 $0x4F, v6;
	v37 =	vld.idx.msk [tilespmem:v29+s31+$0x0], $0xffff  }
0xfb: {  	v39 =	vld.idx.msk [tilespmem:v32+s0+$0x0], $0xffff;
	v10 =	vadd.f32 v11, v10;
	v11 =	vmul.f32 v30, v31  }
0xfc: {  	v41 =	vor.u32 $0x50, v6;
	v40 =	vld.idx.msk [tilespmem:v32+s31+$0x0], $0xffff  }
0xfd: {  	v42 =	vld.idx.msk [tilespmem:v35+s0+$0x0], $0xffff;
	v10 =	vadd.f32 v11, v10;
	v11 =	vmul.f32 v33, v34  }
0xfe: {  	v43 =	vld.idx.msk [tilespmem:v35+s31+$0x0], $0xffff;
	v44 =	vor.u32 $0x51, v6  }
0xff: {  	v46 =	vld.idx.msk [tilespmem:v38+s31+$0x0], $0xffff;
	v10 =	vadd.f32 v11, v10;
	v11 =	vmul.f32 v36, v37  }
0x100: {  	v47 =	vor.u32 $0x52, v6;
	v45 =	vld.idx.msk [tilespmem:v38+s0+$0x0], $0xffff  }
0x101: {  	v49 =	vld.idx.msk [tilespmem:v41+s31+$0x0], $0xffff;
	v10 =	vadd.f32 v11, v10;
	v11 =	vmul.f32 v39, v40  }
0x102: {  	v48 =	vld.idx.msk [tilespmem:v41+s0+$0x0], $0xffff;
	v50 =	vor.u32 $0x53, v6  }
0x103: {  	v52 =	vld.idx.msk [tilespmem:v44+s31+$0x0], $0xffff;
	v10 =	vadd.f32 v11, v10;
	v11 =	vmul.f32 v42, v43  }
0x104: {  	v51 =	vld.idx.msk [tilespmem:v44+s0+$0x0], $0xffff;
	v53 =	vor.u32 $0x54, v6  }
0x105: {  	v55 =	vld.idx.msk [tilespmem:v47+s31+$0x0], $0xffff;
	v10 =	vadd.f32 v11, v10;
	v11 =	vmul.f32 v45, v46  }
0x106: {  	v54 =	vld.idx.msk [tilespmem:v47+s0+$0x0], $0xffff;
	v56 =	vor.u32 $0x55, v6  }
0x107: {  	v57 =	vld.idx.msk [tilespmem:v50+s0+$0x0], $0xffff;
	v10 =	vadd.f32 v11, v10;
	v11 =	vmul.f32 v48, v49  }
0x108: {  	v58 =	vld.idx.msk [tilespmem:v50+s31+$0x0], $0xffff;
	v59 =	vor.u32 $0x56, v6  }
0x109: {  	v60 =	vld.idx.msk [tilespmem:v53+s0+$0x0], $0xffff;
	v10 =	vadd.f32 v11, v10;
	v11 =	vmul.f32 v51, v52  }
0x10a: {  	v61 =	vld.idx.msk [tilespmem:v53+s31+$0x0], $0xffff;
	v62 =	vor.u32 $0x57, v6  }
0x10b: {  	v63 =	vld.idx.msk [tilespmem:v56+s0+$0x0], $0xffff;
	v10 =	vadd.f32 v11, v10;
	v11 =	vmul.f32 v54, v55  }
0x10c: {  	v24 =	vld.idx.msk [tilespmem:v56+s31+$0x0], $0xffff;
	v25 =	vor.u32 $0x58, v6  }
0x10d: {  	v26 =	vld.idx.msk [tilespmem:v59+s0+$0x0], $0xffff;
	v10 =	vadd.f32 v11, v10;
	v11 =	vmul.f32 v57, v58  }
0x10e: {  	v27 =	vld.idx.msk [tilespmem:v59+s31+$0x0], $0xffff;
	v28 =	vor.u32 $0x59, v6  }
0x10f: {  	v29 =	vld.idx.msk [tilespmem:v62+s0+$0x0], $0xffff;
	v10 =	vadd.f32 v11, v10;
	v11 =	vmul.f32 v60, v61  }
0x110: {  	v30 =	vld.idx.msk [tilespmem:v62+s31+$0x0], $0xffff;
	v31 =	vor.u32 $0x5A, v6  }
0x111: {  	v32 =	vld.idx.msk [tilespmem:v25+s0+$0x0], $0xffff;
	v10 =	vadd.f32 v11, v10;
	v11 =	vmul.f32 v63, v24  }
0x112: {  	v33 =	vld.idx.msk [tilespmem:v25+s31+$0x0], $0xffff;
	v34 =	vor.u32 $0x5B, v6  }
0x113: {  	v35 =	vld.idx.msk [tilespmem:v28+s0+$0x0], $0xffff;
	v10 =	vadd.f32 v11, v10;
	v11 =	vmul.f32 v26, v27  }
0x114: {  	v36 =	vld.idx.msk [tilespmem:v28+s31+$0x0], $0xffff;
	v37 =	vor.u32 $0x5C, v6  }
0x115: {  	v38 =	vld.idx.msk [tilespmem:v31+s0+$0x0], $0xffff;
	v10 =	vadd.f32 v11, v10;
	v11 =	vmul.f32 v29, v30  }
0x116: {  	v39 =	vld.idx.msk [tilespmem:v31+s31+$0x0], $0xffff;
	v40 =	vor.u32 $0x5D, v6  }
0x117: {  	v41 =	vld.idx.msk [tilespmem:v34+s0+$0x0], $0xffff;
	v10 =	vadd.f32 v11, v10;
	v11 =	vmul.f32 v32, v33  }
0x118: {  	v42 =	vld.idx.msk [tilespmem:v34+s31+$0x0], $0xffff;
	v43 =	vor.u32 $0x5E, v6  }
0x119: {  	v44 =	vld.idx.msk [tilespmem:v37+s0+$0x0], $0xffff;
	v10 =	vadd.f32 v11, v10;
	v11 =	vmul.f32 v35, v36  }
0x11a: {  	v45 =	vld.idx.msk [tilespmem:v37+s31+$0x0], $0xffff;
	v46 =	vor.u32 $0x5F, v6  }
0x11b: {  	v47 =	vld.idx.msk [tilespmem:v40+s0+$0x0], $0xffff;
	v10 =	vadd.f32 v11, v10;
	v11 =	vmul.f32 v38, v39  }
0x11c: {  	v48 =	vld.idx.msk [tilespmem:v40+s31+$0x0], $0xffff  }
0x11d: {  	v49 =	vld.idx.msk [tilespmem:v43+s0+$0x0], $0xffff;
	v10 =	vadd.f32 v11, v10;
	v11 =	vmul.f32 v41, v42  }
0x11e: {  	v50 =	vld.idx.msk [tilespmem:v43+s31+$0x0], $0xffff  }
0x11f: {  	v51 =	vld.idx.msk [tilespmem:v46+s0+$0x0], $0xffff;
	v10 =	vadd.f32 v11, v10;
	v11 =	vmul.f32 v44, v45  }
0x120: {  	v52 =	vld.idx.msk [tilespmem:v46+s31+$0x0], $0xffff  }
0x121: {  	v53 =	vor.u32 $0x2, v7;
	v10 =	vadd.f32 v11, v10;
	v11 =	vmul.f32 v47, v48;
	_ =	sdelay $0x1  }
0x122: {  	v10 =	vadd.f32 v11, v10;
	v11 =	vmul.f32 v49, v50;
	_ =	sdelay $0x1  }
0x123: {  	v10 =	vadd.f32 v11, v10;
	v11 =	vmul.f32 v51, v52  }
0x124: {  	v54 =	vld.idx.msk [tilespmem:v53+s25+$0x0], $0xffff  }
0x125: {  	v10 =	vadd.f32 v11, v10;
	_ =	sdelay $0x1  }
0x126: {  	v10 =	vmul.f32 $1.767766920e-01, v10;
	_ =	sdelay $0x1  }
0x127: {  	v10 =	vmul.f32 v10, v54;
	_ =	sdelay $0x1  }
0x128: {  	v10 =	vmul.f32 $1.442695020e+00, v10;
	_ =	sdelay $0x1  }
0x129: {  	(erf) = vpow2.f32 v10;
	_ =	sdelay $0x5  }
0x12a: {  	v11 =	vor.u32 $0x60, v6;
	_ =	sdelay $0x1  }
0x12b: {  	v55 =	vor.u32 $0x61, v6  }
0x12c: {  	v10 =	vpop (erf)  }
0x12d: {  	v56 =	vor.u32 $0x62, v6;
	[tilespmem:v53+s25+$0x0] =	vst.idx.msk $0xffff, v10  }
0x12e: {  	v57 =	vld.idx.msk [tilespmem:v11+s31+$0x0], $0xffff  }
0x12f: {  	v58 =	vor.u32 $0x63, v6;
	v11 =	vld.idx.msk [tilespmem:v11+s0+$0x0], $0xffff  }
0x130: {  	v16 =	vld.idx.msk [tilespmem:v55+s0+$0x0], $0xffff  }
0x131: {  	v59 =	vor.u32 $0x64, v6;
	v12 =	vld.idx.msk [tilespmem:v55+s31+$0x0], $0xffff  }
0x132: {  	v60 =	vld.idx.msk [tilespmem:v56+s31+$0x0], $0xffff  }
0x133: {  	v61 =	vor.u32 $0x65, v6;
	v13 =	vld.idx.msk [tilespmem:v56+s0+$0x0], $0xffff  }
0x134: {  	v62 =	vld.idx.msk [tilespmem:v58+s31+$0x0], $0xffff;
	v11 =	vmul.f32 v11, v57  }
0x135: {  	v24 =	vor.u32 $0x66, v6;
	v63 =	vld.idx.msk [tilespmem:v58+s0+$0x0], $0xffff  }
0x136: {  	v25 =	vld.idx.msk [tilespmem:v59+s31+$0x0], $0xffff;
	v12 =	vmul.f32 v16, v12;
	v11 =	vadd.f32 $0.0e+00, v11  }
0x137: {  	v27 =	vor.u32 $0x67, v6;
	v26 =	vld.idx.msk [tilespmem:v59+s0+$0x0], $0xffff  }
0x138: {  	v22 =	vld.idx.msk [tilespmem:v61+s31+$0x0], $0xffff;
	v13 =	vmul.f32 v13, v60;
	v11 =	vadd.f32 v12, v11  }
0x139: {  	v29 =	vor.u32 $0x68, v6;
	v28 =	vld.idx.msk [tilespmem:v61+s0+$0x0], $0xffff  }
0x13a: {  	v30 =	vld.idx.msk [tilespmem:v24+s31+$0x0], $0xffff;
	v14 =	vmul.f32 v63, v62;
	v11 =	vadd.f32 v13, v11  }
0x13b: {  	v32 =	vor.u32 $0x69, v6;
	v31 =	vld.idx.msk [tilespmem:v24+s0+$0x0], $0xffff  }
0x13c: {  	v33 =	vld.idx.msk [tilespmem:v27+s31+$0x0], $0xffff;
	v16 =	vmul.f32 v26, v25;
	v11 =	vadd.f32 v14, v11  }
0x13d: {  	v35 =	vor.u32 $0x6A, v6;
	v34 =	vld.idx.msk [tilespmem:v27+s0+$0x0], $0xffff  }
0x13e: {  	v36 =	vld.idx.msk [tilespmem:v29+s31+$0x0], $0xffff;
	v12 =	vmul.f32 v28, v22;
	v11 =	vadd.f32 v16, v11  }
0x13f: {  	v38 =	vor.u32 $0x6B, v6;
	v37 =	vld.idx.msk [tilespmem:v29+s0+$0x0], $0xffff  }
0x140: {  	v39 =	vld.idx.msk [tilespmem:v32+s31+$0x0], $0xffff;
	v13 =	vmul.f32 v31, v30;
	v11 =	vadd.f32 v12, v11  }
0x141: {  	v41 =	vor.u32 $0x6C, v6;
	v40 =	vld.idx.msk [tilespmem:v32+s0+$0x0], $0xffff  }
0x142: {  	v42 =	vld.idx.msk [tilespmem:v35+s31+$0x0], $0xffff;
	v14 =	vmul.f32 v34, v33;
	v11 =	vadd.f32 v13, v11  }
0x143: {  	v44 =	vor.u32 $0x6D, v6;
	v43 =	vld.idx.msk [tilespmem:v35+s0+$0x0], $0xffff  }
0x144: {  	v45 =	vld.idx.msk [tilespmem:v38+s31+$0x0], $0xffff;
	v16 =	vmul.f32 v37, v36;
	v11 =	vadd.f32 v14, v11  }
0x145: {  	v47 =	vor.u32 $0x6E, v6;
	v46 =	vld.idx.msk [tilespmem:v38+s0+$0x0], $0xffff  }
0x146: {  	v48 =	vld.idx.msk [tilespmem:v41+s31+$0x0], $0xffff;
	v12 =	vmul.f32 v40, v39;
	v11 =	vadd.f32 v16, v11  }
0x147: {  	v49 =	vor.u32 $0x6F, v6;
	v15 =	vld.idx.msk [tilespmem:v41+s0+$0x0], $0xffff  }
0x148: {  	v50 =	vld.idx.msk [tilespmem:v44+s31+$0x0], $0xffff;
	v13 =	vmul.f32 v43, v42;
	v11 =	vadd.f32 v12, v11  }
0x149: {  	v52 =	vor.u32 $0x70, v6;
	v51 =	vld.idx.msk [tilespmem:v44+s0+$0x0], $0xffff  }
0x14a: {  	v53 =	vld.idx.msk [tilespmem:v47+s31+$0x0], $0xffff;
	v14 =	vmul.f32 v46, v45;
	v11 =	vadd.f32 v13, v11  }
0x14b: {  	v54 =	vld.idx.msk [tilespmem:v47+s0+$0x0], $0xffff;
	v55 =	vor.u32 $0x71, v6  }
0x14c: {  	v56 =	vld.idx.msk [tilespmem:v49+s31+$0x0], $0xffff;
	v15 =	vmul.f32 v15, v48;
	v11 =	vadd.f32 v14, v11  }
0x14d: {  	v58 =	vor.u32 $0x72, v6;
	v57 =	vld.idx.msk [tilespmem:v49+s0+$0x0], $0xffff  }
0x14e: {  	v59 =	vld.idx.msk [tilespmem:v52+s31+$0x0], $0xffff;
	v12 =	vmul.f32 v51, v50;
	v11 =	vadd.f32 v15, v11  }
0x14f: {  	v61 =	vor.u32 $0x73, v6;
	v60 =	vld.idx.msk [tilespmem:v52+s0+$0x0], $0xffff  }
0x150: {  	v62 =	vld.idx.msk [tilespmem:v55+s31+$0x0], $0xffff;
	v13 =	vmul.f32 v54, v53;
	v11 =	vadd.f32 v12, v11  }
0x151: {  	v24 =	vor.u32 $0x74, v6;
	v63 =	vld.idx.msk [tilespmem:v55+s0+$0x0], $0xffff  }
0x152: {  	v25 =	vld.idx.msk [tilespmem:v58+s31+$0x0], $0xffff;
	v14 =	vmul.f32 v57, v56;
	v11 =	vadd.f32 v13, v11  }
0x153: {  	v27 =	vor.u32 $0x75, v6;
	v26 =	vld.idx.msk [tilespmem:v58+s0+$0x0], $0xffff  }
0x154: {  	v29 =	vld.idx.msk [tilespmem:v61+s0+$0x0], $0xffff;
	v15 =	vmul.f32 v60, v59;
	v11 =	vadd.f32 v14, v11  }
0x155: {  	v28 =	vld.idx.msk [tilespmem:v61+s31+$0x0], $0xffff;
	v30 =	vor.u32 $0x76, v6  }
0x156: {  	v32 =	vld.idx.msk [tilespmem:v24+s0+$0x0], $0xffff;
	v12 =	vmul.f32 v63, v62;
	v11 =	vadd.f32 v15, v11  }
0x157: {  	v31 =	vld.idx.msk [tilespmem:v24+s31+$0x0], $0xffff;
	v33 =	vor.u32 $0x77, v6  }
0x158: {  	v35 =	vld.idx.msk [tilespmem:v27+s0+$0x0], $0xffff;
	v13 =	vmul.f32 v26, v25;
	v11 =	vadd.f32 v12, v11  }
0x159: {  	v34 =	vld.idx.msk [tilespmem:v27+s31+$0x0], $0xffff;
	v36 =	vor.u32 $0x78, v6  }
0x15a: {  	v37 =	vld.idx.msk [tilespmem:v30+s31+$0x0], $0xffff;
	v14 =	vmul.f32 v29, v28;
	v11 =	vadd.f32 v13, v11  }
0x15b: {  	v38 =	vld.idx.msk [tilespmem:v30+s0+$0x0], $0xffff;
	v39 =	vor.u32 $0x79, v6  }
0x15c: {  	v40 =	vld.idx.msk [tilespmem:v33+s31+$0x0], $0xffff;
	v15 =	vmul.f32 v32, v31;
	v11 =	vadd.f32 v14, v11  }
0x15d: {  	v41 =	vld.idx.msk [tilespmem:v33+s0+$0x0], $0xffff;
	v42 =	vor.u32 $0x7A, v6  }
0x15e: {  	v43 =	vld.idx.msk [tilespmem:v36+s31+$0x0], $0xffff;
	v12 =	vmul.f32 v35, v34;
	v11 =	vadd.f32 v15, v11  }
0x15f: {  	v44 =	vld.idx.msk [tilespmem:v36+s0+$0x0], $0xffff;
	v45 =	vor.u32 $0x7B, v6  }
0x160: {  	v46 =	vld.idx.msk [tilespmem:v39+s31+$0x0], $0xffff;
	v13 =	vmul.f32 v38, v37;
	v11 =	vadd.f32 v12, v11  }
0x161: {  	v48 =	vor.u32 $0x7C, v6;
	v47 =	vld.idx.msk [tilespmem:v39+s0+$0x0], $0xffff  }
0x162: {  	v49 =	vld.idx.msk [tilespmem:v42+s31+$0x0], $0xffff;
	v14 =	vmul.f32 v41, v40;
	v11 =	vadd.f32 v13, v11  }
0x163: {  	v50 =	vld.idx.msk [tilespmem:v42+s0+$0x0], $0xffff;
	v51 =	vor.u32 $0x7D, v6  }
0x164: {  	v52 =	vld.idx.msk [tilespmem:v45+s31+$0x0], $0xffff;
	v15 =	vmul.f32 v44, v43;
	v11 =	vadd.f32 v14, v11  }
0x165: {  	v53 =	vld.idx.msk [tilespmem:v45+s0+$0x0], $0xffff;
	v54 =	vor.u32 $0x7E, v6  }
0x166: {  	v55 =	vld.idx.msk [tilespmem:v48+s31+$0x0], $0xffff;
	v12 =	vmul.f32 v47, v46;
	v11 =	vadd.f32 v15, v11  }
0x167: {  	v6 =	vor.u32 $0x7F, v6;
	v56 =	vld.idx.msk [tilespmem:v48+s0+$0x0], $0xffff  }
0x168: {  	v57 =	vld.idx.msk [tilespmem:v51+s31+$0x0], $0xffff;
	v13 =	vmul.f32 v50, v49;
	v11 =	vadd.f32 v12, v11  }
0x169: {  	v58 =	vld.idx.msk [tilespmem:v51+s0+$0x0], $0xffff  }
0x16a: {  	v59 =	vld.idx.msk [tilespmem:v54+s31+$0x0], $0xffff;
	v14 =	vmul.f32 v53, v52;
	v11 =	vadd.f32 v13, v11  }
0x16b: {  	v60 =	vld.idx.msk [tilespmem:v54+s0+$0x0], $0xffff  }
0x16c: {  	v61 =	vld.idx.msk [tilespmem:v6+s31+$0x0], $0xffff;
	v15 =	vmul.f32 v56, v55;
	v14 =	vadd.f32 v14, v11  }
0x16d: {  	v6 =	vld.idx.msk [tilespmem:v6+s0+$0x0], $0xffff  }
0x16e: {  	v11 =	vor.u32 $0x3, v7;
	v7 =	vmul.f32 v58, v57;
	v62 =	vadd.f32 v15, v14;
	_ =	sdelay $0x1  }
0x16f: {  	v13 =	vmul.f32 v60, v59;
	v7 =	vadd.f32 v7, v62;
	_ =	sdelay $0x1  }
0x170: {  	v6 =	vmul.f32 v6, v61;
	v7 =	vadd.f32 v13, v7  }
0x171: {  	v63 =	vld.idx.msk [tilespmem:v11+s25+$0x0], $0xffff  }
0x172: {  	v6 =	vadd.f32 v6, v7;
	_ =	sdelay $0x1  }
0x173: {  	v6 =	vmul.f32 $1.767766920e-01, v6;
	_ =	sdelay $0x1  }
0x174: {  	v6 =	vmul.f32 v6, v63;
	_ =	sdelay $0x1  }
0x175: {  	v6 =	vmul.f32 $1.442695020e+00, v6  }
0x176: {  	v3 =	vadd.f32 v8, v3  }
0x177: {  	s19 =	simm.s32 $0x10;
	s14 =	simm.s32 $0x20;
	v5 =	vadd.f32 v9, v5;
	v4 =	vadd.f32 v10, v4;
	(erf) = vpow2.f32 v6  }
.LBB2_3:
0x178: {  	_ =	sdelay $0x2  }
0x179: {  	p3 =	sne.s32 s14, $0x40;
	v7 =	vor.u32 s19, v0;
	s19 =	smov.u32 s14;
	s14 =	sadd.s32 $0x10, s14  }
0x17a: {  	v6 =	vshll.u32 v7, $0x7  }
0x17b: {  	v8 =	vor.u32 $0x1, v6;
	v9 =	vor.u32 $0x2, v6;
	v19 =	vor.u32 $0x3, v6  }
0x17c: {  	v20 =	vor.u32 $0x4, v6;
	v21 =	vor.u32 $0x5, v6;
	v22 =	vor.u32 $0x6, v6  }
0x17d: {  	v23 =	vor.u32 $0x7, v6;
	v24 =	vor.u32 $0x8, v6;
	v25 =	vor.u32 $0x9, v6  }
0x17e: {  	v26 =	vor.u32 $0xA, v6;
	v27 =	vor.u32 $0xB, v6;
	v28 =	vor.u32 $0xC, v6;
	v10 =	vpop (erf)  }
0x17f: {  	v29 =	vor.u32 $0xD, v6;
	v30 =	vor.u32 $0xE, v6;
	[tilespmem:v11+s25+$0x0] =	vst.idx.msk $0xffff, v10;
	v2 =	vadd.f32 v10, v2  }
0x180: {  	v32 =	vor.u32 $0xF, v6;
	v33 =	vor.u32 $0x10, v6;
	v34 =	vor.u32 $0x11, v6;
	v31 =	vld.idx.msk [tilespmem:v6+s31+$0x0], $0xffff  }
0x181: {  	v36 =	vor.u32 $0x12, v6;
	v37 =	vor.u32 $0x13, v6;
	v38 =	vor.u32 $0x14, v6;
	v35 =	vld.idx.msk [tilespmem:v6+s0+$0x0], $0xffff  }
0x182: {  	v18 =	vor.u32 $0x15, v6;
	v17 =	vor.u32 $0x16, v6;
	v16 =	vor.u32 $0x17, v6;
	v39 =	vld.idx.msk [tilespmem:v8+s0+$0x0], $0xffff  }
0x183: {  	v15 =	vor.u32 $0x18, v6;
	v14 =	vor.u32 $0x19, v6;
	v13 =	vor.u32 $0x1A, v6;
	v40 =	vld.idx.msk [tilespmem:v8+s31+$0x0], $0xffff  }
0x184: {  	v12 =	vor.u32 $0x1B, v6;
	v11 =	vor.u32 $0x1C, v6;
	v10 =	vor.u32 $0x1D, v6;
	v41 =	vld.idx.msk [tilespmem:v9+s0+$0x0], $0xffff  }
0x185: {  	v8 =	vor.u32 $0x1F, v6;
	v42 =	vld.idx.msk [tilespmem:v9+s31+$0x0], $0xffff;
	v9 =	vor.u32 $0x1E, v6  }
0x186: {  	v43 =	vld.idx.msk [tilespmem:v19+s0+$0x0], $0xffff  }
0x187: {  	v31 =	vmul.f32 v35, v31;
	v19 =	vld.idx.msk [tilespmem:v19+s31+$0x0], $0xffff  }
0x188: {  	v35 =	vld.idx.msk [tilespmem:v20+s0+$0x0], $0xffff  }
0x189: {  	v31 =	vadd.f32 $0.0e+00, v31;
	v39 =	vmul.f32 v39, v40;
	v20 =	vld.idx.msk [tilespmem:v20+s31+$0x0], $0xffff  }
0x18a: {  	v40 =	vld.idx.msk [tilespmem:v21+s0+$0x0], $0xffff  }
0x18b: {  	v31 =	vadd.f32 v39, v31;
	v39 =	vmul.f32 v41, v42;
	v21 =	vld.idx.msk [tilespmem:v21+s31+$0x0], $0xffff  }
0x18c: {  	v41 =	vld.idx.msk [tilespmem:v22+s0+$0x0], $0xffff  }
0x18d: {  	v31 =	vadd.f32 v39, v31;
	v19 =	vmul.f32 v43, v19;
	v22 =	vld.idx.msk [tilespmem:v22+s31+$0x0], $0xffff  }
0x18e: {  	v39 =	vld.idx.msk [tilespmem:v23+s0+$0x0], $0xffff  }
0x18f: {  	v19 =	vadd.f32 v19, v31;
	v20 =	vmul.f32 v35, v20;
	v23 =	vld.idx.msk [tilespmem:v23+s31+$0x0], $0xffff  }
0x190: {  	v31 =	vld.idx.msk [tilespmem:v24+s0+$0x0], $0xffff  }
0x191: {  	v19 =	vadd.f32 v20, v19;
	v20 =	vmul.f32 v40, v21;
	v21 =	vld.idx.msk [tilespmem:v24+s31+$0x0], $0xffff  }
0x192: {  	v24 =	vld.idx.msk [tilespmem:v25+s0+$0x0], $0xffff  }
0x193: {  	v19 =	vadd.f32 v20, v19;
	v20 =	vmul.f32 v41, v22;
	v22 =	vld.idx.msk [tilespmem:v25+s31+$0x0], $0xffff  }
0x194: {  	v25 =	vld.idx.msk [tilespmem:v26+s0+$0x0], $0xffff  }
0x195: {  	v19 =	vadd.f32 v20, v19;
	v20 =	vmul.f32 v39, v23;
	v23 =	vld.idx.msk [tilespmem:v26+s31+$0x0], $0xffff  }
0x196: {  	v26 =	vld.idx.msk [tilespmem:v27+s0+$0x0], $0xffff  }
0x197: {  	v19 =	vadd.f32 v20, v19;
	v20 =	vmul.f32 v31, v21;
	v21 =	vld.idx.msk [tilespmem:v27+s31+$0x0], $0xffff  }
0x198: {  	v27 =	vld.idx.msk [tilespmem:v28+s0+$0x0], $0xffff  }
0x199: {  	v19 =	vadd.f32 v20, v19;
	v20 =	vmul.f32 v24, v22;
	v22 =	vld.idx.msk [tilespmem:v28+s31+$0x0], $0xffff  }
0x19a: {  	v24 =	vld.idx.msk [tilespmem:v29+s0+$0x0], $0xffff  }
0x19b: {  	v19 =	vadd.f32 v20, v19;
	v20 =	vmul.f32 v25, v23;
	v23 =	vld.idx.msk [tilespmem:v29+s31+$0x0], $0xffff  }
0x19c: {  	v25 =	vld.idx.msk [tilespmem:v30+s0+$0x0], $0xffff  }
0x19d: {  	v19 =	vadd.f32 v20, v19;
	v20 =	vmul.f32 v26, v21;
	v21 =	vld.idx.msk [tilespmem:v30+s31+$0x0], $0xffff  }
0x19e: {  	v26 =	vld.idx.msk [tilespmem:v32+s0+$0x0], $0xffff  }
0x19f: {  	v19 =	vadd.f32 v20, v19;
	v20 =	vmul.f32 v27, v22;
	v22 =	vld.idx.msk [tilespmem:v32+s31+$0x0], $0xffff  }
0x1a0: {  	v27 =	vld.idx.msk [tilespmem:v33+s0+$0x0], $0xffff  }
0x1a1: {  	v19 =	vadd.f32 v20, v19;
	v20 =	vmul.f32 v24, v23;
	v23 =	vld.idx.msk [tilespmem:v33+s31+$0x0], $0xffff  }
0x1a2: {  	v24 =	vld.idx.msk [tilespmem:v34+s0+$0x0], $0xffff  }
0x1a3: {  	v19 =	vadd.f32 v20, v19;
	v20 =	vmul.f32 v25, v21;
	v21 =	vld.idx.msk [tilespmem:v34+s31+$0x0], $0xffff  }
0x1a4: {  	v25 =	vld.idx.msk [tilespmem:v36+s0+$0x0], $0xffff  }
0x1a5: {  	v19 =	vadd.f32 v20, v19;
	v20 =	vmul.f32 v26, v22;
	v22 =	vld.idx.msk [tilespmem:v36+s31+$0x0], $0xffff  }
0x1a6: {  	v26 =	vld.idx.msk [tilespmem:v37+s0+$0x0], $0xffff  }
0x1a7: {  	v19 =	vadd.f32 v20, v19;
	v20 =	vmul.f32 v27, v23;
	v23 =	vld.idx.msk [tilespmem:v37+s31+$0x0], $0xffff  }
0x1a8: {  	v27 =	vld.idx.msk [tilespmem:v38+s0+$0x0], $0xffff  }
0x1a9: {  	v19 =	vadd.f32 v20, v19;
	v20 =	vmul.f32 v24, v21;
	v21 =	vld.idx.msk [tilespmem:v38+s31+$0x0], $0xffff  }
0x1aa: {  	v24 =	vld.idx.msk [tilespmem:v18+s0+$0x0], $0xffff  }
0x1ab: {  	v19 =	vadd.f32 v20, v19;
	v20 =	vmul.f32 v25, v22;
	v18 =	vld.idx.msk [tilespmem:v18+s31+$0x0], $0xffff  }
0x1ac: {  	v22 =	vld.idx.msk [tilespmem:v17+s0+$0x0], $0xffff  }
0x1ad: {  	v19 =	vadd.f32 v20, v19;
	v20 =	vmul.f32 v26, v23;
	v17 =	vld.idx.msk [tilespmem:v17+s31+$0x0], $0xffff  }
0x1ae: {  	v23 =	vld.idx.msk [tilespmem:v16+s0+$0x0], $0xffff  }
0x1af: {  	v19 =	vadd.f32 v20, v19;
	v20 =	vmul.f32 v27, v21;
	v16 =	vld.idx.msk [tilespmem:v16+s31+$0x0], $0xffff  }
0x1b0: {  	v21 =	vld.idx.msk [tilespmem:v15+s0+$0x0], $0xffff  }
0x1b1: {  	v19 =	vadd.f32 v20, v19;
	v18 =	vmul.f32 v24, v18;
	v15 =	vld.idx.msk [tilespmem:v15+s31+$0x0], $0xffff  }
0x1b2: {  	v20 =	vld.idx.msk [tilespmem:v14+s0+$0x0], $0xffff  }
0x1b3: {  	v18 =	vadd.f32 v18, v19;
	v17 =	vmul.f32 v22, v17;
	v14 =	vld.idx.msk [tilespmem:v14+s31+$0x0], $0xffff  }
0x1b4: {  	v19 =	vld.idx.msk [tilespmem:v13+s0+$0x0], $0xffff  }
0x1b5: {  	v17 =	vadd.f32 v17, v18;
	v16 =	vmul.f32 v23, v16;
	v13 =	vld.idx.msk [tilespmem:v13+s31+$0x0], $0xffff  }
0x1b6: {  	v18 =	vld.idx.msk [tilespmem:v12+s0+$0x0], $0xffff  }
0x1b7: {  	v16 =	vadd.f32 v16, v17;
	v15 =	vmul.f32 v21, v15;
	v12 =	vld.idx.msk [tilespmem:v12+s31+$0x0], $0xffff  }
0x1b8: {  	v17 =	vld.idx.msk [tilespmem:v11+s0+$0x0], $0xffff  }
0x1b9: {  	v15 =	vadd.f32 v15, v16;
	v14 =	vmul.f32 v20, v14;
	v11 =	vld.idx.msk [tilespmem:v11+s31+$0x0], $0xffff  }
0x1ba: {  	v16 =	vld.idx.msk [tilespmem:v10+s0+$0x0], $0xffff  }
0x1bb: {  	v14 =	vadd.f32 v14, v15;
	v13 =	vmul.f32 v19, v13;
	v10 =	vld.idx.msk [tilespmem:v10+s31+$0x0], $0xffff  }
0x1bc: {  	v15 =	vld.idx.msk [tilespmem:v9+s0+$0x0], $0xffff  }
0x1bd: {  	v13 =	vadd.f32 v13, v14;
	v12 =	vmul.f32 v18, v12;
	v9 =	vld.idx.msk [tilespmem:v9+s31+$0x0], $0xffff  }
0x1be: {  	v14 =	vld.idx.msk [tilespmem:v8+s0+$0x0], $0xffff  }
0x1bf: {  	v12 =	vadd.f32 v12, v13;
	v11 =	vmul.f32 v17, v11;
	v8 =	vld.idx.msk [tilespmem:v8+s31+$0x0], $0xffff  }
0x1c0: {  	v7 =	vshll.u32 v7, $0x2  }
0x1c1: {  	v11 =	vadd.f32 v11, v12;
	v10 =	vmul.f32 v16, v10;
	_ =	sdelay $0x1  }
0x1c2: {  	v10 =	vadd.f32 v10, v11;
	v9 =	vmul.f32 v15, v9;
	_ =	sdelay $0x1  }
0x1c3: {  	v9 =	vadd.f32 v9, v10;
	v8 =	vmul.f32 v14, v8;
	v10 =	vld.idx.msk [tilespmem:v7+s25+$0x0], $0xffff;
	_ =	sdelay $0x1  }
0x1c4: {  	v8 =	vadd.f32 v8, v9;
	_ =	sdelay $0x1  }
0x1c5: {  	v8 =	vmul.f32 $1.767766920e-01, v8;
	_ =	sdelay $0x1  }
0x1c6: {  	v8 =	vmul.f32 v8, v10;
	_ =	sdelay $0x1  }
0x1c7: {  	v8 =	vmul.f32 $1.442695020e+00, v8;
	_ =	sdelay $0x1  }
0x1c8: {  	(erf) = vpow2.f32 v8;
	_ =	sdelay $0x5  }
0x1c9: {  	v8 =	vor.u32 $0x20, v6;
	_ =	sdelay $0x1  }
0x1ca: {  	v9 =	vor.u32 $0x21, v6  }
0x1cb: {  	v10 =	vpop (erf)  }
0x1cc: {  	[tilespmem:v7+s25+$0x0] =	vst.idx.msk $0xffff, v10;
	v3 =	vadd.f32 v10, v3;
	v10 =	vor.u32 $0x22, v6  }
0x1cd: {  	v11 =	vld.idx.msk [tilespmem:v8+s31+$0x0], $0xffff  }
0x1ce: {  	v12 =	vor.u32 $0x23, v6;
	v8 =	vld.idx.msk [tilespmem:v8+s0+$0x0], $0xffff  }
0x1cf: {  	v13 =	vld.idx.msk [tilespmem:v9+s0+$0x0], $0xffff  }
0x1d0: {  	v14 =	vor.u32 $0x24, v6;
	v9 =	vld.idx.msk [tilespmem:v9+s31+$0x0], $0xffff  }
0x1d1: {  	v15 =	vld.idx.msk [tilespmem:v10+s0+$0x0], $0xffff  }
0x1d2: {  	v16 =	vor.u32 $0x25, v6;
	v10 =	vld.idx.msk [tilespmem:v10+s31+$0x0], $0xffff  }
0x1d3: {  	v17 =	vld.idx.msk [tilespmem:v12+s0+$0x0], $0xffff  }
0x1d4: {  	v8 =	vmul.f32 v8, v11;
	v11 =	vld.idx.msk [tilespmem:v12+s31+$0x0], $0xffff;
	v12 =	vor.u32 $0x26, v6  }
0x1d5: {  	v18 =	vld.idx.msk [tilespmem:v14+s0+$0x0], $0xffff  }
0x1d6: {  	v8 =	vadd.f32 $0.0e+00, v8;
	v9 =	vmul.f32 v13, v9;
	v13 =	vld.idx.msk [tilespmem:v14+s31+$0x0], $0xffff;
	v14 =	vor.u32 $0x27, v6  }
0x1d7: {  	v19 =	vld.idx.msk [tilespmem:v16+s0+$0x0], $0xffff  }
0x1d8: {  	v8 =	vadd.f32 v9, v8;
	v9 =	vmul.f32 v15, v10;
	v15 =	vor.u32 $0x28, v6;
	v10 =	vld.idx.msk [tilespmem:v16+s31+$0x0], $0xffff  }
0x1d9: {  	v16 =	vld.idx.msk [tilespmem:v12+s0+$0x0], $0xffff  }
0x1da: {  	v8 =	vadd.f32 v9, v8;
	v9 =	vmul.f32 v17, v11;
	v11 =	vld.idx.msk [tilespmem:v12+s31+$0x0], $0xffff;
	v12 =	vor.u32 $0x29, v6  }
0x1db: {  	v17 =	vld.idx.msk [tilespmem:v14+s0+$0x0], $0xffff  }
0x1dc: {  	v8 =	vadd.f32 v9, v8;
	v9 =	vmul.f32 v18, v13;
	v13 =	vld.idx.msk [tilespmem:v14+s31+$0x0], $0xffff;
	v14 =	vor.u32 $0x2A, v6  }
0x1dd: {  	v18 =	vld.idx.msk [tilespmem:v15+s0+$0x0], $0xffff  }
0x1de: {  	v8 =	vadd.f32 v9, v8;
	v9 =	vmul.f32 v19, v10;
	v10 =	vld.idx.msk [tilespmem:v15+s31+$0x0], $0xffff;
	v15 =	vor.u32 $0x2B, v6  }
0x1df: {  	v19 =	vld.idx.msk [tilespmem:v12+s0+$0x0], $0xffff  }
0x1e0: {  	v8 =	vadd.f32 v9, v8;
	v9 =	vmul.f32 v16, v11;
	v11 =	vld.idx.msk [tilespmem:v12+s31+$0x0], $0xffff;
	v12 =	vor.u32 $0x2C, v6  }
0x1e1: {  	v16 =	vld.idx.msk [tilespmem:v14+s0+$0x0], $0xffff  }
0x1e2: {  	v8 =	vadd.f32 v9, v8;
	v9 =	vmul.f32 v17, v13;
	v13 =	vld.idx.msk [tilespmem:v14+s31+$0x0], $0xffff;
	v14 =	vor.u32 $0x2D, v6  }
0x1e3: {  	v17 =	vld.idx.msk [tilespmem:v15+s0+$0x0], $0xffff  }
0x1e4: {  	v8 =	vadd.f32 v9, v8;
	v9 =	vmul.f32 v18, v10;
	v10 =	vld.idx.msk [tilespmem:v15+s31+$0x0], $0xffff;
	v15 =	vor.u32 $0x2E, v6  }
0x1e5: {  	v18 =	vld.idx.msk [tilespmem:v12+s0+$0x0], $0xffff  }
0x1e6: {  	v8 =	vadd.f32 v9, v8;
	v9 =	vmul.f32 v19, v11;
	v11 =	vld.idx.msk [tilespmem:v12+s31+$0x0], $0xffff;
	v12 =	vor.u32 $0x2F, v6  }
0x1e7: {  	v19 =	vld.idx.msk [tilespmem:v14+s0+$0x0], $0xffff  }
0x1e8: {  	v8 =	vadd.f32 v9, v8;
	v9 =	vmul.f32 v16, v13;
	v13 =	vld.idx.msk [tilespmem:v14+s31+$0x0], $0xffff;
	v14 =	vor.u32 $0x30, v6  }
0x1e9: {  	v16 =	vld.idx.msk [tilespmem:v15+s0+$0x0], $0xffff  }
0x1ea: {  	v8 =	vadd.f32 v9, v8;
	v9 =	vmul.f32 v17, v10;
	v10 =	vld.idx.msk [tilespmem:v15+s31+$0x0], $0xffff;
	v15 =	vor.u32 $0x31, v6  }
0x1eb: {  	v17 =	vld.idx.msk [tilespmem:v12+s0+$0x0], $0xffff  }
0x1ec: {  	v8 =	vadd.f32 v9, v8;
	v9 =	vmul.f32 v18, v11;
	v11 =	vld.idx.msk [tilespmem:v12+s31+$0x0], $0xffff;
	v12 =	vor.u32 $0x32, v6  }
0x1ed: {  	v18 =	vld.idx.msk [tilespmem:v14+s0+$0x0], $0xffff  }
0x1ee: {  	v8 =	vadd.f32 v9, v8;
	v9 =	vmul.f32 v19, v13;
	v13 =	vld.idx.msk [tilespmem:v14+s31+$0x0], $0xffff;
	v14 =	vor.u32 $0x33, v6  }
0x1ef: {  	v19 =	vld.idx.msk [tilespmem:v15+s0+$0x0], $0xffff  }
0x1f0: {  	v8 =	vadd.f32 v9, v8;
	v9 =	vmul.f32 v16, v10;
	v10 =	vld.idx.msk [tilespmem:v15+s31+$0x0], $0xffff;
	v15 =	vor.u32 $0x34, v6  }
0x1f1: {  	v16 =	vld.idx.msk [tilespmem:v12+s0+$0x0], $0xffff  }
0x1f2: {  	v8 =	vadd.f32 v9, v8;
	v9 =	vmul.f32 v17, v11;
	v11 =	vld.idx.msk [tilespmem:v12+s31+$0x0], $0xffff;
	v12 =	vor.u32 $0x35, v6  }
0x1f3: {  	v17 =	vld.idx.msk [tilespmem:v14+s0+$0x0], $0xffff  }
0x1f4: {  	v8 =	vadd.f32 v9, v8;
	v9 =	vmul.f32 v18, v13;
	v13 =	vld.idx.msk [tilespmem:v14+s31+$0x0], $0xffff;
	v14 =	vor.u32 $0x36, v6  }
0x1f5: {  	v18 =	vld.idx.msk [tilespmem:v15+s0+$0x0], $0xffff  }
0x1f6: {  	v8 =	vadd.f32 v9, v8;
	v9 =	vmul.f32 v19, v10;
	v10 =	vld.idx.msk [tilespmem:v15+s31+$0x0], $0xffff;
	v15 =	vor.u32 $0x37, v6  }
0x1f7: {  	v19 =	vld.idx.msk [tilespmem:v12+s0+$0x0], $0xffff  }
0x1f8: {  	v8 =	vadd.f32 v9, v8;
	v9 =	vmul.f32 v16, v11;
	v11 =	vld.idx.msk [tilespmem:v12+s31+$0x0], $0xffff;
	v12 =	vor.u32 $0x38, v6  }
0x1f9: {  	v16 =	vld.idx.msk [tilespmem:v14+s0+$0x0], $0xffff  }
0x1fa: {  	v8 =	vadd.f32 v9, v8;
	v9 =	vmul.f32 v17, v13;
	v13 =	vld.idx.msk [tilespmem:v14+s31+$0x0], $0xffff;
	v14 =	vor.u32 $0x39, v6  }
0x1fb: {  	v17 =	vld.idx.msk [tilespmem:v15+s0+$0x0], $0xffff  }
0x1fc: {  	v8 =	vadd.f32 v9, v8;
	v9 =	vmul.f32 v18, v10;
	v10 =	vld.idx.msk [tilespmem:v15+s31+$0x0], $0xffff;
	v15 =	vor.u32 $0x3A, v6  }
0x1fd: {  	v18 =	vld.idx.msk [tilespmem:v12+s0+$0x0], $0xffff  }
0x1fe: {  	v8 =	vadd.f32 v9, v8;
	v9 =	vmul.f32 v19, v11;
	v11 =	vld.idx.msk [tilespmem:v12+s31+$0x0], $0xffff;
	v12 =	vor.u32 $0x3B, v6  }
0x1ff: {  	v19 =	vld.idx.msk [tilespmem:v14+s0+$0x0], $0xffff  }
0x200: {  	v8 =	vadd.f32 v9, v8;
	v9 =	vmul.f32 v16, v13;
	v13 =	vld.idx.msk [tilespmem:v14+s31+$0x0], $0xffff;
	v14 =	vor.u32 $0x3C, v6  }
0x201: {  	v16 =	vld.idx.msk [tilespmem:v15+s0+$0x0], $0xffff  }
0x202: {  	v8 =	vadd.f32 v9, v8;
	v9 =	vmul.f32 v17, v10;
	v10 =	vld.idx.msk [tilespmem:v15+s31+$0x0], $0xffff;
	v15 =	vor.u32 $0x3D, v6  }
0x203: {  	v17 =	vld.idx.msk [tilespmem:v12+s0+$0x0], $0xffff  }
0x204: {  	v8 =	vadd.f32 v9, v8;
	v9 =	vmul.f32 v18, v11;
	v11 =	vld.idx.msk [tilespmem:v12+s31+$0x0], $0xffff;
	v12 =	vor.u32 $0x3E, v6  }
0x205: {  	v18 =	vld.idx.msk [tilespmem:v14+s0+$0x0], $0xffff  }
0x206: {  	v8 =	vadd.f32 v9, v8;
	v9 =	vmul.f32 v19, v13;
	v13 =	vld.idx.msk [tilespmem:v14+s31+$0x0], $0xffff;
	v14 =	vor.u32 $0x3F, v6  }
0x207: {  	v19 =	vld.idx.msk [tilespmem:v15+s0+$0x0], $0xffff  }
0x208: {  	v8 =	vadd.f32 v9, v8;
	v9 =	vmul.f32 v16, v10;
	v10 =	vld.idx.msk [tilespmem:v15+s31+$0x0], $0xffff  }
0x209: {  	v15 =	vld.idx.msk [tilespmem:v12+s0+$0x0], $0xffff  }
0x20a: {  	v8 =	vadd.f32 v9, v8;
	v9 =	vmul.f32 v17, v11;
	v11 =	vld.idx.msk [tilespmem:v12+s31+$0x0], $0xffff  }
0x20b: {  	v12 =	vld.idx.msk [tilespmem:v14+s0+$0x0], $0xffff  }
0x20c: {  	v8 =	vadd.f32 v9, v8;
	v9 =	vmul.f32 v18, v13;
	v13 =	vld.idx.msk [tilespmem:v14+s31+$0x0], $0xffff  }
0x20d: {  	v14 =	vor.u32 $0x1, v7  }
0x20e: {  	v8 =	vadd.f32 v9, v8;
	v9 =	vmul.f32 v19, v10;
	_ =	sdelay $0x1  }
0x20f: {  	v8 =	vadd.f32 v9, v8;
	v9 =	vmul.f32 v15, v11;
	_ =	sdelay $0x1  }
0x210: {  	v8 =	vadd.f32 v9, v8;
	v9 =	vmul.f32 v12, v13;
	v10 =	vld.idx.msk [tilespmem:v14+s25+$0x0], $0xffff;
	_ =	sdelay $0x1  }
0x211: {  	v8 =	vadd.f32 v9, v8;
	_ =	sdelay $0x1  }
0x212: {  	v8 =	vmul.f32 $1.767766920e-01, v8;
	_ =	sdelay $0x1  }
0x213: {  	v8 =	vmul.f32 v8, v10;
	_ =	sdelay $0x1  }
0x214: {  	v8 =	vmul.f32 $1.442695020e+00, v8;
	_ =	sdelay $0x1  }
0x215: {  	(erf) = vpow2.f32 v8;
	_ =	sdelay $0x5  }
0x216: {  	v8 =	vor.u32 $0x40, v6;
	_ =	sdelay $0x1  }
0x217: {  	v9 =	vor.u32 $0x41, v6  }
0x218: {  	v10 =	vpop (erf)  }
0x219: {  	[tilespmem:v14+s25+$0x0] =	vst.idx.msk $0xffff, v10;
	v5 =	vadd.f32 v10, v5;
	v10 =	vor.u32 $0x42, v6  }
0x21a: {  	v11 =	vld.idx.msk [tilespmem:v8+s31+$0x0], $0xffff  }
0x21b: {  	v12 =	vor.u32 $0x43, v6;
	v8 =	vld.idx.msk [tilespmem:v8+s0+$0x0], $0xffff  }
0x21c: {  	v13 =	vld.idx.msk [tilespmem:v9+s0+$0x0], $0xffff  }
0x21d: {  	v14 =	vor.u32 $0x44, v6;
	v9 =	vld.idx.msk [tilespmem:v9+s31+$0x0], $0xffff  }
0x21e: {  	v15 =	vld.idx.msk [tilespmem:v10+s0+$0x0], $0xffff  }
0x21f: {  	v16 =	vor.u32 $0x45, v6;
	v10 =	vld.idx.msk [tilespmem:v10+s31+$0x0], $0xffff  }
0x220: {  	v17 =	vld.idx.msk [tilespmem:v12+s0+$0x0], $0xffff  }
0x221: {  	v8 =	vmul.f32 v8, v11;
	v11 =	vld.idx.msk [tilespmem:v12+s31+$0x0], $0xffff;
	v12 =	vor.u32 $0x46, v6  }
0x222: {  	v18 =	vld.idx.msk [tilespmem:v14+s0+$0x0], $0xffff  }
0x223: {  	v8 =	vadd.f32 $0.0e+00, v8;
	v9 =	vmul.f32 v13, v9;
	v13 =	vld.idx.msk [tilespmem:v14+s31+$0x0], $0xffff;
	v14 =	vor.u32 $0x47, v6  }
0x224: {  	v19 =	vld.idx.msk [tilespmem:v16+s0+$0x0], $0xffff  }
0x225: {  	v8 =	vadd.f32 v9, v8;
	v9 =	vmul.f32 v15, v10;
	v15 =	vor.u32 $0x48, v6;
	v10 =	vld.idx.msk [tilespmem:v16+s31+$0x0], $0xffff  }
0x226: {  	v16 =	vld.idx.msk [tilespmem:v12+s0+$0x0], $0xffff  }
0x227: {  	v8 =	vadd.f32 v9, v8;
	v9 =	vmul.f32 v17, v11;
	v11 =	vld.idx.msk [tilespmem:v12+s31+$0x0], $0xffff;
	v12 =	vor.u32 $0x49, v6  }
0x228: {  	v17 =	vld.idx.msk [tilespmem:v14+s0+$0x0], $0xffff  }
0x229: {  	v8 =	vadd.f32 v9, v8;
	v9 =	vmul.f32 v18, v13;
	v13 =	vld.idx.msk [tilespmem:v14+s31+$0x0], $0xffff;
	v14 =	vor.u32 $0x4A, v6  }
0x22a: {  	v18 =	vld.idx.msk [tilespmem:v15+s0+$0x0], $0xffff  }
0x22b: {  	v8 =	vadd.f32 v9, v8;
	v9 =	vmul.f32 v19, v10;
	v10 =	vld.idx.msk [tilespmem:v15+s31+$0x0], $0xffff;
	v15 =	vor.u32 $0x4B, v6  }
0x22c: {  	v19 =	vld.idx.msk [tilespmem:v12+s0+$0x0], $0xffff  }
0x22d: {  	v8 =	vadd.f32 v9, v8;
	v9 =	vmul.f32 v16, v11;
	v11 =	vld.idx.msk [tilespmem:v12+s31+$0x0], $0xffff;
	v12 =	vor.u32 $0x4C, v6  }
0x22e: {  	v16 =	vld.idx.msk [tilespmem:v14+s0+$0x0], $0xffff  }
0x22f: {  	v8 =	vadd.f32 v9, v8;
	v9 =	vmul.f32 v17, v13;
	v13 =	vld.idx.msk [tilespmem:v14+s31+$0x0], $0xffff;
	v14 =	vor.u32 $0x4D, v6  }
0x230: {  	v17 =	vld.idx.msk [tilespmem:v15+s0+$0x0], $0xffff  }
0x231: {  	v8 =	vadd.f32 v9, v8;
	v9 =	vmul.f32 v18, v10;
	v10 =	vld.idx.msk [tilespmem:v15+s31+$0x0], $0xffff;
	v15 =	vor.u32 $0x4E, v6  }
0x232: {  	v18 =	vld.idx.msk [tilespmem:v12+s0+$0x0], $0xffff  }
0x233: {  	v8 =	vadd.f32 v9, v8;
	v9 =	vmul.f32 v19, v11;
	v11 =	vld.idx.msk [tilespmem:v12+s31+$0x0], $0xffff;
	v12 =	vor.u32 $0x4F, v6  }
0x234: {  	v19 =	vld.idx.msk [tilespmem:v14+s0+$0x0], $0xffff  }
0x235: {  	v8 =	vadd.f32 v9, v8;
	v9 =	vmul.f32 v16, v13;
	v13 =	vld.idx.msk [tilespmem:v14+s31+$0x0], $0xffff;
	v14 =	vor.u32 $0x50, v6  }
0x236: {  	v16 =	vld.idx.msk [tilespmem:v15+s0+$0x0], $0xffff  }
0x237: {  	v8 =	vadd.f32 v9, v8;
	v9 =	vmul.f32 v17, v10;
	v10 =	vld.idx.msk [tilespmem:v15+s31+$0x0], $0xffff;
	v15 =	vor.u32 $0x51, v6  }
0x238: {  	v17 =	vld.idx.msk [tilespmem:v12+s0+$0x0], $0xffff  }
0x239: {  	v8 =	vadd.f32 v9, v8;
	v9 =	vmul.f32 v18, v11;
	v11 =	vld.idx.msk [tilespmem:v12+s31+$0x0], $0xffff;
	v12 =	vor.u32 $0x52, v6  }
0x23a: {  	v18 =	vld.idx.msk [tilespmem:v14+s0+$0x0], $0xffff  }
0x23b: {  	v8 =	vadd.f32 v9, v8;
	v9 =	vmul.f32 v19, v13;
	v13 =	vld.idx.msk [tilespmem:v14+s31+$0x0], $0xffff;
	v14 =	vor.u32 $0x53, v6  }
0x23c: {  	v19 =	vld.idx.msk [tilespmem:v15+s0+$0x0], $0xffff  }
0x23d: {  	v8 =	vadd.f32 v9, v8;
	v9 =	vmul.f32 v16, v10;
	v10 =	vld.idx.msk [tilespmem:v15+s31+$0x0], $0xffff;
	v15 =	vor.u32 $0x54, v6  }
0x23e: {  	v16 =	vld.idx.msk [tilespmem:v12+s0+$0x0], $0xffff  }
0x23f: {  	v8 =	vadd.f32 v9, v8;
	v9 =	vmul.f32 v17, v11;
	v11 =	vld.idx.msk [tilespmem:v12+s31+$0x0], $0xffff;
	v12 =	vor.u32 $0x55, v6  }
0x240: {  	v17 =	vld.idx.msk [tilespmem:v14+s0+$0x0], $0xffff  }
0x241: {  	v8 =	vadd.f32 v9, v8;
	v9 =	vmul.f32 v18, v13;
	v13 =	vld.idx.msk [tilespmem:v14+s31+$0x0], $0xffff;
	v14 =	vor.u32 $0x56, v6  }
0x242: {  	v18 =	vld.idx.msk [tilespmem:v15+s0+$0x0], $0xffff  }
0x243: {  	v8 =	vadd.f32 v9, v8;
	v9 =	vmul.f32 v19, v10;
	v10 =	vld.idx.msk [tilespmem:v15+s31+$0x0], $0xffff;
	v15 =	vor.u32 $0x57, v6  }
0x244: {  	v19 =	vld.idx.msk [tilespmem:v12+s0+$0x0], $0xffff  }
0x245: {  	v8 =	vadd.f32 v9, v8;
	v9 =	vmul.f32 v16, v11;
	v11 =	vld.idx.msk [tilespmem:v12+s31+$0x0], $0xffff;
	v12 =	vor.u32 $0x58, v6  }
0x246: {  	v16 =	vld.idx.msk [tilespmem:v14+s0+$0x0], $0xffff  }
0x247: {  	v8 =	vadd.f32 v9, v8;
	v9 =	vmul.f32 v17, v13;
	v13 =	vld.idx.msk [tilespmem:v14+s31+$0x0], $0xffff;
	v14 =	vor.u32 $0x59, v6  }
0x248: {  	v17 =	vld.idx.msk [tilespmem:v15+s0+$0x0], $0xffff  }
0x249: {  	v8 =	vadd.f32 v9, v8;
	v9 =	vmul.f32 v18, v10;
	v10 =	vld.idx.msk [tilespmem:v15+s31+$0x0], $0xffff;
	v15 =	vor.u32 $0x5A, v6  }
0x24a: {  	v18 =	vld.idx.msk [tilespmem:v12+s0+$0x0], $0xffff  }
0x24b: {  	v8 =	vadd.f32 v9, v8;
	v9 =	vmul.f32 v19, v11;
	v11 =	vld.idx.msk [tilespmem:v12+s31+$0x0], $0xffff;
	v12 =	vor.u32 $0x5B, v6  }
0x24c: {  	v19 =	vld.idx.msk [tilespmem:v14+s0+$0x0], $0xffff  }
0x24d: {  	v8 =	vadd.f32 v9, v8;
	v9 =	vmul.f32 v16, v13;
	v13 =	vld.idx.msk [tilespmem:v14+s31+$0x0], $0xffff;
	v14 =	vor.u32 $0x5C, v6  }
0x24e: {  	v16 =	vld.idx.msk [tilespmem:v15+s0+$0x0], $0xffff  }
0x24f: {  	v8 =	vadd.f32 v9, v8;
	v9 =	vmul.f32 v17, v10;
	v10 =	vld.idx.msk [tilespmem:v15+s31+$0x0], $0xffff;
	v15 =	vor.u32 $0x5D, v6  }
0x250: {  	v17 =	vld.idx.msk [tilespmem:v12+s0+$0x0], $0xffff  }
0x251: {  	v8 =	vadd.f32 v9, v8;
	v9 =	vmul.f32 v18, v11;
	v11 =	vld.idx.msk [tilespmem:v12+s31+$0x0], $0xffff;
	v12 =	vor.u32 $0x5E, v6  }
0x252: {  	v18 =	vld.idx.msk [tilespmem:v14+s0+$0x0], $0xffff  }
0x253: {  	v8 =	vadd.f32 v9, v8;
	v9 =	vmul.f32 v19, v13;
	v13 =	vld.idx.msk [tilespmem:v14+s31+$0x0], $0xffff;
	v14 =	vor.u32 $0x5F, v6  }
0x254: {  	v19 =	vld.idx.msk [tilespmem:v15+s0+$0x0], $0xffff  }
0x255: {  	v8 =	vadd.f32 v9, v8;
	v9 =	vmul.f32 v16, v10;
	v10 =	vld.idx.msk [tilespmem:v15+s31+$0x0], $0xffff  }
0x256: {  	v15 =	vld.idx.msk [tilespmem:v12+s0+$0x0], $0xffff  }
0x257: {  	v8 =	vadd.f32 v9, v8;
	v9 =	vmul.f32 v17, v11;
	v11 =	vld.idx.msk [tilespmem:v12+s31+$0x0], $0xffff  }
0x258: {  	v12 =	vld.idx.msk [tilespmem:v14+s0+$0x0], $0xffff  }
0x259: {  	v8 =	vadd.f32 v9, v8;
	v9 =	vmul.f32 v18, v13;
	v13 =	vld.idx.msk [tilespmem:v14+s31+$0x0], $0xffff  }
0x25a: {  	v14 =	vor.u32 $0x2, v7  }
0x25b: {  	v8 =	vadd.f32 v9, v8;
	v9 =	vmul.f32 v19, v10;
	_ =	sdelay $0x1  }
0x25c: {  	v8 =	vadd.f32 v9, v8;
	v9 =	vmul.f32 v15, v11;
	_ =	sdelay $0x1  }
0x25d: {  	v8 =	vadd.f32 v9, v8;
	v9 =	vmul.f32 v12, v13;
	v10 =	vld.idx.msk [tilespmem:v14+s25+$0x0], $0xffff;
	_ =	sdelay $0x1  }
0x25e: {  	v8 =	vadd.f32 v9, v8;
	_ =	sdelay $0x1  }
0x25f: {  	v8 =	vmul.f32 $1.767766920e-01, v8;
	_ =	sdelay $0x1  }
0x260: {  	v8 =	vmul.f32 v8, v10;
	_ =	sdelay $0x1  }
0x261: {  	v8 =	vmul.f32 $1.442695020e+00, v8;
	_ =	sdelay $0x1  }
0x262: {  	(erf) = vpow2.f32 v8;
	_ =	sdelay $0x5  }
0x263: {  	v8 =	vor.u32 $0x60, v6  }
0x264: {  	v9 =	vor.u32 $0x61, v6;
	_ =	sdelay $0x1  }
0x265: {  	v10 =	vpop (erf)  }
0x266: {  	[tilespmem:v14+s25+$0x0] =	vst.idx.msk $0xffff, v10;
	v4 =	vadd.f32 v10, v4;
	v10 =	vor.u32 $0x62, v6  }
0x267: {  	v11 =	vld.idx.msk [tilespmem:v8+s31+$0x0], $0xffff  }
0x268: {  	v13 =	vor.u32 $0x63, v6;
	v12 =	vld.idx.msk [tilespmem:v9+s0+$0x0], $0xffff  }
0x269: {  	v8 =	vld.idx.msk [tilespmem:v8+s0+$0x0], $0xffff  }
0x26a: {  	v14 =	vor.u32 $0x64, v6;
	v9 =	vld.idx.msk [tilespmem:v9+s31+$0x0], $0xffff  }
0x26b: {  	v15 =	vld.idx.msk [tilespmem:v10+s31+$0x0], $0xffff  }
0x26c: {  	v16 =	vor.u32 $0x65, v6;
	v10 =	vld.idx.msk [tilespmem:v10+s0+$0x0], $0xffff  }
0x26d: {  	v17 =	vld.idx.msk [tilespmem:v13+s31+$0x0], $0xffff  }
0x26e: {  	v18 =	vor.u32 $0x66, v6;
	v13 =	vld.idx.msk [tilespmem:v13+s0+$0x0], $0xffff  }
0x26f: {  	v8 =	vmul.f32 v8, v11;
	v11 =	vld.idx.msk [tilespmem:v14+s31+$0x0], $0xffff  }
0x270: {  	v9 =	vmul.f32 v12, v9;
	v12 =	vld.idx.msk [tilespmem:v14+s0+$0x0], $0xffff;
	v14 =	vor.u32 $0x67, v6  }
0x271: {  	v8 =	vadd.f32 $0.0e+00, v8;
	v19 =	vld.idx.msk [tilespmem:v16+s31+$0x0], $0xffff  }
0x272: {  	v10 =	vmul.f32 v10, v15;
	v15 =	vld.idx.msk [tilespmem:v16+s0+$0x0], $0xffff;
	v16 =	vor.u32 $0x68, v6  }
0x273: {  	v8 =	vadd.f32 v9, v8;
	v9 =	vld.idx.msk [tilespmem:v18+s31+$0x0], $0xffff  }
0x274: {  	v13 =	vmul.f32 v13, v17;
	v17 =	vld.idx.msk [tilespmem:v18+s0+$0x0], $0xffff;
	v18 =	vor.u32 $0x69, v6  }
0x275: {  	v8 =	vadd.f32 v10, v8;
	v10 =	vld.idx.msk [tilespmem:v14+s31+$0x0], $0xffff  }
0x276: {  	v11 =	vmul.f32 v12, v11;
	v12 =	vld.idx.msk [tilespmem:v14+s0+$0x0], $0xffff;
	v14 =	vor.u32 $0x6A, v6  }
0x277: {  	v8 =	vadd.f32 v13, v8;
	v13 =	vld.idx.msk [tilespmem:v16+s31+$0x0], $0xffff  }
0x278: {  	v15 =	vmul.f32 v15, v19;
	v19 =	vor.u32 $0x6B, v6;
	v16 =	vld.idx.msk [tilespmem:v16+s0+$0x0], $0xffff  }
0x279: {  	v8 =	vadd.f32 v11, v8;
	v11 =	vld.idx.msk [tilespmem:v18+s31+$0x0], $0xffff  }
0x27a: {  	v9 =	vmul.f32 v17, v9;
	v17 =	vld.idx.msk [tilespmem:v18+s0+$0x0], $0xffff;
	v18 =	vor.u32 $0x6C, v6  }
0x27b: {  	v8 =	vadd.f32 v15, v8;
	v15 =	vld.idx.msk [tilespmem:v14+s31+$0x0], $0xffff  }
0x27c: {  	v10 =	vmul.f32 v12, v10;
	v12 =	vld.idx.msk [tilespmem:v14+s0+$0x0], $0xffff;
	v14 =	vor.u32 $0x6D, v6  }
0x27d: {  	v8 =	vadd.f32 v9, v8;
	v9 =	vld.idx.msk [tilespmem:v19+s31+$0x0], $0xffff  }
0x27e: {  	v13 =	vmul.f32 v16, v13;
	v16 =	vld.idx.msk [tilespmem:v19+s0+$0x0], $0xffff;
	v19 =	vor.u32 $0x6E, v6  }
0x27f: {  	v8 =	vadd.f32 v10, v8;
	v10 =	vld.idx.msk [tilespmem:v18+s31+$0x0], $0xffff  }
0x280: {  	v11 =	vmul.f32 v17, v11;
	v17 =	vld.idx.msk [tilespmem:v18+s0+$0x0], $0xffff;
	v18 =	vor.u32 $0x6F, v6  }
0x281: {  	v8 =	vadd.f32 v13, v8;
	v13 =	vld.idx.msk [tilespmem:v14+s31+$0x0], $0xffff  }
0x282: {  	v12 =	vmul.f32 v12, v15;
	v15 =	vor.u32 $0x70, v6;
	v14 =	vld.idx.msk [tilespmem:v14+s0+$0x0], $0xffff  }
0x283: {  	v8 =	vadd.f32 v11, v8;
	v11 =	vld.idx.msk [tilespmem:v19+s31+$0x0], $0xffff  }
0x284: {  	v9 =	vmul.f32 v16, v9;
	v16 =	vld.idx.msk [tilespmem:v19+s0+$0x0], $0xffff;
	v19 =	vor.u32 $0x71, v6  }
0x285: {  	v8 =	vadd.f32 v12, v8;
	v12 =	vld.idx.msk [tilespmem:v18+s31+$0x0], $0xffff  }
0x286: {  	v10 =	vmul.f32 v17, v10;
	v17 =	vld.idx.msk [tilespmem:v18+s0+$0x0], $0xffff;
	v18 =	vor.u32 $0x72, v6  }
0x287: {  	v8 =	vadd.f32 v9, v8;
	v9 =	vld.idx.msk [tilespmem:v15+s31+$0x0], $0xffff  }
0x288: {  	v13 =	vmul.f32 v14, v13;
	v14 =	vld.idx.msk [tilespmem:v15+s0+$0x0], $0xffff;
	v15 =	vor.u32 $0x73, v6  }
0x289: {  	v8 =	vadd.f32 v10, v8;
	v10 =	vld.idx.msk [tilespmem:v19+s31+$0x0], $0xffff  }
0x28a: {  	v11 =	vmul.f32 v16, v11;
	v16 =	vld.idx.msk [tilespmem:v19+s0+$0x0], $0xffff;
	v19 =	vor.u32 $0x74, v6  }
0x28b: {  	v8 =	vadd.f32 v13, v8;
	v13 =	vld.idx.msk [tilespmem:v18+s31+$0x0], $0xffff  }
0x28c: {  	v12 =	vmul.f32 v17, v12;
	v17 =	vld.idx.msk [tilespmem:v18+s0+$0x0], $0xffff;
	v18 =	vor.u32 $0x75, v6  }
0x28d: {  	v8 =	vadd.f32 v11, v8;
	v11 =	vld.idx.msk [tilespmem:v15+s31+$0x0], $0xffff  }
0x28e: {  	v9 =	vmul.f32 v14, v9;
	v14 =	vld.idx.msk [tilespmem:v15+s0+$0x0], $0xffff;
	v15 =	vor.u32 $0x76, v6  }
0x28f: {  	v8 =	vadd.f32 v12, v8;
	v12 =	vld.idx.msk [tilespmem:v19+s31+$0x0], $0xffff  }
0x290: {  	v10 =	vmul.f32 v16, v10;
	v16 =	vld.idx.msk [tilespmem:v19+s0+$0x0], $0xffff;
	v19 =	vor.u32 $0x77, v6  }
0x291: {  	v8 =	vadd.f32 v9, v8;
	v9 =	vld.idx.msk [tilespmem:v18+s31+$0x0], $0xffff  }
0x292: {  	v13 =	vmul.f32 v17, v13;
	v17 =	vld.idx.msk [tilespmem:v18+s0+$0x0], $0xffff;
	v18 =	vor.u32 $0x78, v6  }
0x293: {  	v8 =	vadd.f32 v10, v8;
	v10 =	vld.idx.msk [tilespmem:v15+s31+$0x0], $0xffff  }
0x294: {  	v11 =	vmul.f32 v14, v11;
	v14 =	vld.idx.msk [tilespmem:v15+s0+$0x0], $0xffff;
	v15 =	vor.u32 $0x79, v6  }
0x295: {  	v8 =	vadd.f32 v13, v8;
	v13 =	vld.idx.msk [tilespmem:v19+s31+$0x0], $0xffff  }
0x296: {  	v12 =	vmul.f32 v16, v12;
	v16 =	vld.idx.msk [tilespmem:v19+s0+$0x0], $0xffff;
	v19 =	vor.u32 $0x7A, v6  }
0x297: {  	v8 =	vadd.f32 v11, v8;
	v11 =	vld.idx.msk [tilespmem:v18+s31+$0x0], $0xffff  }
0x298: {  	v9 =	vmul.f32 v17, v9;
	v17 =	vld.idx.msk [tilespmem:v18+s0+$0x0], $0xffff;
	v18 =	vor.u32 $0x7B, v6  }
0x299: {  	v8 =	vadd.f32 v12, v8;
	v12 =	vld.idx.msk [tilespmem:v15+s31+$0x0], $0xffff  }
0x29a: {  	v10 =	vmul.f32 v14, v10;
	v14 =	vld.idx.msk [tilespmem:v15+s0+$0x0], $0xffff;
	v15 =	vor.u32 $0x7C, v6  }
0x29b: {  	v8 =	vadd.f32 v9, v8;
	v9 =	vld.idx.msk [tilespmem:v19+s31+$0x0], $0xffff  }
0x29c: {  	v13 =	vmul.f32 v16, v13;
	v16 =	vld.idx.msk [tilespmem:v19+s0+$0x0], $0xffff;
	v19 =	vor.u32 $0x7D, v6  }
0x29d: {  	v8 =	vadd.f32 v10, v8;
	v10 =	vld.idx.msk [tilespmem:v18+s31+$0x0], $0xffff  }
0x29e: {  	v11 =	vmul.f32 v17, v11;
	v17 =	vld.idx.msk [tilespmem:v18+s0+$0x0], $0xffff;
	v18 =	vor.u32 $0x7E, v6  }
0x29f: {  	v8 =	vadd.f32 v13, v8;
	v13 =	vld.idx.msk [tilespmem:v15+s31+$0x0], $0xffff  }
0x2a0: {  	v6 =	vor.u32 $0x7F, v6;
	v12 =	vmul.f32 v14, v12;
	v14 =	vld.idx.msk [tilespmem:v15+s0+$0x0], $0xffff  }
0x2a1: {  	v8 =	vadd.f32 v11, v8;
	v15 =	vld.idx.msk [tilespmem:v19+s31+$0x0], $0xffff  }
0x2a2: {  	v11 =	vor.u32 $0x3, v7;
	v9 =	vmul.f32 v16, v9;
	v16 =	vld.idx.msk [tilespmem:v19+s0+$0x0], $0xffff  }
0x2a3: {  	v7 =	vadd.f32 v12, v8;
	v8 =	vld.idx.msk [tilespmem:v18+s31+$0x0], $0xffff  }
0x2a4: {  	v10 =	vmul.f32 v17, v10;
	v12 =	vld.idx.msk [tilespmem:v18+s0+$0x0], $0xffff  }
0x2a5: {  	v7 =	vadd.f32 v9, v7;
	v9 =	vld.idx.msk [tilespmem:v6+s31+$0x0], $0xffff  }
0x2a6: {  	v13 =	vmul.f32 v14, v13;
	v6 =	vld.idx.msk [tilespmem:v6+s0+$0x0], $0xffff  }
0x2a7: {  	v7 =	vadd.f32 v10, v7;
	v10 =	vld.idx.msk [tilespmem:v11+s25+$0x0], $0xffff  }
0x2a8: {  	v14 =	vmul.f32 v16, v15  }
0x2a9: {  	v7 =	vadd.f32 v13, v7  }
0x2aa: {  	v8 =	vmul.f32 v12, v8  }
0x2ab: {  	v7 =	vadd.f32 v14, v7  }
0x2ac: {  	v6 =	vmul.f32 v6, v9  }
0x2ad: {  	v7 =	vadd.f32 v8, v7;
	_ =	sdelay $0x1  }
0x2ae: {  	v6 =	vadd.f32 v6, v7;
	_ =	sdelay $0x1  }
0x2af: {  	v6 =	vmul.f32 $1.767766920e-01, v6;
	_ =	sdelay $0x1  }
.Ltmp2:
0x2b0: {  	v6 =	vmul.f32 v6, v10;
	(pc) =	sbr.rel @p3 .LBB2_3-.Ltmp2, $3  }
0x2b1: {  	_ = 	snop  }
0x2b2: {  	v6 =	vmul.f32 $1.442695020e+00, v6;
	_ =	sdelay $0x1  }
0x2b3: {  	(erf) = vpow2.f32 v6  }
0x2b4: {  	_ =	sdelay $0x3  }
0x2b5: {  	v8 =	vor.u32 s19, v0  }
0x2b6: {  	v7 =	vshll.u32 v8, $0x7;
	_ =	sdelay $0x1  }
0x2b7: {  	v9 =	vor.u32 $0x1, v7  }
0x2b8: {  	v6 =	vpop (erf)  }
0x2b9: {  	v10 =	vor.u32 $0x2, v7;
	[tilespmem:v11+s25+$0x0] =	vst.idx.msk $0xffff, v6  }
0x2ba: {  	v11 =	vld.idx.msk [tilespmem:v7+s31+$0x0], $0xffff  }
0x2bb: {  	v12 =	vor.u32 $0x3, v7;
	v13 =	vld.idx.msk [tilespmem:v7+s0+$0x0], $0xffff  }
0x2bc: {  	v14 =	vld.idx.msk [tilespmem:v9+s0+$0x0], $0xffff  }
0x2bd: {  	v15 =	vor.u32 $0x4, v7;
	v9 =	vld.idx.msk [tilespmem:v9+s31+$0x0], $0xffff  }
0x2be: {  	v16 =	vld.idx.msk [tilespmem:v10+s0+$0x0], $0xffff  }
0x2bf: {  	v17 =	vor.u32 $0x5, v7;
	v10 =	vld.idx.msk [tilespmem:v10+s31+$0x0], $0xffff  }
0x2c0: {  	v18 =	vld.idx.msk [tilespmem:v12+s0+$0x0], $0xffff;
	v11 =	vmul.f32 v13, v11  }
0x2c1: {  	v25 =	vor.u32 $0x6, v7;
	v12 =	vld.idx.msk [tilespmem:v12+s31+$0x0], $0xffff  }
0x2c2: {  	v19 =	vld.idx.msk [tilespmem:v15+s0+$0x0], $0xffff;
	v9 =	vmul.f32 v14, v9;
	v11 =	vadd.f32 $0.0e+00, v11  }
0x2c3: {  	v26 =	vor.u32 $0x7, v7;
	v15 =	vld.idx.msk [tilespmem:v15+s31+$0x0], $0xffff  }
0x2c4: {  	v20 =	vld.idx.msk [tilespmem:v17+s0+$0x0], $0xffff;
	v10 =	vmul.f32 v16, v10;
	v9 =	vadd.f32 v9, v11  }
0x2c5: {  	v27 =	vld.idx.msk [tilespmem:v17+s31+$0x0], $0xffff;
	v11 =	vor.u32 $0x8, v7  }
0x2c6: {  	v28 =	vld.idx.msk [tilespmem:v25+s0+$0x0], $0xffff;
	v9 =	vadd.f32 v10, v9;
	v10 =	vmul.f32 v18, v12  }
0x2c7: {  	v29 =	vor.u32 $0x9, v7;
	v13 =	vld.idx.msk [tilespmem:v25+s31+$0x0], $0xffff  }
0x2c8: {  	v30 =	vld.idx.msk [tilespmem:v26+s0+$0x0], $0xffff;
	v9 =	vadd.f32 v10, v9;
	v10 =	vmul.f32 v19, v15  }
0x2c9: {  	v31 =	vor.u32 $0xA, v7;
	v14 =	vld.idx.msk [tilespmem:v26+s31+$0x0], $0xffff  }
0x2ca: {  	v32 =	vld.idx.msk [tilespmem:v11+s0+$0x0], $0xffff;
	v9 =	vadd.f32 v10, v9;
	v10 =	vmul.f32 v20, v27  }
0x2cb: {  	v33 =	vor.u32 $0xB, v7;
	v11 =	vld.idx.msk [tilespmem:v11+s31+$0x0], $0xffff  }
0x2cc: {  	v34 =	vld.idx.msk [tilespmem:v29+s0+$0x0], $0xffff;
	v9 =	vadd.f32 v10, v9;
	v10 =	vmul.f32 v28, v13  }
0x2cd: {  	v35 =	vor.u32 $0xC, v7;
	v12 =	vld.idx.msk [tilespmem:v29+s31+$0x0], $0xffff  }
0x2ce: {  	v36 =	vld.idx.msk [tilespmem:v31+s0+$0x0], $0xffff;
	v9 =	vadd.f32 v10, v9;
	v10 =	vmul.f32 v30, v14  }
0x2cf: {  	v37 =	vor.u32 $0xD, v7;
	v15 =	vld.idx.msk [tilespmem:v31+s31+$0x0], $0xffff  }
0x2d0: {  	v38 =	vld.idx.msk [tilespmem:v33+s0+$0x0], $0xffff;
	v9 =	vadd.f32 v10, v9;
	v10 =	vmul.f32 v32, v11  }
0x2d1: {  	v16 =	vld.idx.msk [tilespmem:v33+s31+$0x0], $0xffff;
	v11 =	vor.u32 $0xE, v7  }
0x2d2: {  	v39 =	vld.idx.msk [tilespmem:v35+s0+$0x0], $0xffff;
	v9 =	vadd.f32 v10, v9;
	v10 =	vmul.f32 v34, v12  }
0x2d3: {  	v40 =	vor.u32 $0xF, v7;
	v13 =	vld.idx.msk [tilespmem:v35+s31+$0x0], $0xffff  }
0x2d4: {  	v41 =	vld.idx.msk [tilespmem:v37+s0+$0x0], $0xffff;
	v9 =	vadd.f32 v10, v9;
	v10 =	vmul.f32 v36, v15  }
0x2d5: {  	v42 =	vor.u32 $0x10, v7;
	v14 =	vld.idx.msk [tilespmem:v37+s31+$0x0], $0xffff  }
0x2d6: {  	v43 =	vld.idx.msk [tilespmem:v11+s0+$0x0], $0xffff;
	v9 =	vadd.f32 v10, v9;
	v10 =	vmul.f32 v38, v16  }
0x2d7: {  	v44 =	vor.u32 $0x11, v7;
	v11 =	vld.idx.msk [tilespmem:v11+s31+$0x0], $0xffff  }
0x2d8: {  	v45 =	vld.idx.msk [tilespmem:v40+s0+$0x0], $0xffff;
	v9 =	vadd.f32 v10, v9;
	v10 =	vmul.f32 v39, v13  }
0x2d9: {  	v46 =	vor.u32 $0x12, v7;
	v12 =	vld.idx.msk [tilespmem:v40+s31+$0x0], $0xffff  }
0x2da: {  	v47 =	vld.idx.msk [tilespmem:v42+s0+$0x0], $0xffff;
	v9 =	vadd.f32 v10, v9;
	v10 =	vmul.f32 v41, v14  }
0x2db: {  	v48 =	vor.u32 $0x13, v7;
	v15 =	vld.idx.msk [tilespmem:v42+s31+$0x0], $0xffff  }
0x2dc: {  	v49 =	vld.idx.msk [tilespmem:v44+s0+$0x0], $0xffff;
	v9 =	vadd.f32 v10, v9;
	v10 =	vmul.f32 v43, v11  }
0x2dd: {  	v16 =	vld.idx.msk [tilespmem:v44+s31+$0x0], $0xffff;
	v11 =	vor.u32 $0x14, v7  }
0x2de: {  	v50 =	vld.idx.msk [tilespmem:v46+s0+$0x0], $0xffff;
	v9 =	vadd.f32 v10, v9;
	v10 =	vmul.f32 v45, v12  }
0x2df: {  	v51 =	vor.u32 $0x15, v7;
	v13 =	vld.idx.msk [tilespmem:v46+s31+$0x0], $0xffff  }
0x2e0: {  	v52 =	vld.idx.msk [tilespmem:v48+s0+$0x0], $0xffff;
	v9 =	vadd.f32 v10, v9;
	v10 =	vmul.f32 v47, v15  }
0x2e1: {  	v53 =	vor.u32 $0x16, v7;
	v14 =	vld.idx.msk [tilespmem:v48+s31+$0x0], $0xffff  }
0x2e2: {  	v54 =	vld.idx.msk [tilespmem:v11+s0+$0x0], $0xffff;
	v9 =	vadd.f32 v10, v9;
	v10 =	vmul.f32 v49, v16  }
0x2e3: {  	v55 =	vor.u32 $0x17, v7;
	v11 =	vld.idx.msk [tilespmem:v11+s31+$0x0], $0xffff  }
0x2e4: {  	v56 =	vld.idx.msk [tilespmem:v51+s0+$0x0], $0xffff;
	v9 =	vadd.f32 v10, v9;
	v10 =	vmul.f32 v50, v13  }
0x2e5: {  	v57 =	vor.u32 $0x18, v7;
	v12 =	vld.idx.msk [tilespmem:v51+s31+$0x0], $0xffff  }
0x2e6: {  	v58 =	vld.idx.msk [tilespmem:v53+s0+$0x0], $0xffff;
	v9 =	vadd.f32 v10, v9;
	v10 =	vmul.f32 v52, v14  }
0x2e7: {  	v59 =	vor.u32 $0x19, v7;
	v15 =	vld.idx.msk [tilespmem:v53+s31+$0x0], $0xffff  }
0x2e8: {  	v60 =	vld.idx.msk [tilespmem:v55+s0+$0x0], $0xffff;
	v9 =	vadd.f32 v10, v9;
	v10 =	vmul.f32 v54, v11  }
0x2e9: {  	v16 =	vld.idx.msk [tilespmem:v55+s31+$0x0], $0xffff;
	v11 =	vor.u32 $0x1A, v7  }
0x2ea: {  	v61 =	vld.idx.msk [tilespmem:v57+s0+$0x0], $0xffff;
	v9 =	vadd.f32 v10, v9;
	v10 =	vmul.f32 v56, v12  }
0x2eb: {  	v62 =	vor.u32 $0x1B, v7;
	v13 =	vld.idx.msk [tilespmem:v57+s31+$0x0], $0xffff  }
0x2ec: {  	v63 =	vld.idx.msk [tilespmem:v59+s0+$0x0], $0xffff;
	v9 =	vadd.f32 v10, v9;
	v10 =	vmul.f32 v58, v15  }
0x2ed: {  	v23 =	vor.u32 $0x1C, v7;
	v14 =	vld.idx.msk [tilespmem:v59+s31+$0x0], $0xffff  }
0x2ee: {  	v24 =	vld.idx.msk [tilespmem:v11+s0+$0x0], $0xffff;
	v9 =	vadd.f32 v10, v9;
	v10 =	vmul.f32 v60, v16  }
0x2ef: {  	v25 =	vor.u32 $0x1D, v7;
	v11 =	vld.idx.msk [tilespmem:v11+s31+$0x0], $0xffff  }
0x2f0: {  	v26 =	vld.idx.msk [tilespmem:v62+s0+$0x0], $0xffff;
	v9 =	vadd.f32 v10, v9;
	v10 =	vmul.f32 v61, v13  }
0x2f1: {  	v27 =	vor.u32 $0x1E, v7;
	v12 =	vld.idx.msk [tilespmem:v62+s31+$0x0], $0xffff  }
0x2f2: {  	v28 =	vld.idx.msk [tilespmem:v23+s0+$0x0], $0xffff;
	v9 =	vadd.f32 v10, v9;
	v10 =	vmul.f32 v63, v14  }
0x2f3: {  	v29 =	vor.u32 $0x1F, v7;
	v15 =	vld.idx.msk [tilespmem:v23+s31+$0x0], $0xffff  }
0x2f4: {  	v30 =	vld.idx.msk [tilespmem:v25+s0+$0x0], $0xffff;
	v9 =	vadd.f32 v10, v9;
	v10 =	vmul.f32 v24, v11  }
0x2f5: {  	v11 =	vld.idx.msk [tilespmem:v25+s31+$0x0], $0xffff  }
0x2f6: {  	v31 =	vld.idx.msk [tilespmem:v27+s0+$0x0], $0xffff;
	v9 =	vadd.f32 v10, v9;
	v10 =	vmul.f32 v26, v12  }
0x2f7: {  	v32 =	vld.idx.msk [tilespmem:v27+s31+$0x0], $0xffff  }
0x2f8: {  	v33 =	vld.idx.msk [tilespmem:v29+s0+$0x0], $0xffff;
	v15 =	vmul.f32 v28, v15;
	v10 =	vadd.f32 v10, v9  }
0x2f9: {  	v14 =	vld.idx.msk [tilespmem:v29+s31+$0x0], $0xffff  }
0x2fa: {  	v9 =	vshll.u32 v8, $0x2;
	v8 =	vadd.f32 v15, v10;
	v10 =	vmul.f32 v30, v11;
	_ =	sdelay $0x1  }
0x2fb: {  	v8 =	vadd.f32 v10, v8;
	v10 =	vmul.f32 v31, v32;
	_ =	sdelay $0x1  }
0x2fc: {  	v8 =	vadd.f32 v10, v8;
	v10 =	vmul.f32 v33, v14  }
0x2fd: {  	v11 =	vld.idx.msk [tilespmem:v9+s25+$0x0], $0xffff  }
0x2fe: {  	v8 =	vadd.f32 v10, v8;
	_ =	sdelay $0x1  }
0x2ff: {  	v8 =	vmul.f32 $1.767766920e-01, v8;
	_ =	sdelay $0x1  }
0x300: {  	v8 =	vmul.f32 v8, v11;
	_ =	sdelay $0x1  }
0x301: {  	v8 =	vmul.f32 $1.442695020e+00, v8;
	_ =	sdelay $0x1  }
0x302: {  	(erf) = vpow2.f32 v8;
	_ =	sdelay $0x5  }
0x303: {  	v10 =	vor.u32 $0x20, v7;
	_ =	sdelay $0x1  }
0x304: {  	v11 =	vor.u32 $0x21, v7  }
0x305: {  	v8 =	vpop (erf)  }
0x306: {  	v34 =	vor.u32 $0x22, v7;
	[tilespmem:v9+s25+$0x0] =	vst.idx.msk $0xffff, v8  }
0x307: {  	v35 =	vld.idx.msk [tilespmem:v10+s31+$0x0], $0xffff  }
0x308: {  	v36 =	vor.u32 $0x23, v7;
	v10 =	vld.idx.msk [tilespmem:v10+s0+$0x0], $0xffff  }
0x309: {  	v37 =	vld.idx.msk [tilespmem:v11+s0+$0x0], $0xffff  }
0x30a: {  	v38 =	vor.u32 $0x24, v7;
	v11 =	vld.idx.msk [tilespmem:v11+s31+$0x0], $0xffff  }
0x30b: {  	v39 =	vld.idx.msk [tilespmem:v34+s0+$0x0], $0xffff  }
0x30c: {  	v40 =	vor.u32 $0x25, v7;
	v12 =	vld.idx.msk [tilespmem:v34+s31+$0x0], $0xffff  }
0x30d: {  	v41 =	vld.idx.msk [tilespmem:v36+s0+$0x0], $0xffff;
	v10 =	vmul.f32 v10, v35  }
0x30e: {  	v43 =	vor.u32 $0x26, v7;
	v42 =	vld.idx.msk [tilespmem:v36+s31+$0x0], $0xffff  }
0x30f: {  	v44 =	vld.idx.msk [tilespmem:v38+s0+$0x0], $0xffff;
	v11 =	vmul.f32 v37, v11;
	v10 =	vadd.f32 $0.0e+00, v10  }
0x310: {  	v46 =	vor.u32 $0x27, v7;
	v45 =	vld.idx.msk [tilespmem:v38+s31+$0x0], $0xffff  }
0x311: {  	v21 =	vld.idx.msk [tilespmem:v40+s0+$0x0], $0xffff;
	v10 =	vadd.f32 v11, v10;
	v11 =	vmul.f32 v39, v12  }
0x312: {  	v48 =	vor.u32 $0x28, v7;
	v47 =	vld.idx.msk [tilespmem:v40+s31+$0x0], $0xffff  }
0x313: {  	v49 =	vld.idx.msk [tilespmem:v43+s0+$0x0], $0xffff;
	v10 =	vadd.f32 v11, v10;
	v11 =	vmul.f32 v41, v42  }
0x314: {  	v51 =	vor.u32 $0x29, v7;
	v50 =	vld.idx.msk [tilespmem:v43+s31+$0x0], $0xffff  }
0x315: {  	v52 =	vld.idx.msk [tilespmem:v46+s0+$0x0], $0xffff;
	v10 =	vadd.f32 v11, v10;
	v11 =	vmul.f32 v44, v45  }
0x316: {  	v54 =	vor.u32 $0x2A, v7;
	v53 =	vld.idx.msk [tilespmem:v46+s31+$0x0], $0xffff  }
0x317: {  	v55 =	vld.idx.msk [tilespmem:v48+s0+$0x0], $0xffff;
	v10 =	vadd.f32 v11, v10;
	v11 =	vmul.f32 v21, v47  }
0x318: {  	v57 =	vor.u32 $0x2B, v7;
	v56 =	vld.idx.msk [tilespmem:v48+s31+$0x0], $0xffff  }
0x319: {  	v58 =	vld.idx.msk [tilespmem:v51+s0+$0x0], $0xffff;
	v10 =	vadd.f32 v11, v10;
	v11 =	vmul.f32 v49, v50  }
0x31a: {  	v60 =	vor.u32 $0x2C, v7;
	v59 =	vld.idx.msk [tilespmem:v51+s31+$0x0], $0xffff  }
0x31b: {  	v61 =	vld.idx.msk [tilespmem:v54+s0+$0x0], $0xffff;
	v10 =	vadd.f32 v11, v10;
	v11 =	vmul.f32 v52, v53  }
0x31c: {  	v63 =	vor.u32 $0x2D, v7;
	v62 =	vld.idx.msk [tilespmem:v54+s31+$0x0], $0xffff  }
0x31d: {  	v24 =	vld.idx.msk [tilespmem:v57+s0+$0x0], $0xffff;
	v10 =	vadd.f32 v11, v10;
	v11 =	vmul.f32 v55, v56  }
0x31e: {  	v26 =	vor.u32 $0x2E, v7;
	v25 =	vld.idx.msk [tilespmem:v57+s31+$0x0], $0xffff  }
0x31f: {  	v27 =	vld.idx.msk [tilespmem:v60+s0+$0x0], $0xffff;
	v10 =	vadd.f32 v11, v10;
	v11 =	vmul.f32 v58, v59  }
0x320: {  	v29 =	vor.u32 $0x2F, v7;
	v28 =	vld.idx.msk [tilespmem:v60+s31+$0x0], $0xffff  }
0x321: {  	v30 =	vld.idx.msk [tilespmem:v63+s0+$0x0], $0xffff;
	v10 =	vadd.f32 v11, v10;
	v11 =	vmul.f32 v61, v62  }
0x322: {  	v32 =	vor.u32 $0x30, v7;
	v31 =	vld.idx.msk [tilespmem:v63+s31+$0x0], $0xffff  }
0x323: {  	v33 =	vld.idx.msk [tilespmem:v26+s0+$0x0], $0xffff;
	v10 =	vadd.f32 v11, v10;
	v11 =	vmul.f32 v24, v25  }
0x324: {  	v34 =	vld.idx.msk [tilespmem:v26+s31+$0x0], $0xffff;
	v35 =	vor.u32 $0x31, v7  }
0x325: {  	v36 =	vld.idx.msk [tilespmem:v29+s0+$0x0], $0xffff;
	v10 =	vadd.f32 v11, v10;
	v11 =	vmul.f32 v27, v28  }
0x326: {  	v38 =	vor.u32 $0x32, v7;
	v37 =	vld.idx.msk [tilespmem:v29+s31+$0x0], $0xffff  }
0x327: {  	v40 =	vld.idx.msk [tilespmem:v32+s31+$0x0], $0xffff;
	v10 =	vadd.f32 v11, v10;
	v11 =	vmul.f32 v30, v31  }
0x328: {  	v39 =	vld.idx.msk [tilespmem:v32+s0+$0x0], $0xffff;
	v41 =	vor.u32 $0x33, v7  }
0x329: {  	v43 =	vld.idx.msk [tilespmem:v35+s31+$0x0], $0xffff;
	v10 =	vadd.f32 v11, v10;
	v11 =	vmul.f32 v33, v34  }
0x32a: {  	v42 =	vld.idx.msk [tilespmem:v35+s0+$0x0], $0xffff;
	v44 =	vor.u32 $0x34, v7  }
0x32b: {  	v46 =	vld.idx.msk [tilespmem:v38+s31+$0x0], $0xffff;
	v10 =	vadd.f32 v11, v10;
	v11 =	vmul.f32 v36, v37  }
0x32c: {  	v45 =	vld.idx.msk [tilespmem:v38+s0+$0x0], $0xffff;
	v47 =	vor.u32 $0x35, v7  }
0x32d: {  	v48 =	vld.idx.msk [tilespmem:v41+s0+$0x0], $0xffff;
	v10 =	vadd.f32 v11, v10;
	v11 =	vmul.f32 v39, v40  }
0x32e: {  	v49 =	vld.idx.msk [tilespmem:v41+s31+$0x0], $0xffff;
	v50 =	vor.u32 $0x36, v7  }
0x32f: {  	v51 =	vld.idx.msk [tilespmem:v44+s0+$0x0], $0xffff;
	v10 =	vadd.f32 v11, v10;
	v11 =	vmul.f32 v42, v43  }
0x330: {  	v52 =	vld.idx.msk [tilespmem:v44+s31+$0x0], $0xffff;
	v53 =	vor.u32 $0x37, v7  }
0x331: {  	v54 =	vld.idx.msk [tilespmem:v47+s0+$0x0], $0xffff;
	v10 =	vadd.f32 v11, v10;
	v11 =	vmul.f32 v45, v46  }
0x332: {  	v55 =	vld.idx.msk [tilespmem:v47+s31+$0x0], $0xffff;
	v56 =	vor.u32 $0x38, v7  }
0x333: {  	v57 =	vld.idx.msk [tilespmem:v50+s0+$0x0], $0xffff;
	v10 =	vadd.f32 v11, v10;
	v11 =	vmul.f32 v48, v49  }
0x334: {  	v58 =	vld.idx.msk [tilespmem:v50+s31+$0x0], $0xffff;
	v59 =	vor.u32 $0x39, v7  }
0x335: {  	v60 =	vld.idx.msk [tilespmem:v53+s0+$0x0], $0xffff;
	v10 =	vadd.f32 v11, v10;
	v11 =	vmul.f32 v51, v52  }
0x336: {  	v61 =	vld.idx.msk [tilespmem:v53+s31+$0x0], $0xffff;
	v62 =	vor.u32 $0x3A, v7  }
0x337: {  	v63 =	vld.idx.msk [tilespmem:v56+s0+$0x0], $0xffff;
	v10 =	vadd.f32 v11, v10;
	v11 =	vmul.f32 v54, v55  }
0x338: {  	v24 =	vld.idx.msk [tilespmem:v56+s31+$0x0], $0xffff;
	v25 =	vor.u32 $0x3B, v7  }
0x339: {  	v26 =	vld.idx.msk [tilespmem:v59+s0+$0x0], $0xffff;
	v10 =	vadd.f32 v11, v10;
	v11 =	vmul.f32 v57, v58  }
0x33a: {  	v27 =	vld.idx.msk [tilespmem:v59+s31+$0x0], $0xffff;
	v28 =	vor.u32 $0x3C, v7  }
0x33b: {  	v29 =	vld.idx.msk [tilespmem:v62+s0+$0x0], $0xffff;
	v10 =	vadd.f32 v11, v10;
	v11 =	vmul.f32 v60, v61  }
0x33c: {  	v30 =	vld.idx.msk [tilespmem:v62+s31+$0x0], $0xffff;
	v31 =	vor.u32 $0x3D, v7  }
0x33d: {  	v32 =	vld.idx.msk [tilespmem:v25+s0+$0x0], $0xffff;
	v10 =	vadd.f32 v11, v10;
	v11 =	vmul.f32 v63, v24  }
0x33e: {  	v33 =	vld.idx.msk [tilespmem:v25+s31+$0x0], $0xffff;
	v34 =	vor.u32 $0x3E, v7  }
0x33f: {  	v35 =	vld.idx.msk [tilespmem:v28+s0+$0x0], $0xffff;
	v10 =	vadd.f32 v11, v10;
	v11 =	vmul.f32 v26, v27  }
0x340: {  	v36 =	vld.idx.msk [tilespmem:v28+s31+$0x0], $0xffff;
	v37 =	vor.u32 $0x3F, v7  }
0x341: {  	v38 =	vld.idx.msk [tilespmem:v31+s0+$0x0], $0xffff;
	v10 =	vadd.f32 v11, v10;
	v11 =	vmul.f32 v29, v30  }
0x342: {  	v39 =	vld.idx.msk [tilespmem:v31+s31+$0x0], $0xffff  }
0x343: {  	v40 =	vld.idx.msk [tilespmem:v34+s0+$0x0], $0xffff;
	v10 =	vadd.f32 v11, v10;
	v11 =	vmul.f32 v32, v33  }
0x344: {  	v41 =	vld.idx.msk [tilespmem:v34+s31+$0x0], $0xffff  }
0x345: {  	v42 =	vld.idx.msk [tilespmem:v37+s0+$0x0], $0xffff;
	v10 =	vadd.f32 v11, v10;
	v11 =	vmul.f32 v35, v36  }
0x346: {  	v43 =	vld.idx.msk [tilespmem:v37+s31+$0x0], $0xffff  }
0x347: {  	v44 =	vor.u32 $0x1, v9;
	v10 =	vadd.f32 v11, v10;
	v11 =	vmul.f32 v38, v39;
	_ =	sdelay $0x1  }
0x348: {  	v10 =	vadd.f32 v11, v10;
	v11 =	vmul.f32 v40, v41;
	_ =	sdelay $0x1  }
0x349: {  	v10 =	vadd.f32 v11, v10;
	v11 =	vmul.f32 v42, v43  }
0x34a: {  	v45 =	vld.idx.msk [tilespmem:v44+s25+$0x0], $0xffff  }
0x34b: {  	v10 =	vadd.f32 v11, v10;
	_ =	sdelay $0x1  }
0x34c: {  	v10 =	vmul.f32 $1.767766920e-01, v10;
	_ =	sdelay $0x1  }
0x34d: {  	v10 =	vmul.f32 v10, v45;
	_ =	sdelay $0x1  }
0x34e: {  	v10 =	vmul.f32 $1.442695020e+00, v10;
	_ =	sdelay $0x1  }
0x34f: {  	(erf) = vpow2.f32 v10;
	_ =	sdelay $0x5  }
0x350: {  	v11 =	vor.u32 $0x40, v7;
	_ =	sdelay $0x1  }
0x351: {  	v46 =	vor.u32 $0x41, v7  }
0x352: {  	v10 =	vpop (erf)  }
0x353: {  	v47 =	vor.u32 $0x42, v7;
	[tilespmem:v44+s25+$0x0] =	vst.idx.msk $0xffff, v10  }
0x354: {  	v48 =	vld.idx.msk [tilespmem:v11+s31+$0x0], $0xffff  }
0x355: {  	v49 =	vor.u32 $0x43, v7;
	v11 =	vld.idx.msk [tilespmem:v11+s0+$0x0], $0xffff  }
0x356: {  	v16 =	vld.idx.msk [tilespmem:v46+s0+$0x0], $0xffff  }
0x357: {  	v50 =	vor.u32 $0x44, v7;
	v12 =	vld.idx.msk [tilespmem:v46+s31+$0x0], $0xffff  }
0x358: {  	v51 =	vld.idx.msk [tilespmem:v47+s0+$0x0], $0xffff  }
0x359: {  	v52 =	vor.u32 $0x45, v7;
	v13 =	vld.idx.msk [tilespmem:v47+s31+$0x0], $0xffff  }
0x35a: {  	v53 =	vld.idx.msk [tilespmem:v49+s0+$0x0], $0xffff;
	v11 =	vmul.f32 v11, v48  }
0x35b: {  	v55 =	vor.u32 $0x46, v7;
	v54 =	vld.idx.msk [tilespmem:v49+s31+$0x0], $0xffff  }
0x35c: {  	v56 =	vld.idx.msk [tilespmem:v50+s0+$0x0], $0xffff;
	v12 =	vmul.f32 v16, v12;
	v11 =	vadd.f32 $0.0e+00, v11  }
0x35d: {  	v58 =	vor.u32 $0x47, v7;
	v57 =	vld.idx.msk [tilespmem:v50+s31+$0x0], $0xffff  }
0x35e: {  	v22 =	vld.idx.msk [tilespmem:v52+s0+$0x0], $0xffff;
	v59 =	vmul.f32 v51, v13;
	v11 =	vadd.f32 v12, v11  }
0x35f: {  	v61 =	vor.u32 $0x48, v7;
	v60 =	vld.idx.msk [tilespmem:v52+s31+$0x0], $0xffff  }
0x360: {  	v62 =	vld.idx.msk [tilespmem:v55+s0+$0x0], $0xffff;
	v63 =	vmul.f32 v53, v54;
	v11 =	vadd.f32 v59, v11  }
0x361: {  	v25 =	vor.u32 $0x49, v7;
	v24 =	vld.idx.msk [tilespmem:v55+s31+$0x0], $0xffff  }
0x362: {  	v26 =	vld.idx.msk [tilespmem:v58+s0+$0x0], $0xffff;
	v27 =	vmul.f32 v56, v57;
	v11 =	vadd.f32 v63, v11  }
0x363: {  	v29 =	vor.u32 $0x4A, v7;
	v28 =	vld.idx.msk [tilespmem:v58+s31+$0x0], $0xffff  }
0x364: {  	v30 =	vld.idx.msk [tilespmem:v61+s0+$0x0], $0xffff;
	v31 =	vmul.f32 v22, v60;
	v11 =	vadd.f32 v27, v11  }
0x365: {  	v33 =	vor.u32 $0x4B, v7;
	v32 =	vld.idx.msk [tilespmem:v61+s31+$0x0], $0xffff  }
0x366: {  	v34 =	vld.idx.msk [tilespmem:v25+s0+$0x0], $0xffff;
	v35 =	vmul.f32 v62, v24;
	v11 =	vadd.f32 v31, v11  }
0x367: {  	v37 =	vor.u32 $0x4C, v7;
	v36 =	vld.idx.msk [tilespmem:v25+s31+$0x0], $0xffff  }
0x368: {  	v38 =	vld.idx.msk [tilespmem:v29+s0+$0x0], $0xffff;
	v39 =	vmul.f32 v26, v28;
	v11 =	vadd.f32 v35, v11  }
0x369: {  	v41 =	vor.u32 $0x4D, v7;
	v40 =	vld.idx.msk [tilespmem:v29+s31+$0x0], $0xffff  }
0x36a: {  	v42 =	vld.idx.msk [tilespmem:v33+s0+$0x0], $0xffff;
	v43 =	vmul.f32 v30, v32;
	v11 =	vadd.f32 v39, v11  }
0x36b: {  	v45 =	vor.u32 $0x4E, v7;
	v44 =	vld.idx.msk [tilespmem:v33+s31+$0x0], $0xffff  }
0x36c: {  	v46 =	vld.idx.msk [tilespmem:v37+s0+$0x0], $0xffff;
	v47 =	vmul.f32 v34, v36;
	v11 =	vadd.f32 v43, v11  }
0x36d: {  	v49 =	vor.u32 $0x4F, v7;
	v48 =	vld.idx.msk [tilespmem:v37+s31+$0x0], $0xffff  }
0x36e: {  	v50 =	vld.idx.msk [tilespmem:v41+s0+$0x0], $0xffff;
	v51 =	vmul.f32 v38, v40;
	v11 =	vadd.f32 v47, v11  }
0x36f: {  	v52 =	vld.idx.msk [tilespmem:v41+s31+$0x0], $0xffff;
	v53 =	vor.u32 $0x50, v7  }
0x370: {  	v54 =	vld.idx.msk [tilespmem:v45+s0+$0x0], $0xffff;
	v55 =	vmul.f32 v42, v44;
	v11 =	vadd.f32 v51, v11  }
0x371: {  	v56 =	vld.idx.msk [tilespmem:v45+s31+$0x0], $0xffff;
	v57 =	vor.u32 $0x51, v7  }
0x372: {  	v58 =	vld.idx.msk [tilespmem:v49+s0+$0x0], $0xffff;
	v59 =	vmul.f32 v46, v48;
	v11 =	vadd.f32 v55, v11  }
0x373: {  	v61 =	vor.u32 $0x52, v7;
	v60 =	vld.idx.msk [tilespmem:v49+s31+$0x0], $0xffff  }
0x374: {  	v62 =	vld.idx.msk [tilespmem:v53+s0+$0x0], $0xffff;
	v63 =	vmul.f32 v50, v52;
	v11 =	vadd.f32 v59, v11  }
0x375: {  	v25 =	vor.u32 $0x53, v7;
	v24 =	vld.idx.msk [tilespmem:v53+s31+$0x0], $0xffff  }
0x376: {  	v26 =	vld.idx.msk [tilespmem:v57+s0+$0x0], $0xffff;
	v27 =	vmul.f32 v54, v56;
	v11 =	vadd.f32 v63, v11  }
0x377: {  	v29 =	vor.u32 $0x54, v7;
	v28 =	vld.idx.msk [tilespmem:v57+s31+$0x0], $0xffff  }
0x378: {  	v30 =	vld.idx.msk [tilespmem:v61+s0+$0x0], $0xffff;
	v31 =	vmul.f32 v58, v60;
	v11 =	vadd.f32 v27, v11  }
0x379: {  	v33 =	vor.u32 $0x55, v7;
	v32 =	vld.idx.msk [tilespmem:v61+s31+$0x0], $0xffff  }
0x37a: {  	v34 =	vld.idx.msk [tilespmem:v25+s0+$0x0], $0xffff;
	v35 =	vmul.f32 v62, v24;
	v11 =	vadd.f32 v31, v11  }
0x37b: {  	v36 =	vld.idx.msk [tilespmem:v25+s31+$0x0], $0xffff;
	v37 =	vor.u32 $0x56, v7  }
0x37c: {  	v38 =	vld.idx.msk [tilespmem:v29+s0+$0x0], $0xffff;
	v39 =	vmul.f32 v26, v28;
	v11 =	vadd.f32 v35, v11  }
0x37d: {  	v41 =	vor.u32 $0x57, v7;
	v40 =	vld.idx.msk [tilespmem:v29+s31+$0x0], $0xffff  }
0x37e: {  	v42 =	vld.idx.msk [tilespmem:v33+s0+$0x0], $0xffff;
	v43 =	vmul.f32 v30, v32;
	v11 =	vadd.f32 v39, v11  }
0x37f: {  	v44 =	vld.idx.msk [tilespmem:v33+s31+$0x0], $0xffff;
	v45 =	vor.u32 $0x58, v7  }
0x380: {  	v46 =	vld.idx.msk [tilespmem:v37+s0+$0x0], $0xffff;
	v47 =	vmul.f32 v34, v36;
	v11 =	vadd.f32 v43, v11  }
0x381: {  	v49 =	vor.u32 $0x59, v7;
	v48 =	vld.idx.msk [tilespmem:v37+s31+$0x0], $0xffff  }
0x382: {  	v50 =	vld.idx.msk [tilespmem:v41+s0+$0x0], $0xffff;
	v51 =	vmul.f32 v38, v40;
	v11 =	vadd.f32 v47, v11  }
0x383: {  	v53 =	vor.u32 $0x5A, v7;
	v52 =	vld.idx.msk [tilespmem:v41+s31+$0x0], $0xffff  }
0x384: {  	v54 =	vld.idx.msk [tilespmem:v45+s0+$0x0], $0xffff;
	v55 =	vmul.f32 v42, v44;
	v11 =	vadd.f32 v51, v11  }
0x385: {  	v57 =	vor.u32 $0x5B, v7;
	v56 =	vld.idx.msk [tilespmem:v45+s31+$0x0], $0xffff  }
0x386: {  	v58 =	vld.idx.msk [tilespmem:v49+s0+$0x0], $0xffff;
	v59 =	vmul.f32 v46, v48;
	v11 =	vadd.f32 v55, v11  }
0x387: {  	v61 =	vor.u32 $0x5C, v7;
	v60 =	vld.idx.msk [tilespmem:v49+s31+$0x0], $0xffff  }
0x388: {  	v62 =	vld.idx.msk [tilespmem:v53+s0+$0x0], $0xffff;
	v63 =	vmul.f32 v50, v52;
	v11 =	vadd.f32 v59, v11  }
0x389: {  	v25 =	vor.u32 $0x5D, v7;
	v24 =	vld.idx.msk [tilespmem:v53+s31+$0x0], $0xffff  }
0x38a: {  	v26 =	vld.idx.msk [tilespmem:v57+s0+$0x0], $0xffff;
	v27 =	vmul.f32 v54, v56;
	v11 =	vadd.f32 v63, v11  }
0x38b: {  	v29 =	vor.u32 $0x5E, v7;
	v28 =	vld.idx.msk [tilespmem:v57+s31+$0x0], $0xffff  }
0x38c: {  	v30 =	vld.idx.msk [tilespmem:v61+s0+$0x0], $0xffff;
	v31 =	vmul.f32 v58, v60;
	v11 =	vadd.f32 v27, v11  }
0x38d: {  	v33 =	vor.u32 $0x5F, v7;
	v32 =	vld.idx.msk [tilespmem:v61+s31+$0x0], $0xffff  }
0x38e: {  	v34 =	vld.idx.msk [tilespmem:v25+s0+$0x0], $0xffff;
	v35 =	vmul.f32 v62, v24;
	v11 =	vadd.f32 v31, v11  }
0x38f: {  	v36 =	vld.idx.msk [tilespmem:v25+s31+$0x0], $0xffff  }
0x390: {  	v37 =	vld.idx.msk [tilespmem:v29+s0+$0x0], $0xffff;
	v38 =	vmul.f32 v26, v28;
	v11 =	vadd.f32 v35, v11  }
0x391: {  	v39 =	vld.idx.msk [tilespmem:v29+s31+$0x0], $0xffff  }
0x392: {  	v40 =	vld.idx.msk [tilespmem:v33+s0+$0x0], $0xffff;
	v41 =	vmul.f32 v30, v32;
	v11 =	vadd.f32 v38, v11  }
0x393: {  	v42 =	vld.idx.msk [tilespmem:v33+s31+$0x0], $0xffff  }
0x394: {  	v44 =	vmul.f32 v34, v36;
	v43 =	vor.u32 $0x2, v9;
	v11 =	vadd.f32 v41, v11;
	_ =	sdelay $0x1  }
0x395: {  	v45 =	vmul.f32 v37, v39;
	v11 =	vadd.f32 v44, v11;
	_ =	sdelay $0x1  }
0x396: {  	v46 =	vmul.f32 v40, v42;
	v11 =	vadd.f32 v45, v11  }
0x397: {  	v47 =	vld.idx.msk [tilespmem:v43+s25+$0x0], $0xffff  }
0x398: {  	v11 =	vadd.f32 v46, v11;
	_ =	sdelay $0x1  }
0x399: {  	v11 =	vmul.f32 $1.767766920e-01, v11;
	_ =	sdelay $0x1  }
0x39a: {  	v11 =	vmul.f32 v11, v47;
	_ =	sdelay $0x1  }
0x39b: {  	v11 =	vmul.f32 $1.442695020e+00, v11;
	_ =	sdelay $0x1  }
0x39c: {  	(erf) = vpow2.f32 v11;
	_ =	sdelay $0x5  }
0x39d: {  	v48 =	vor.u32 $0x60, v7;
	_ =	sdelay $0x1  }
0x39e: {  	v49 =	vor.u32 $0x61, v7  }
0x39f: {  	v11 =	vpop (erf)  }
0x3a0: {  	v50 =	vor.u32 $0x62, v7;
	[tilespmem:v43+s25+$0x0] =	vst.idx.msk $0xffff, v11  }
0x3a1: {  	v51 =	vld.idx.msk [tilespmem:v48+s31+$0x0], $0xffff  }
0x3a2: {  	v52 =	vor.u32 $0x63, v7;
	v12 =	vld.idx.msk [tilespmem:v48+s0+$0x0], $0xffff  }
0x3a3: {  	v17 =	vld.idx.msk [tilespmem:v49+s0+$0x0], $0xffff  }
0x3a4: {  	v53 =	vor.u32 $0x64, v7;
	v13 =	vld.idx.msk [tilespmem:v49+s31+$0x0], $0xffff  }
0x3a5: {  	v54 =	vld.idx.msk [tilespmem:v50+s31+$0x0], $0xffff  }
0x3a6: {  	v55 =	vor.u32 $0x65, v7;
	v14 =	vld.idx.msk [tilespmem:v50+s0+$0x0], $0xffff  }
0x3a7: {  	v56 =	vld.idx.msk [tilespmem:v52+s31+$0x0], $0xffff;
	v12 =	vmul.f32 v12, v51  }
0x3a8: {  	v58 =	vor.u32 $0x66, v7;
	v57 =	vld.idx.msk [tilespmem:v52+s0+$0x0], $0xffff  }
0x3a9: {  	v59 =	vld.idx.msk [tilespmem:v53+s31+$0x0], $0xffff;
	v13 =	vmul.f32 v17, v13;
	v12 =	vadd.f32 $0.0e+00, v12  }
0x3aa: {  	v61 =	vor.u32 $0x67, v7;
	v60 =	vld.idx.msk [tilespmem:v53+s0+$0x0], $0xffff  }
0x3ab: {  	v23 =	vld.idx.msk [tilespmem:v55+s31+$0x0], $0xffff;
	v14 =	vmul.f32 v14, v54;
	v12 =	vadd.f32 v13, v12  }
0x3ac: {  	v63 =	vor.u32 $0x68, v7;
	v62 =	vld.idx.msk [tilespmem:v55+s0+$0x0], $0xffff  }
0x3ad: {  	v24 =	vld.idx.msk [tilespmem:v58+s31+$0x0], $0xffff;
	v15 =	vmul.f32 v57, v56;
	v12 =	vadd.f32 v14, v12  }
0x3ae: {  	v26 =	vor.u32 $0x69, v7;
	v25 =	vld.idx.msk [tilespmem:v58+s0+$0x0], $0xffff  }
0x3af: {  	v27 =	vld.idx.msk [tilespmem:v61+s31+$0x0], $0xffff;
	v17 =	vmul.f32 v60, v59;
	v12 =	vadd.f32 v15, v12  }
0x3b0: {  	v29 =	vor.u32 $0x6A, v7;
	v28 =	vld.idx.msk [tilespmem:v61+s0+$0x0], $0xffff  }
0x3b1: {  	v30 =	vld.idx.msk [tilespmem:v63+s31+$0x0], $0xffff;
	v13 =	vmul.f32 v62, v23;
	v12 =	vadd.f32 v17, v12  }
0x3b2: {  	v32 =	vor.u32 $0x6B, v7;
	v31 =	vld.idx.msk [tilespmem:v63+s0+$0x0], $0xffff  }
0x3b3: {  	v33 =	vld.idx.msk [tilespmem:v26+s31+$0x0], $0xffff;
	v14 =	vmul.f32 v25, v24;
	v12 =	vadd.f32 v13, v12  }
0x3b4: {  	v35 =	vor.u32 $0x6C, v7;
	v34 =	vld.idx.msk [tilespmem:v26+s0+$0x0], $0xffff  }
0x3b5: {  	v36 =	vld.idx.msk [tilespmem:v29+s31+$0x0], $0xffff;
	v15 =	vmul.f32 v28, v27;
	v12 =	vadd.f32 v14, v12  }
0x3b6: {  	v38 =	vor.u32 $0x6D, v7;
	v37 =	vld.idx.msk [tilespmem:v29+s0+$0x0], $0xffff  }
0x3b7: {  	v39 =	vld.idx.msk [tilespmem:v32+s31+$0x0], $0xffff;
	v17 =	vmul.f32 v31, v30;
	v12 =	vadd.f32 v15, v12  }
0x3b8: {  	v41 =	vor.u32 $0x6E, v7;
	v40 =	vld.idx.msk [tilespmem:v32+s0+$0x0], $0xffff  }
0x3b9: {  	v42 =	vld.idx.msk [tilespmem:v35+s31+$0x0], $0xffff;
	v13 =	vmul.f32 v34, v33;
	v12 =	vadd.f32 v17, v12  }
0x3ba: {  	v43 =	vor.u32 $0x6F, v7;
	v16 =	vld.idx.msk [tilespmem:v35+s0+$0x0], $0xffff  }
0x3bb: {  	v44 =	vld.idx.msk [tilespmem:v38+s31+$0x0], $0xffff;
	v14 =	vmul.f32 v37, v36;
	v12 =	vadd.f32 v13, v12  }
0x3bc: {  	v46 =	vor.u32 $0x70, v7;
	v45 =	vld.idx.msk [tilespmem:v38+s0+$0x0], $0xffff  }
0x3bd: {  	v47 =	vld.idx.msk [tilespmem:v41+s31+$0x0], $0xffff;
	v15 =	vmul.f32 v40, v39;
	v12 =	vadd.f32 v14, v12  }
0x3be: {  	v48 =	vld.idx.msk [tilespmem:v41+s0+$0x0], $0xffff;
	v49 =	vor.u32 $0x71, v7  }
0x3bf: {  	v50 =	vld.idx.msk [tilespmem:v43+s31+$0x0], $0xffff;
	v16 =	vmul.f32 v16, v42;
	v12 =	vadd.f32 v15, v12  }
0x3c0: {  	v52 =	vor.u32 $0x72, v7;
	v51 =	vld.idx.msk [tilespmem:v43+s0+$0x0], $0xffff  }
0x3c1: {  	v53 =	vld.idx.msk [tilespmem:v46+s31+$0x0], $0xffff;
	v13 =	vmul.f32 v45, v44;
	v12 =	vadd.f32 v16, v12  }
0x3c2: {  	v55 =	vor.u32 $0x73, v7;
	v54 =	vld.idx.msk [tilespmem:v46+s0+$0x0], $0xffff  }
0x3c3: {  	v56 =	vld.idx.msk [tilespmem:v49+s31+$0x0], $0xffff;
	v14 =	vmul.f32 v48, v47;
	v12 =	vadd.f32 v13, v12  }
0x3c4: {  	v58 =	vor.u32 $0x74, v7;
	v57 =	vld.idx.msk [tilespmem:v49+s0+$0x0], $0xffff  }
0x3c5: {  	v59 =	vld.idx.msk [tilespmem:v52+s31+$0x0], $0xffff;
	v15 =	vmul.f32 v51, v50;
	v12 =	vadd.f32 v14, v12  }
0x3c6: {  	v61 =	vor.u32 $0x75, v7;
	v60 =	vld.idx.msk [tilespmem:v52+s0+$0x0], $0xffff  }
0x3c7: {  	v63 =	vld.idx.msk [tilespmem:v55+s0+$0x0], $0xffff;
	v16 =	vmul.f32 v54, v53;
	v12 =	vadd.f32 v15, v12  }
0x3c8: {  	v62 =	vld.idx.msk [tilespmem:v55+s31+$0x0], $0xffff;
	v24 =	vor.u32 $0x76, v7  }
0x3c9: {  	v26 =	vld.idx.msk [tilespmem:v58+s0+$0x0], $0xffff;
	v13 =	vmul.f32 v57, v56;
	v12 =	vadd.f32 v16, v12  }
0x3ca: {  	v25 =	vld.idx.msk [tilespmem:v58+s31+$0x0], $0xffff;
	v27 =	vor.u32 $0x77, v7  }
0x3cb: {  	v29 =	vld.idx.msk [tilespmem:v61+s0+$0x0], $0xffff;
	v14 =	vmul.f32 v60, v59;
	v12 =	vadd.f32 v13, v12  }
0x3cc: {  	v28 =	vld.idx.msk [tilespmem:v61+s31+$0x0], $0xffff;
	v30 =	vor.u32 $0x78, v7  }
0x3cd: {  	v31 =	vld.idx.msk [tilespmem:v24+s31+$0x0], $0xffff;
	v15 =	vmul.f32 v63, v62;
	v12 =	vadd.f32 v14, v12  }
0x3ce: {  	v32 =	vld.idx.msk [tilespmem:v24+s0+$0x0], $0xffff;
	v33 =	vor.u32 $0x79, v7  }
0x3cf: {  	v34 =	vld.idx.msk [tilespmem:v27+s31+$0x0], $0xffff;
	v16 =	vmul.f32 v26, v25;
	v12 =	vadd.f32 v15, v12  }
0x3d0: {  	v35 =	vld.idx.msk [tilespmem:v27+s0+$0x0], $0xffff;
	v36 =	vor.u32 $0x7A, v7  }
0x3d1: {  	v37 =	vld.idx.msk [tilespmem:v30+s31+$0x0], $0xffff;
	v13 =	vmul.f32 v29, v28;
	v12 =	vadd.f32 v16, v12  }
0x3d2: {  	v38 =	vld.idx.msk [tilespmem:v30+s0+$0x0], $0xffff;
	v39 =	vor.u32 $0x7B, v7  }
0x3d3: {  	v40 =	vld.idx.msk [tilespmem:v33+s31+$0x0], $0xffff;
	v14 =	vmul.f32 v32, v31;
	v12 =	vadd.f32 v13, v12  }
0x3d4: {  	v42 =	vor.u32 $0x7C, v7;
	v41 =	vld.idx.msk [tilespmem:v33+s0+$0x0], $0xffff  }
0x3d5: {  	v43 =	vld.idx.msk [tilespmem:v36+s31+$0x0], $0xffff;
	v15 =	vmul.f32 v35, v34;
	v12 =	vadd.f32 v14, v12  }
0x3d6: {  	v44 =	vld.idx.msk [tilespmem:v36+s0+$0x0], $0xffff;
	v45 =	vor.u32 $0x7D, v7  }
0x3d7: {  	v46 =	vld.idx.msk [tilespmem:v39+s31+$0x0], $0xffff;
	v16 =	vmul.f32 v38, v37;
	v12 =	vadd.f32 v15, v12  }
0x3d8: {  	v47 =	vld.idx.msk [tilespmem:v39+s0+$0x0], $0xffff;
	v48 =	vor.u32 $0x7E, v7  }
0x3d9: {  	v49 =	vld.idx.msk [tilespmem:v42+s31+$0x0], $0xffff;
	v13 =	vmul.f32 v41, v40;
	v12 =	vadd.f32 v16, v12  }
0x3da: {  	v7 =	vor.u32 $0x7F, v7;
	v50 =	vld.idx.msk [tilespmem:v42+s0+$0x0], $0xffff  }
0x3db: {  	v51 =	vld.idx.msk [tilespmem:v45+s31+$0x0], $0xffff;
	v14 =	vmul.f32 v44, v43;
	v12 =	vadd.f32 v13, v12  }
0x3dc: {  	v52 =	vld.idx.msk [tilespmem:v45+s0+$0x0], $0xffff  }
0x3dd: {  	v53 =	vld.idx.msk [tilespmem:v48+s31+$0x0], $0xffff;
	v15 =	vmul.f32 v47, v46;
	v12 =	vadd.f32 v14, v12  }
0x3de: {  	v54 =	vld.idx.msk [tilespmem:v48+s0+$0x0], $0xffff  }
0x3df: {  	v55 =	vld.idx.msk [tilespmem:v7+s31+$0x0], $0xffff;
	v16 =	vmul.f32 v50, v49;
	v12 =	vadd.f32 v15, v12  }
0x3e0: {  	v7 =	vld.idx.msk [tilespmem:v7+s0+$0x0], $0xffff  }
0x3e1: {  	v9 =	vor.u32 $0x3, v9;
	v13 =	vmul.f32 v52, v51;
	v12 =	vadd.f32 v16, v12;
	_ =	sdelay $0x1  }
0x3e2: {  	v14 =	vmul.f32 v54, v53;
	v12 =	vadd.f32 v13, v12;
	_ =	sdelay $0x1  }
0x3e3: {  	v7 =	vmul.f32 v7, v55;
	v12 =	vadd.f32 v14, v12  }
0x3e4: {  	v56 =	vld.idx.msk [tilespmem:v9+s25+$0x0], $0xffff  }
0x3e5: {  	v7 =	vadd.f32 v7, v12;
	_ =	sdelay $0x1  }
0x3e6: {  	v7 =	vmul.f32 $1.767766920e-01, v7;
	_ =	sdelay $0x1  }
0x3e7: {  	v7 =	vmul.f32 v7, v56;
	_ =	sdelay $0x1  }
0x3e8: {  	v7 =	vmul.f32 $1.442695020e+00, v7;
	_ =	sdelay $0x1  }
0x3e9: {  	(erf) = vpow2.f32 v7;
	_ =	sdelay $0x4  }
0x3ea: {  	s10 =	simm.s32 $0x0  }
0x3eb: {  	v7 =	vmov s10  }
0x3ec: {  	v7 =	vand.u32 $0xFFFFFFFC, v7  }
0x3ed: {  	v7 =	vbroadcast v7, $0x0  }
0x3ee: {  	v57 =	vpop (erf)  }
0x3ef: {  	s10 =	simm.s32 $0x3;
	[tilespmem:v9+s25+$0x0] =	vst.idx.msk $0xffff, v57  }
0x3f0: {  	_ =	swait.ge [sflag:s10], $0x2800  }
0x3f1: {  	[sflag:s10] =	ssyncset.done $0x0  }
0x3f2: {  	[sflag:s10] =	ssyncadd.s32 $0xFFFFD800  }
0x3f3: {  	s14 =	simm.s32 $0x5140;
	v7 =	vld.idx.msk [tilespmem:v7+s25+$0x0], $0xffff  }
0x3f4: {  	s11 =	simm.s32 $0x1;
	v9 =	vld [tilespmem:s14+$0xFFFFFFC0]  }
0x3f5: {  	v59 =	vmov s11;
	v58 =	vld [tilespmem:s14+$0xFFFFFFD0]  }
0x3f6: {  	v14 =	vand.u32 $0xFFFFFFFD, v59  }
0x3f7: {  	v14 =	vbroadcast v14, $0x0;
	_ =	sdelay $0x1  }
0x3f8: {  	v9 =	vmul.f32 v9, v7  }
0x3f9: {  	v7 =	vmul.f32 v58, v7  }
0x3fa: {  	[tilespmem:s14+$0xFFFFFFC0] =	vst v9  }
0x3fb: {  	[tilespmem:s14+$0xFFFFFFD0] =	vst v7;
	v9 =	vld [tilespmem:s14+$0xFFFFFFE0]  }
0x3fc: {  	s19 =	simm.s32 $0x2;
	v7 =	vld.idx.msk [tilespmem:v14+s25+$0x0], $0xffff  }
0x3fd: {  	v61 =	vmov s19;
	v60 =	vld [tilespmem:s14+$0xFFFFFFF0]  }
0x3fe: {  	v14 =	vand.u32 $0xFFFFFFFE, v61  }
0x3ff: {  	v14 =	vbroadcast v14, $0x0;
	_ =	sdelay $0x1  }
0x400: {  	v9 =	vmul.f32 v9, v7  }
0x401: {  	v7 =	vmul.f32 v60, v7  }
0x402: {  	[tilespmem:s14+$0xFFFFFFE0] =	vst v9  }
0x403: {  	[tilespmem:s14+$0xFFFFFFF0] =	vst v7;
	v7 =	vld [tilespmem:s14+$0x10]  }
0x404: {  	v9 =	vld.idx.msk [tilespmem:v14+s25+$0x0], $0xffff  }
0x405: {  	v62 =	vld [tilespmem:s14+$0x0];
	_ =	sdelay $0x2  }
0x406: {  	v63 =	vmov s10  }
0x407: {  	v7 =	vmul.f32 v7, v9  }
0x408: {  	v9 =	vmul.f32 v62, v9  }
0x409: {  	v2 =	vadd.f32 v6, v2;
	v6 =	vld [tilespmem:s14+$0x30];
	[tilespmem:s14+$0x10] =	vst v7  }
0x40a: {  	v3 =	vadd.f32 v8, v3;
	v8 =	vld [tilespmem:s14+$0x20];
	[tilespmem:s14+$0x0] =	vst v9  }
0x40b: {  	s19 =	simm.s32 $0x4;
	v7 =	vld.idx.msk [tilespmem:v63+s25+$0x0], $0xffff  }
0x40c: {  	v5 =	vadd.f32 v10, v5;
	v9 =	vmov s19  }
0x40d: {  	v4 =	vadd.f32 v11, v4;
	v2 =	vadd.f32 v57, v2;
	s10 =	simm.s32 $0xB;
	s19 =	simm.s32 $0x7;
	v9 =	vand.u32 $0xFFFFFFFC, v9  }
.LBB2_5:
0x40e: {  	p3 =	sne.s32 s10, $0x13F;
	v9 =	vbroadcast v9, $0x0;
	_ =	sdelay $0x1  }
0x40f: {  	v6 =	vmul.f32 v6, v7;
	v8 =	vmul.f32 v8, v7;
	_ =	sdelay $0x1  }
0x410: {  	[tilespmem:s14+$0x20] =	vst v8  }
0x411: {  	[tilespmem:s14+$0x30] =	vst v6  }
0x412: {  	s14 =	sadd.s32 $0x80, s14;
	v6 =	vld.idx.msk [tilespmem:v9+s25+$0x0], $0xffff  }
0x413: {  	s11 =	sadd.s32 $0xFFFFFFFE, s19;
	v7 =	vld [tilespmem:s14+$0xFFFFFFC0]  }
0x414: {  	v9 =	vmov s11;
	v8 =	vld [tilespmem:s14+$0xFFFFFFD0]  }
0x415: {  	v9 =	vand.u32 $0xFFFFFFFD, v9  }
0x416: {  	v9 =	vbroadcast v9, $0x0;
	_ =	sdelay $0x1  }
0x417: {  	v7 =	vmul.f32 v7, v6  }
0x418: {  	v6 =	vmul.f32 v8, v6  }
0x419: {  	[tilespmem:s14+$0xFFFFFFC0] =	vst v7  }
0x41a: {  	[tilespmem:s14+$0xFFFFFFD0] =	vst v6  }
0x41b: {  	v6 =	vld.idx.msk [tilespmem:v9+s25+$0x0], $0xffff  }
0x41c: {  	s11 =	sadd.s32 $0xFFFFFFFF, s19;
	v7 =	vld [tilespmem:s14+$0xFFFFFFE0]  }
0x41d: {  	v9 =	vmov s11;
	v8 =	vld [tilespmem:s14+$0xFFFFFFF0]  }
0x41e: {  	v9 =	vand.u32 $0xFFFFFFFE, v9  }
0x41f: {  	v9 =	vbroadcast v9, $0x0;
	_ =	sdelay $0x1  }
0x420: {  	v7 =	vmul.f32 v7, v6  }
0x421: {  	v6 =	vmul.f32 v8, v6  }
0x422: {  	[tilespmem:s14+$0xFFFFFFE0] =	vst v7  }
0x423: {  	[tilespmem:s14+$0xFFFFFFF0] =	vst v6;
	v6 =	vld [tilespmem:s14+$0x10]  }
0x424: {  	v7 =	vld.idx.msk [tilespmem:v9+s25+$0x0], $0xffff  }
0x425: {  	v8 =	vld [tilespmem:s14+$0x0];
	_ =	sdelay $0x3  }
0x426: {  	v9 =	vmov s19;
	s19 =	smov.u32 s10  }
0x427: {  	v6 =	vmul.f32 v6, v7;
	v8 =	vmul.f32 v8, v7;
	_ =	sdelay $0x1  }
0x428: {  	[tilespmem:s14+$0x10] =	vst v6  }
.Ltmp3:
0x429: {  	[tilespmem:s14+$0x0] =	vst v8;
	v6 =	vld [tilespmem:s14+$0x30];
	(pc) =	sbr.rel @p3 .LBB2_5-.Ltmp3, $4  }
0x42a: {  	v7 =	vld.idx.msk [tilespmem:v9+s25+$0x0], $0xffff  }
0x42b: {  	s11 =	sadd.s32 $0xFFFFFFFD, s10;
	v8 =	vld [tilespmem:s14+$0x20]  }
0x42c: {  	v9 =	vmov s11  }
0x42d: {  	s10 =	sadd.s32 $0x4, s10;
	v9 =	vand.u32 $0xFFFFFFFC, v9  }
0x42e: {  	v9 =	vbroadcast v9, $0x0;
	_ =	sdelay $0x1  }
0x42f: {  	v6 =	vmul.f32 v6, v7  }
0x430: {  	v8 =	vmul.f32 v8, v7  }
0x431: {  	s10 =	sadd.s32 $0x80, s14;
	[tilespmem:s14+$0x30] =	vst v6  }
0x432: {  	v7 =	vld [tilespmem:s10+$0xFFFFFFC0];
	[tilespmem:s14+$0x20] =	vst v8  }
0x433: {  	s11 =	sadd.s32 $0xFFFFFFFE, s19;
	v6 =	vld.idx.msk [tilespmem:v9+s25+$0x0], $0xffff  }
0x434: {  	v57 =	vld [tilespmem:s10+$0xFFFFFFD0];
	v58 =	vmov s11  }
0x435: {  	v9 =	vand.u32 $0xFFFFFFFD, v58  }
0x436: {  	v9 =	vbroadcast v9, $0x0;
	_ =	sdelay $0x1  }
0x437: {  	v7 =	vmul.f32 v7, v6  }
0x438: {  	v6 =	vmul.f32 v57, v6  }
0x439: {  	[tilespmem:s10+$0xFFFFFFC0] =	vst v7  }
0x43a: {  	[tilespmem:s10+$0xFFFFFFD0] =	vst v6;
	v7 =	vld [tilespmem:s10+$0xFFFFFFE0]  }
0x43b: {  	s14 =	sadd.s32 $0xFFFFFFFF, s19;
	v6 =	vld.idx.msk [tilespmem:v9+s25+$0x0], $0xffff  }
0x43c: {  	v59 =	vld [tilespmem:s10+$0xFFFFFFF0];
	v60 =	vmov s14  }
0x43d: {  	v9 =	vand.u32 $0xFFFFFFFE, v60  }
0x43e: {  	v9 =	vbroadcast v9, $0x0;
	_ =	sdelay $0x1  }
0x43f: {  	v7 =	vmul.f32 v7, v6  }
0x440: {  	v6 =	vmul.f32 v59, v6  }
0x441: {  	[tilespmem:s10+$0xFFFFFFE0] =	vst v7  }
0x442: {  	[tilespmem:s10+$0xFFFFFFF0] =	vst v6;
	v6 =	vld [tilespmem:s10+$0x10]  }
0x443: {  	v7 =	vld.idx.msk [tilespmem:v9+s25+$0x0], $0xffff  }
0x444: {  	v61 =	vld [tilespmem:s10+$0x0];
	_ =	sdelay $0x2  }
0x445: {  	v62 =	vmov s19  }
0x446: {  	v6 =	vmul.f32 v6, v7  }
0x447: {  	v7 =	vmul.f32 v61, v7  }
0x448: {  	[tilespmem:s10+$0x10] =	vst v6  }
0x449: {  	[tilespmem:s10+$0x0] =	vst v7;
	v7 =	vld [tilespmem:s10+$0x20]  }
0x44a: {  	v6 =	vld.idx.msk [tilespmem:v62+s25+$0x0], $0xffff  }
0x44b: {  	v63 =	vld [tilespmem:s10+$0x30];
	_ =	sdelay $0x3  }
0x44c: {  	v7 =	vmul.f32 v7, v6  }
0x44d: {  	s18 =	sadd.s32 $0x1, s18;
	v6 =	vmul.f32 v63, v6  }
0x44e: {  	p3 =	sne.s32 s18, $0x7D;
	[tilespmem:s10+$0x20] =	vst v7  }
.Ltmp4:
0x44f: {  	[tilespmem:s10+$0x30] =	vst v6;
	(pc) =	sbr.rel @p3 .LBB2_2-.Ltmp4, $4  }
0x450: {  	[spmem:s3] =	stream.indirect.scatter.add.f32 [tilespmem:s2], [sflag:$0x4], $0x80, s24, s30, $0xb8;
	[tilespmem:$0x1B300] =	vst v63  }
0x451: {  	_ =	swait.ge [sflag:s22], $0x2800  }
0x452: {  	[sflag:s22] =	ssyncset.done $0x0  }
0x453: {  	[sflag:s22] =	ssyncadd.s32 $0xFFFFD800  }
0x454: {  	[tilespmem:$0x100] =	vst v3  }
0x455: {  	[tilespmem:$0x110] =	vst v1  }
0x456: {  	[tilespmem:$0x120] =	vst v5  }
0x457: {  	[tilespmem:$0x130] =	vst v1  }
0x458: {  	[tilespmem:$0x140] =	vst v4  }
0x459: {  	[tilespmem:$0x150] =	vst v1  }
0x45a: {  	[tilespmem:$0x160] =	vst v2  }
0x45b: {  	[tilespmem:$0x170] =	vst v1;
	s10 =	simm.s32 $0x0  }
0x45c: {  	[hbm4b:s17+s10] =	stream.linear.scatter [tilespmem:s31], [sflag:$0x4], $0x80, $0x38;
	[tilespmem:$0x1B300] =	vst v63  }
.Ltmp5:
0x45d: {  	_ =	swait.ge [sflag:s22], $0x80;
	(pc) =	sbr.rel @!p0 .LBB2_8-.Ltmp5, $3  }
0x45e: {  	[sflag:s22] =	ssyncset.done $0x0  }
0x45f: {  	[sflag:s22] =	ssyncadd.s32 $0xFFFFFF80  }
0x460: {  	[bflag:$0x0] =	sbarrier.arrive $0xFFFF;
	_ =	sdelay $0x1  }
0x461: {  	s10 =	rddreg [dreg:$0x8]  }
0x462: {  	[hbm:s10], [sflag:s13] =	dma.local [spmem:s21], $0x2700  }
.Ltmp6:
0x463: {  	_ = 	snop;
	(pc) =	sbr.rel @p1 .LBB2_11-.Ltmp6, $4  }
.Ltmp7:
0x464: {  	_ = 	snop;
	(pc) =	sbr.rel @!p1 .LBB2_10-.Ltmp7, $4  }
0x465: {  	_ =	swait.ge [sflag:s22], $0x2700  }
0x466: {  	[sflag:s22] =	ssyncset.done $0x0  }
0x467: {  	s10 =	rddreg [dreg:$0x5];
	[sflag:s22] =	ssyncadd.s32 $0xFFFFD900  }
0x468: {  	_ = 	snop  }
.LBB2_8:
0x469: {  	s10 =	rddreg [dreg:$0x7]  }
0x46a: {  	[hbm:s10], [sflag:s13] =	dma.local [spmem:s21], $0x2700  }
.Ltmp8:
0x46b: {  	_ = 	snop;
	(pc) =	sbr.rel @p2 .LBB2_10-.Ltmp8, $4  }
.Ltmp9:
0x46c: {  	_ = 	snop;
	(pc) =	sbr.rel @!p2 .LBB2_11-.Ltmp9, $4  }
0x46d: {  	_ =	swait.ge [sflag:s22], $0x2700  }
0x46e: {  	[sflag:s22] =	ssyncset.done $0x0  }
0x46f: {  	s10 =	rddreg [dreg:$0x4];
	[sflag:s22] =	ssyncadd.s32 $0xFFFFD900  }
0x470: {  	_ = 	snop  }
.LBB2_12:
0x471: {  	_ =	sfence.sel $0x180000  }
0x472: {  	[bflag:$0x0] =	sbarrier.arrive $0xFFFF  }
0x473: {  	_ =	strace $0x90000047  }
0x474: {  	s0 =	stileid.u32;
	[bflag:$0x2] =	sbarrier.arrive $0xFFFF  }
0x475: {  	p0 =	sne.s32 s0, $0x0;
	s0 =	rddreg [dreg:$0x3]  }
0x476: {  	s0 =	sadd.s32 @!p0 $0x100000, s0  }
0x477: {  	[sflag:s0] =	ssyncadd.tile.s32 @!p0 $0x1;
	_ =	shalt  }
.Lfunc_end2:
_tile_overlayer_lowered:
.L_overlay_start_2:
0x478: {  	(tag) =	ssettag $0x2  }
0x479: {  	s0 =	rddreg [dreg:$0x0];
	s2 =	stileid.u32  }
0x47a: {  	s1 =	rddreg [dreg:$0x1];
	p0 =	sne.s32 s2, $0x0  }
0x47b: {  	s3 =	rddreg [dreg:$0x2];
	[bflag:$0x3] =	sbarrier.arrive $0xFFFF;
	s2 =	simm.s32 @!p0 $0x1C04  }
0x47c: {  	[timem:s3], [sflag:s2] =	dma.local @!p0 [hbm:s0], s1  }
0x47d: {  	s0 =	simm.s32 @!p0 $0x4  }
0x47e: {  	_ =	swait.ge @!p0 [sflag:s0], s1  }
0x47f: {  	s1 =	ssub.s32 @!p0 $0x0, s1;
	[sflag:s0] =	ssyncset.done @!p0 $0x0  }
0x480: {  	[sflag:s0] =	ssyncadd.s32 @!p0 s1  }
0x481: {  	[bflag:$0x3] =	sbarrier.arrive $0xFFFF  }
0x482: {  	_ =	shalt  }

</sc_bundles>
